<compile_context>
chip_gen: v7x
topology: tpu7x:2x2x1
jax: 0.10.2.dev20260603
libtpu: 0.0.44.dev20260713+nightly
codegen_flags: <defaults>
</compile_context>

<pallas_src>
import jax
import jax.numpy as jnp
from jax import lax
from jax.experimental import pallas as pl
from jax.experimental.pallas import tpu as pltpu
from jax.experimental.pallas import tpu_sc as plsc

_B = 16384
_F1 = 26
_F2 = 100
_V1 = 1000000
_V2 = 100001
_V2PAD = 100096

_NC = 2
_NS = 16
_L = 16
_NW = _NC * _NS
_SPW = _B // _NW
_SUB = 128
_NSUB = _SPW // _SUB
_JB = _SUB // _L


def _sc_body(x1t_hbm, x2t_hbm, w1t_hbm, w2t_hbm, bias_hbm, out_hbm,
             w2_v, x1ts_a, x1ts_b, x2ts_v, g1_a, g1_b, outs_v, bias_v,
             idx_v, sem_a, sem_b, sem2, sem3):
    w1_hbm = w1t_hbm.at[0]
    w2_hbm = w2t_hbm.at[0]
    cid = lax.axis_index("c")
    sid = lax.axis_index("s")
    wid = sid * _NC + cid
    base = wid * _SPW

    iota = lax.iota(jnp.int32, _L)
    zeros = iota * 0

    idx_v[pl.ds(0, _L)] = zeros
    idx_v[pl.ds(_L, _L)] = zeros + (_V2 - 1)
    cp_pref = pltpu.async_copy(
        w2_hbm.at[pl.ds(0, _V2 - 1)], w2_v.at[pl.ds(0, _V2 - 1)], sem2)
    cp_tail = pltpu.async_copy(
        w2_hbm.at[idx_v.at[pl.ds(_L, _L)]],
        w2_v.at[pl.ds(_V2 - 1, _L)], sem2)
    cp_bias = pltpu.async_copy(
        bias_hbm.at[idx_v.at[pl.ds(0, _L)]], bias_v, sem2)

    ones = jnp.ones((_L,), jnp.int32)
    bufs = [(x1ts_a, g1_a, sem_a), (x1ts_b, g1_b, sem_b)]

    def stage_fire(c):
        x1ts, g1, sem = bufs[c % 2]
        row0 = base + c * _SUB
        pltpu.sync_copy(x1t_hbm.at[:, pl.ds(row0, _SUB)], x1ts)

        def fire(f, carry):
            pltpu.async_copy(w1_hbm.at[x1ts.at[f]],
                             g1.at[pl.ds(f * _SUB, _SUB)], sem)
            return carry
        lax.fori_loop(0, _F1, fire, 0)

    def stage_x2(c):
        row0 = base + c * _SUB
        return pltpu.async_copy(
            x2t_hbm.at[:, pl.ds(row0, _SUB)], x2ts_v, sem3)

    cp_x2 = stage_x2(0)
    stage_fire(0)
    for c in range(_NSUB):
        if c == 0:
            cp_pref.wait()
            cp_tail.wait()
            cp_bias.wait()
        cp_x2.wait()

        def f2_loop(f, accs):
            new = []
            for j in range(_JB):
                inds = x2ts_v[f, pl.ds(_L * j, _L)]
                vals = plsc.load_gather(w2_v, [inds])
                new.append(accs[j] + vals)
            return tuple(new)
        zacc = tuple(jnp.zeros((_L,), jnp.float32) for _ in range(_JB))
        accs = lax.fori_loop(0, _F2, f2_loop, zacc, unroll=2)

        if c + 1 < _NSUB:
            cp_x2 = stage_x2(c + 1)
            stage_fire(c + 1)

        x1ts, g1, sem = bufs[c % 2]

        def drain(f, carry):
            pltpu.make_async_copy(
                w1_hbm.at[x1ts.at[f]],
                g1.at[pl.ds(f * _SUB, _SUB)], sem).wait()
            return carry
        lax.fori_loop(0, _F1, drain, 0)

        def f1_loop(f, accs_in):
            new = []
            for j in range(_JB):
                new.append(accs_in[j] + g1[pl.ds(f * _SUB + _L * j, _L)])
            return tuple(new)
        accs = lax.fori_loop(0, _F1, f1_loop, accs)

        bias = bias_v[...]
        for j in range(_JB):
            s = accs[j] + bias
            outs_v[pl.ds(c * _SUB + _L * j, _L)] = 1.0 / (1.0 + jnp.exp(-s))

    pltpu.sync_copy(outs_v, out_hbm.at[pl.ds(base, _SPW)])


@jax.jit
def _run(x1t, x2t, w1t, w2t, bias1):
    mesh = plsc.VectorSubcoreMesh(
        core_axis_name="c", subcore_axis_name="s",
        num_cores=_NC, num_subcores=_NS)
    f = pl.kernel(
        _sc_body,
        out_type=jax.ShapeDtypeStruct((_B,), jnp.float32),
        mesh=mesh,
        scratch_types=[
            pltpu.VMEM((_V2PAD,), jnp.float32),
            pltpu.VMEM((_F1, _SUB), jnp.int32),
            pltpu.VMEM((_F1, _SUB), jnp.int32),
            pltpu.VMEM((_F2, _SUB), jnp.int32),
            pltpu.VMEM((_F1 * _SUB,), jnp.float32),
            pltpu.VMEM((_F1 * _SUB,), jnp.float32),
            pltpu.VMEM((_SPW,), jnp.float32),
            pltpu.VMEM((_L,), jnp.float32),
            pltpu.VMEM((2 * _L,), jnp.int32),
            pltpu.SemaphoreType.DMA,
            pltpu.SemaphoreType.DMA,
            pltpu.SemaphoreType.DMA,
            pltpu.SemaphoreType.DMA,
        ],
        compiler_params=pltpu.CompilerParams(needs_layout_passes=False),
    )
    return f(x1t, x2t, w1t, w2t, bias1)


def kernel(x1, x2, W1, W2, bias1):
    return _run(x1.T, x2.T, W1.T, W2.T, bias1)

# --- scband reference (transcript-rebuilt; emitter-appended) ---
"""Pipeline reference for scband-ext-logistic-regression-84155589198089 (READ-ONLY COPY).

The authoritative reference and input builder live on the scoring server;
editing this copy changes nothing except your own understanding.
"""

import jax, jax.numpy as jnp
import numpy as np

B = 16384
F1 = 26
F2 = 100
V1 = 1000000
V2 = 100001  # inputSize2 + 1


def setup_inputs(seed: int = 0) -> dict:
    key = jax.random.key(seed)
    k1, k2, k3, k4 = jax.random.split(key, 4)
    x1 = jax.random.randint(k1, (B, F1), 0, V1, dtype=jnp.int64 if jax.config.jax_enable_x64 else jnp.int32).astype(jnp.int32)
    x2 = jax.random.randint(k2, (B, F2), 0, V2, dtype=jnp.int64 if jax.config.jax_enable_x64 else jnp.int32).astype(jnp.int32)
    W1 = jax.random.normal(k3, (V1, 1), dtype=jnp.float32) * 0.01
    W1 = W1.at[0].set(0.0)  # padding_idx=0
    W2 = jax.random.normal(k4, (V2, 1), dtype=jnp.float32) * 0.01
    W2 = W2.at[0].set(0.0)  # padding_idx=0
    bias1 = jnp.zeros((1,), dtype=jnp.float32)
    return {"x1": x1, "x2": x2, "W1": W1, "W2": W2, "bias1": bias1}


def reference(x1, x2, W1, W2, bias1):
    # x1 = sum(fc1(x1), dim=1) + bias1   -> [B, 1]
    e1 = jnp.take(W1, x1, axis=0)          # [B, F1, 1]
    s1 = jnp.sum(e1, axis=1) + bias1       # [B, 1]
    # x2 = sum(fc2(x2), dim=1)           -> [B, 1]
    e2 = jnp.take(W2, x2, axis=0)          # [B, F2, 1]
    s2 = jnp.sum(e2, axis=1)               # [B, 1]
    out = jax.nn.sigmoid(s1 + s2)          # [B, 1]
    return jnp.squeeze(out, axis=1)        # [B]

if __name__ == "__main__":
    import jax
    _d = setup_inputs()
    print(jax.jit(kernel)(*tuple(_d.values())))

</pallas_src>

<mosaic_0001>
#map = affine_map<(d0, d1) -> (0, 0)>
#map1 = affine_map<(d0, d1) -> (0)>
module attributes {stable_mosaic.version = 14 : i64} {
  func.func @_sc_body(%arg0: i32, %arg1: i32, %arg2: memref<26x16384xi32, #tpu.memory_space<hbm>>, %arg3: memref<100x16384xi32, #tpu.memory_space<hbm>>, %arg4: memref<1x1000000xf32, #tpu.memory_space<hbm>>, %arg5: memref<1x100001xf32, #tpu.memory_space<hbm>>, %arg6: memref<1xf32, #tpu.memory_space<hbm>>, %arg7: memref<16384xf32, #tpu.memory_space<hbm>>, %arg8: memref<100096xf32, #tpu.memory_space<vmem>>, %arg9: memref<26x128xi32, #tpu.memory_space<vmem>>, %arg10: memref<26x128xi32, #tpu.memory_space<vmem>>, %arg11: memref<100x128xi32, #tpu.memory_space<vmem>>, %arg12: memref<3328xf32, #tpu.memory_space<vmem>>, %arg13: memref<3328xf32, #tpu.memory_space<vmem>>, %arg14: memref<512xf32, #tpu.memory_space<vmem>>, %arg15: memref<16xf32, #tpu.memory_space<vmem>>, %arg16: memref<32xi32, #tpu.memory_space<vmem>>, %arg17: memref<!tpu.dma_semaphore, #tpu.memory_space<semaphore_mem>>, %arg18: memref<!tpu.dma_semaphore, #tpu.memory_space<semaphore_mem>>, %arg19: memref<!tpu.dma_semaphore, #tpu.memory_space<semaphore_mem>>, %arg20: memref<!tpu.dma_semaphore, #tpu.memory_space<semaphore_mem>>) attributes {dimension_semantics = [#tpu.dimension_semantics<core_parallel>, #tpu.dimension_semantics<subcore_parallel>], iteration_bounds = array<i64: 2, 16>, scalar_prefetch = 0 : i64, scratch_operands = 13 : i64, tpu.core_type = #tpu.core_type<sc_vector_subcore>, window_params = [{transform_indices = #map}, {transform_indices = #map}, {transform_indices = #map}, {transform_indices = #map}, {transform_indices = #map1}, {transform_indices = #map1}]} {
    %mul3A = arith.constant 2 : i32
    %mul3A_0 = arith.muli %arg1, %mul3A : i32
    %add3A = arith.addi %mul3A_0, %arg0 : i32
    %mul3A_1 = arith.constant 512 : i32
    %mul3A_2 = arith.muli %add3A, %mul3A_1 : i32
    %iota3A = tpu.iota {dimensions = array<i32: 0>} : vector<16xi32>
    %mul3A_3 = arith.constant 0 : i32
    %mul3A_4 = vector.broadcast %mul3A_3 : i32 to vector<16xi32>
    %mul3A_5 = arith.muli %iota3A, %mul3A_4 : vector<16xi32>
    %swap3A = arith.constant 0 : index
    %swap3A_6 = tpu.vector_load %arg16[%swap3A] {strides = array<i32>} : memref<32xi32, #tpu.memory_space<vmem>>, vector<16xi32>,
    tpu.vector_store %arg16[%swap3A], %mul3A_5 {strides = array<i32>} : memref<32xi32, #tpu.memory_space<vmem>>, vector<16xi32>,
    %add3A_7 = arith.constant 100000 : i32
    %add3A_8 = vector.broadcast %add3A_7 : i32 to vector<16xi32>
    %add3A_9 = arith.addi %mul3A_5, %add3A_8 : vector<16xi32>
    %swap3A_10 = arith.constant 16 : index
    %swap3A_11 = tpu.vector_load %arg16[%swap3A_10] {strides = array<i32>} : memref<32xi32, #tpu.memory_space<vmem>>, vector<16xi32>,
    tpu.vector_store %arg16[%swap3A_10], %add3A_9 {strides = array<i32>} : memref<32xi32, #tpu.memory_space<vmem>>, vector<16xi32>,
    %dma_start3A = arith.constant 0 : i32
    %dma_start3A_12 = arith.constant 0 : i32
    %dma_start3A_13 = tpu.memref_slice %arg8[%dma_start3A_12] : memref<100096xf32, #tpu.memory_space<vmem>> -> memref<100000xf32, #tpu.memory_space<vmem>>
    %dma_start3A_14 = arith.constant 0 : i32
    %dma_start3A_15 = tpu.memref_slice %arg5[%dma_start3A, %dma_start3A_14] : memref<1x100001xf32, #tpu.memory_space<hbm>> -> memref<1x100001xf32, #tpu.memory_space<hbm>>
    %dma_start3A_16 = tpu.memref_squeeze %dma_start3A_15 : memref<1x100001xf32, #tpu.memory_space<hbm>> -> memref<100001xf32, #tpu.memory_space<hbm>>
    %dma_start3A_17 = arith.constant 0 : i32
    %dma_start3A_18 = tpu.memref_slice %dma_start3A_16[%dma_start3A_17] : memref<100001xf32, #tpu.memory_space<hbm>> -> memref<100000xf32, #tpu.memory_space<hbm>>
    %dma_start3A_19 = arith.constant 0 : i32
    %dma_start3A_20 = tpu.memref_slice %arg8[%dma_start3A_19] : memref<100096xf32, #tpu.memory_space<vmem>> -> memref<100000xf32, #tpu.memory_space<vmem>>
    %dma_start3A_21 = arith.constant 0 : i32
    %dma_start3A_22 = tpu.memref_slice %arg5[%dma_start3A, %dma_start3A_21] : memref<1x100001xf32, #tpu.memory_space<hbm>> -> memref<1x100001xf32, #tpu.memory_space<hbm>>
    %dma_start3A_23 = tpu.memref_squeeze %dma_start3A_22 : memref<1x100001xf32, #tpu.memory_space<hbm>> -> memref<100001xf32, #tpu.memory_space<hbm>>
    %dma_start3A_24 = arith.constant 0 : i32
    %dma_start3A_25 = tpu.memref_slice %dma_start3A_23[%dma_start3A_24] : memref<100001xf32, #tpu.memory_space<hbm>> -> memref<100000xf32, #tpu.memory_space<hbm>>
    tpu.enqueue_dma source(%dma_start3A_25 : memref<100000xf32, #tpu.memory_space<hbm>>) target(%dma_start3A_20 : memref<100000xf32, #tpu.memory_space<vmem>>) target_semaphore(%arg19 : memref<!tpu.dma_semaphore, #tpu.memory_space<semaphore_mem>>)
    %dma_start3A_26 = arith.constant 0 : i32
    %dma_start3A_27 = arith.constant 100000 : i32
    %dma_start3A_28 = tpu.memref_slice %arg8[%dma_start3A_27] : memref<100096xf32, #tpu.memory_space<vmem>> -> memref<16xf32, #tpu.memory_space<vmem>>
    %dma_start3A_29 = arith.constant 16 : i32
    %dma_start3A_30 = tpu.memref_slice %arg16[%dma_start3A_29] : memref<32xi32, #tpu.memory_space<vmem>> -> memref<16xi32, #tpu.memory_space<vmem>>
    %dma_start3A_31 = arith.constant 0 : i32
    %dma_start3A_32 = tpu.memref_slice %arg5[%dma_start3A_26, %dma_start3A_31] : memref<1x100001xf32, #tpu.memory_space<hbm>> -> memref<1x100001xf32, #tpu.memory_space<hbm>>
    %dma_start3A_33 = tpu.memref_squeeze %dma_start3A_32 : memref<1x100001xf32, #tpu.memory_space<hbm>> -> memref<100001xf32, #tpu.memory_space<hbm>>
    %dma_start3A_34 = arith.constant 0 : i32
    %dma_start3A_35 = tpu.memref_slice %dma_start3A_33[%dma_start3A_34] : memref<100001xf32, #tpu.memory_space<hbm>> -> memref<100001xf32, #tpu.memory_space<hbm>>
    tpu.enqueue_indirect_dma source(%dma_start3A_35 : memref<100001xf32, #tpu.memory_space<hbm>>) target(%dma_start3A_28 : memref<16xf32, #tpu.memory_space<vmem>>) offsets(%dma_start3A_30 : memref<16xi32, #tpu.memory_space<vmem>>) semaphore(%arg19 : memref<!tpu.dma_semaphore, #tpu.memory_space<semaphore_mem>>)
    %dma_start3A_36 = arith.constant 0 : i32
    %dma_start3A_37 = tpu.memref_slice %arg16[%dma_start3A_36] : memref<32xi32, #tpu.memory_space<vmem>> -> memref<16xi32, #tpu.memory_space<vmem>>
    %dma_start3A_38 = arith.constant 0 : i32
    %dma_start3A_39 = tpu.memref_slice %arg6[%dma_start3A_38] : memref<1xf32, #tpu.memory_space<hbm>> -> memref<1xf32, #tpu.memory_space<hbm>>
    tpu.enqueue_indirect_dma source(%dma_start3A_39 : memref<1xf32, #tpu.memory_space<hbm>>) target(%arg15 : memref<16xf32, #tpu.memory_space<vmem>>) offsets(%dma_start3A_37 : memref<16xi32, #tpu.memory_space<vmem>>) semaphore(%arg19 : memref<!tpu.dma_semaphore, #tpu.memory_space<semaphore_mem>>)
    %broadcast_in_dim3A = arith.constant 1 : i32
    %broadcast_in_dim3A_40 = vector.broadcast %broadcast_in_dim3A : i32 to vector<16xi32>
    %add3A_41 = arith.constant 0 : i32
    %add3A_42 = arith.addi %mul3A_2, %add3A_41 : i32
    %dma_start3A_43 = arith.constant 0 : i32
    %dma_start3A_44 = tpu.memref_slice %arg3[%dma_start3A_43, %add3A_42] : memref<100x16384xi32, #tpu.memory_space<hbm>> -> memref<100x128xi32, #tpu.memory_space<hbm>>
    %dma_start3A_45 = arith.constant 0 : i32
    %dma_start3A_46 = tpu.memref_slice %arg3[%dma_start3A_45, %add3A_42] : memref<100x16384xi32, #tpu.memory_space<hbm>> -> memref<100x128xi32, #tpu.memory_space<hbm>>
    tpu.enqueue_dma source(%dma_start3A_46 : memref<100x128xi32, #tpu.memory_space<hbm>>) target(%arg11 : memref<100x128xi32, #tpu.memory_space<vmem>>) target_semaphore(%arg20 : memref<!tpu.dma_semaphore, #tpu.memory_space<semaphore_mem>>)
    %add3A_47 = arith.constant 0 : i32
    %add3A_48 = arith.addi %mul3A_2, %add3A_47 : i32
    "tpu.region"() ({
      %run_scoped3A = tpu.sem_alloc : memref<!tpu.dma_semaphore, #tpu.memory_space<semaphore_mem>>
      %dma_start3A_704 = arith.constant 0 : i32
      %dma_start3A_705 = tpu.memref_slice %arg2[%dma_start3A_704, %add3A_48] : memref<26x16384xi32, #tpu.memory_space<hbm>> -> memref<26x128xi32, #tpu.memory_space<hbm>>
      %dma_start3A_706 = arith.constant 0 : i32
      %dma_start3A_707 = tpu.memref_slice %arg2[%dma_start3A_706, %add3A_48] : memref<26x16384xi32, #tpu.memory_space<hbm>> -> memref<26x128xi32, #tpu.memory_space<hbm>>
      tpu.enqueue_dma source(%dma_start3A_707 : memref<26x128xi32, #tpu.memory_space<hbm>>) target(%arg9 : memref<26x128xi32, #tpu.memory_space<vmem>>) target_semaphore(%run_scoped3A : memref<!tpu.dma_semaphore, #tpu.memory_space<semaphore_mem>>)
      %dma_wait3A_708 = arith.constant 0 : i32
      %dma_wait3A_709 = tpu.memref_slice %arg2[%dma_wait3A_708, %add3A_48] : memref<26x16384xi32, #tpu.memory_space<hbm>> -> memref<26x128xi32, #tpu.memory_space<hbm>>
      %dma_wait3A_710 = arith.constant 0 : i32
      %dma_wait3A_711 = tpu.memref_slice %arg2[%dma_wait3A_710, %add3A_48] : memref<26x16384xi32, #tpu.memory_space<hbm>> -> memref<26x128xi32, #tpu.memory_space<hbm>>
      tpu.wait_dma2 semaphore(%run_scoped3A : memref<!tpu.dma_semaphore, #tpu.memory_space<semaphore_mem>>) src(%dma_wait3A_711 : memref<26x128xi32, #tpu.memory_space<hbm>>) dst(%arg9 : memref<26x128xi32, #tpu.memory_space<vmem>>)
      tpu.yield
    }) : () -> ()
    %scan3A = arith.constant 0 : i32
    %scan3A_49 = arith.constant 0 : i32
    %scan3A_50 = arith.constant 0 : i32
    %scan3A_51 = arith.constant 26 : i32
    %scan3A_52 = arith.addi %scan3A_50, %scan3A_51 : i32
    %scan3A_53 = arith.constant 1 : i32
    scf.for %scan3A_704 = %scan3A_50 to %scan3A_52 step %scan3A_53  : i32 {
      %mul3A_705 = arith.constant 128 : i32
      %mul3A_706 = arith.muli %scan3A_704, %mul3A_705 : i32
      %dma_start3A_707 = tpu.memref_slice %arg12[%mul3A_706] : memref<3328xf32, #tpu.memory_space<vmem>> -> memref<128xf32, #tpu.memory_space<vmem>>
      %dma_start3A_708 = arith.constant 0 : i32
      %dma_start3A_709 = tpu.memref_slice %arg9[%scan3A_704, %dma_start3A_708] : memref<26x128xi32, #tpu.memory_space<vmem>> -> memref<1x128xi32, #tpu.memory_space<vmem>>
      %dma_start3A_710 = tpu.memref_squeeze %dma_start3A_709 : memref<1x128xi32, #tpu.memory_space<vmem>> -> memref<128xi32, #tpu.memory_space<vmem>>
      %dma_start3A_711 = arith.constant 0 : i32
      %dma_start3A_712 = tpu.memref_slice %arg4[%scan3A_49, %dma_start3A_711] : memref<1x1000000xf32, #tpu.memory_space<hbm>> -> memref<1x1000000xf32, #tpu.memory_space<hbm>>
      %dma_start3A_713 = tpu.memref_squeeze %dma_start3A_712 : memref<1x1000000xf32, #tpu.memory_space<hbm>> -> memref<1000000xf32, #tpu.memory_space<hbm>>
      %dma_start3A_714 = arith.constant 0 : i32
      %dma_start3A_715 = tpu.memref_slice %dma_start3A_713[%dma_start3A_714] : memref<1000000xf32, #tpu.memory_space<hbm>> -> memref<1000000xf32, #tpu.memory_space<hbm>>
      tpu.enqueue_indirect_dma source(%dma_start3A_715 : memref<1000000xf32, #tpu.memory_space<hbm>>) target(%dma_start3A_707 : memref<128xf32, #tpu.memory_space<vmem>>) offsets(%dma_start3A_710 : memref<128xi32, #tpu.memory_space<vmem>>) semaphore(%arg17 : memref<!tpu.dma_semaphore, #tpu.memory_space<semaphore_mem>>)
    }
    %scan3A_54 = arith.constant 26 : i32
    %dma_wait3A = arith.constant 0 : i32
    %dma_wait3A_55 = arith.constant 0 : i32
    %dma_wait3A_56 = tpu.memref_slice %arg8[%dma_wait3A_55] : memref<100096xf32, #tpu.memory_space<vmem>> -> memref<100000xf32, #tpu.memory_space<vmem>>
    %dma_wait3A_57 = arith.constant 0 : i32
    %dma_wait3A_58 = tpu.memref_slice %arg5[%dma_wait3A, %dma_wait3A_57] : memref<1x100001xf32, #tpu.memory_space<hbm>> -> memref<1x100001xf32, #tpu.memory_space<hbm>>
    %dma_wait3A_59 = tpu.memref_squeeze %dma_wait3A_58 : memref<1x100001xf32, #tpu.memory_space<hbm>> -> memref<100001xf32, #tpu.memory_space<hbm>>
    %dma_wait3A_60 = arith.constant 0 : i32
    %dma_wait3A_61 = tpu.memref_slice %dma_wait3A_59[%dma_wait3A_60] : memref<100001xf32, #tpu.memory_space<hbm>> -> memref<100000xf32, #tpu.memory_space<hbm>>
    %dma_wait3A_62 = arith.constant 0 : i32
    %dma_wait3A_63 = tpu.memref_slice %arg8[%dma_wait3A_62] : memref<100096xf32, #tpu.memory_space<vmem>> -> memref<100000xf32, #tpu.memory_space<vmem>>
    %dma_wait3A_64 = arith.constant 0 : i32
    %dma_wait3A_65 = tpu.memref_slice %arg5[%dma_wait3A, %dma_wait3A_64] : memref<1x100001xf32, #tpu.memory_space<hbm>> -> memref<1x100001xf32, #tpu.memory_space<hbm>>
    %dma_wait3A_66 = tpu.memref_squeeze %dma_wait3A_65 : memref<1x100001xf32, #tpu.memory_space<hbm>> -> memref<100001xf32, #tpu.memory_space<hbm>>
    %dma_wait3A_67 = arith.constant 0 : i32
    %dma_wait3A_68 = tpu.memref_slice %dma_wait3A_66[%dma_wait3A_67] : memref<100001xf32, #tpu.memory_space<hbm>> -> memref<100000xf32, #tpu.memory_space<hbm>>
    tpu.wait_dma2 semaphore(%arg19 : memref<!tpu.dma_semaphore, #tpu.memory_space<semaphore_mem>>) src(%dma_wait3A_68 : memref<100000xf32, #tpu.memory_space<hbm>>) dst(%dma_wait3A_63 : memref<100000xf32, #tpu.memory_space<vmem>>)
    %dma_wait3A_69 = arith.constant 0 : i32
    %dma_wait3A_70 = arith.constant 100000 : i32
    %dma_wait3A_71 = tpu.memref_slice %arg8[%dma_wait3A_70] : memref<100096xf32, #tpu.memory_space<vmem>> -> memref<16xf32, #tpu.memory_space<vmem>>
    %dma_wait3A_72 = arith.constant 16 : i32
    %dma_wait3A_73 = tpu.memref_slice %arg16[%dma_wait3A_72] : memref<32xi32, #tpu.memory_space<vmem>> -> memref<16xi32, #tpu.memory_space<vmem>>
    %dma_wait3A_74 = arith.constant 0 : i32
    %dma_wait3A_75 = tpu.memref_slice %arg5[%dma_wait3A_69, %dma_wait3A_74] : memref<1x100001xf32, #tpu.memory_space<hbm>> -> memref<1x100001xf32, #tpu.memory_space<hbm>>
    %dma_wait3A_76 = tpu.memref_squeeze %dma_wait3A_75 : memref<1x100001xf32, #tpu.memory_space<hbm>> -> memref<100001xf32, #tpu.memory_space<hbm>>
    %dma_wait3A_77 = arith.constant 0 : i32
    %dma_wait3A_78 = tpu.memref_slice %dma_wait3A_76[%dma_wait3A_77] : memref<100001xf32, #tpu.memory_space<hbm>> -> memref<100001xf32, #tpu.memory_space<hbm>>
    tpu.wait_indirect_dma semaphore(%arg19 : memref<!tpu.dma_semaphore, #tpu.memory_space<semaphore_mem>>) src(%dma_wait3A_78 : memref<100001xf32, #tpu.memory_space<hbm>>) dst(%dma_wait3A_71 : memref<16xf32, #tpu.memory_space<vmem>>)
    %dma_wait3A_79 = arith.constant 0 : i32
    %dma_wait3A_80 = tpu.memref_slice %arg16[%dma_wait3A_79] : memref<32xi32, #tpu.memory_space<vmem>> -> memref<16xi32, #tpu.memory_space<vmem>>
    %dma_wait3A_81 = arith.constant 0 : i32
    %dma_wait3A_82 = tpu.memref_slice %arg6[%dma_wait3A_81] : memref<1xf32, #tpu.memory_space<hbm>> -> memref<1xf32, #tpu.memory_space<hbm>>
    tpu.wait_indirect_dma semaphore(%arg19 : memref<!tpu.dma_semaphore, #tpu.memory_space<semaphore_mem>>) src(%dma_wait3A_82 : memref<1xf32, #tpu.memory_space<hbm>>) dst(%arg15 : memref<16xf32, #tpu.memory_space<vmem>>)
    %dma_wait3A_83 = arith.constant 0 : i32
    %dma_wait3A_84 = tpu.memref_slice %arg3[%dma_wait3A_83, %add3A_42] : memref<100x16384xi32, #tpu.memory_space<hbm>> -> memref<100x128xi32, #tpu.memory_space<hbm>>
    %dma_wait3A_85 = arith.constant 0 : i32
    %dma_wait3A_86 = tpu.memref_slice %arg3[%dma_wait3A_85, %add3A_42] : memref<100x16384xi32, #tpu.memory_space<hbm>> -> memref<100x128xi32, #tpu.memory_space<hbm>>
    tpu.wait_dma2 semaphore(%arg20 : memref<!tpu.dma_semaphore, #tpu.memory_space<semaphore_mem>>) src(%dma_wait3A_86 : memref<100x128xi32, #tpu.memory_space<hbm>>) dst(%arg11 : memref<100x128xi32, #tpu.memory_space<vmem>>)
    %broadcast_in_dim3A_87 = arith.constant 0.000000e+00 : f32
    %broadcast_in_dim3A_88 = vector.broadcast %broadcast_in_dim3A_87 : f32 to vector<16xf32>
    %broadcast_in_dim3A_89 = arith.constant 0.000000e+00 : f32
    %broadcast_in_dim3A_90 = vector.broadcast %broadcast_in_dim3A_89 : f32 to vector<16xf32>
    %broadcast_in_dim3A_91 = arith.constant 0.000000e+00 : f32
    %broadcast_in_dim3A_92 = vector.broadcast %broadcast_in_dim3A_91 : f32 to vector<16xf32>
    %broadcast_in_dim3A_93 = arith.constant 0.000000e+00 : f32
    %broadcast_in_dim3A_94 = vector.broadcast %broadcast_in_dim3A_93 : f32 to vector<16xf32>
    %broadcast_in_dim3A_95 = arith.constant 0.000000e+00 : f32
    %broadcast_in_dim3A_96 = vector.broadcast %broadcast_in_dim3A_95 : f32 to vector<16xf32>
    %broadcast_in_dim3A_97 = arith.constant 0.000000e+00 : f32
    %broadcast_in_dim3A_98 = vector.broadcast %broadcast_in_dim3A_97 : f32 to vector<16xf32>
    %broadcast_in_dim3A_99 = arith.constant 0.000000e+00 : f32
    %broadcast_in_dim3A_100 = vector.broadcast %broadcast_in_dim3A_99 : f32 to vector<16xf32>
    %broadcast_in_dim3A_101 = arith.constant 0.000000e+00 : f32
    %broadcast_in_dim3A_102 = vector.broadcast %broadcast_in_dim3A_101 : f32 to vector<16xf32>
    %scan3A_103 = arith.constant 0 : i32
    %scan3A_104 = arith.constant 100 : i32
    %scan3A_105 = arith.addi %scan3A_103, %scan3A_104 : i32
    %scan3A_106 = arith.constant 2 : i32
    %scan3A_107:8 = scf.for %scan3A_704 = %scan3A_103 to %scan3A_105 step %scan3A_106 iter_args(%scan3A_705 = %broadcast_in_dim3A_88, %scan3A_706 = %broadcast_in_dim3A_90, %scan3A_707 = %broadcast_in_dim3A_92, %scan3A_708 = %broadcast_in_dim3A_94, %scan3A_709 = %broadcast_in_dim3A_96, %scan3A_710 = %broadcast_in_dim3A_98, %scan3A_711 = %broadcast_in_dim3A_100, %scan3A_712 = %broadcast_in_dim3A_102) -> (vector<16xf32>, vector<16xf32>, vector<16xf32>, vector<16xf32>, vector<16xf32>, vector<16xf32>, vector<16xf32>, vector<16xf32>)  : i32 {
      %get3A_713 = arith.index_cast %scan3A_704 : i32 to index
      %get3A_714 = arith.constant 0 : index
      %get3A_715 = tpu.vector_load %arg11[%get3A_713, %get3A_714] {strides = array<i32>} : memref<100x128xi32, #tpu.memory_space<vmem>>, vector<16xi32>,
      %gather3A = tpu.vector_load_idx %arg8[%get3A_715] : memref<100096xf32, #tpu.memory_space<vmem>>[vector<16xi32>], vector<16xf32>,
      %add3A_716 = arith.addf %scan3A_705, %gather3A : vector<16xf32>
      %get3A_717 = arith.index_cast %scan3A_704 : i32 to index
      %get3A_718 = arith.constant 16 : index
      %get3A_719 = tpu.vector_load %arg11[%get3A_717, %get3A_718] {strides = array<i32>} : memref<100x128xi32, #tpu.memory_space<vmem>>, vector<16xi32>,
      %gather3A_720 = tpu.vector_load_idx %arg8[%get3A_719] : memref<100096xf32, #tpu.memory_space<vmem>>[vector<16xi32>], vector<16xf32>,
      %add3A_721 = arith.addf %scan3A_706, %gather3A_720 : vector<16xf32>
      %get3A_722 = arith.index_cast %scan3A_704 : i32 to index
      %get3A_723 = arith.constant 32 : index
      %get3A_724 = tpu.vector_load %arg11[%get3A_722, %get3A_723] {strides = array<i32>} : memref<100x128xi32, #tpu.memory_space<vmem>>, vector<16xi32>,
      %gather3A_725 = tpu.vector_load_idx %arg8[%get3A_724] : memref<100096xf32, #tpu.memory_space<vmem>>[vector<16xi32>], vector<16xf32>,
      %add3A_726 = arith.addf %scan3A_707, %gather3A_725 : vector<16xf32>
      %get3A_727 = arith.index_cast %scan3A_704 : i32 to index
      %get3A_728 = arith.constant 48 : index
      %get3A_729 = tpu.vector_load %arg11[%get3A_727, %get3A_728] {strides = array<i32>} : memref<100x128xi32, #tpu.memory_space<vmem>>, vector<16xi32>,
      %gather3A_730 = tpu.vector_load_idx %arg8[%get3A_729] : memref<100096xf32, #tpu.memory_space<vmem>>[vector<16xi32>], vector<16xf32>,
      %add3A_731 = arith.addf %scan3A_708, %gather3A_730 : vector<16xf32>
      %get3A_732 = arith.index_cast %scan3A_704 : i32 to index
      %get3A_733 = arith.constant 64 : index
      %get3A_734 = tpu.vector_load %arg11[%get3A_732, %get3A_733] {strides = array<i32>} : memref<100x128xi32, #tpu.memory_space<vmem>>, vector<16xi32>,
      %gather3A_735 = tpu.vector_load_idx %arg8[%get3A_734] : memref<100096xf32, #tpu.memory_space<vmem>>[vector<16xi32>], vector<16xf32>,
      %add3A_736 = arith.addf %scan3A_709, %gather3A_735 : vector<16xf32>
      %get3A_737 = arith.index_cast %scan3A_704 : i32 to index
      %get3A_738 = arith.constant 80 : index
      %get3A_739 = tpu.vector_load %arg11[%get3A_737, %get3A_738] {strides = array<i32>} : memref<100x128xi32, #tpu.memory_space<vmem>>, vector<16xi32>,
      %gather3A_740 = tpu.vector_load_idx %arg8[%get3A_739] : memref<100096xf32, #tpu.memory_space<vmem>>[vector<16xi32>], vector<16xf32>,
      %add3A_741 = arith.addf %scan3A_710, %gather3A_740 : vector<16xf32>
      %get3A_742 = arith.index_cast %scan3A_704 : i32 to index
      %get3A_743 = arith.constant 96 : index
      %get3A_744 = tpu.vector_load %arg11[%get3A_742, %get3A_743] {strides = array<i32>} : memref<100x128xi32, #tpu.memory_space<vmem>>, vector<16xi32>,
      %gather3A_745 = tpu.vector_load_idx %arg8[%get3A_744] : memref<100096xf32, #tpu.memory_space<vmem>>[vector<16xi32>], vector<16xf32>,
      %add3A_746 = arith.addf %scan3A_711, %gather3A_745 : vector<16xf32>
      %get3A_747 = arith.index_cast %scan3A_704 : i32 to index
      %get3A_748 = arith.constant 112 : index
      %get3A_749 = tpu.vector_load %arg11[%get3A_747, %get3A_748] {strides = array<i32>} : memref<100x128xi32, #tpu.memory_space<vmem>>, vector<16xi32>,
      %gather3A_750 = tpu.vector_load_idx %arg8[%get3A_749] : memref<100096xf32, #tpu.memory_space<vmem>>[vector<16xi32>], vector<16xf32>,
      %add3A_751 = arith.addf %scan3A_712, %gather3A_750 : vector<16xf32>
      %scan3A_752 = arith.constant 1 : i32
      %scan3A_753 = arith.addi %scan3A_704, %scan3A_752 : i32
      %get3A_754 = arith.index_cast %scan3A_753 : i32 to index
      %get3A_755 = arith.constant 0 : index
      %get3A_756 = tpu.vector_load %arg11[%get3A_754, %get3A_755] {strides = array<i32>} : memref<100x128xi32, #tpu.memory_space<vmem>>, vector<16xi32>,
      %gather3A_757 = tpu.vector_load_idx %arg8[%get3A_756] : memref<100096xf32, #tpu.memory_space<vmem>>[vector<16xi32>], vector<16xf32>,
      %add3A_758 = arith.addf %add3A_716, %gather3A_757 : vector<16xf32>
      %get3A_759 = arith.index_cast %scan3A_753 : i32 to index
      %get3A_760 = arith.constant 16 : index
      %get3A_761 = tpu.vector_load %arg11[%get3A_759, %get3A_760] {strides = array<i32>} : memref<100x128xi32, #tpu.memory_space<vmem>>, vector<16xi32>,
      %gather3A_762 = tpu.vector_load_idx %arg8[%get3A_761] : memref<100096xf32, #tpu.memory_space<vmem>>[vector<16xi32>], vector<16xf32>,
      %add3A_763 = arith.addf %add3A_721, %gather3A_762 : vector<16xf32>
      %get3A_764 = arith.index_cast %scan3A_753 : i32 to index
      %get3A_765 = arith.constant 32 : index
      %get3A_766 = tpu.vector_load %arg11[%get3A_764, %get3A_765] {strides = array<i32>} : memref<100x128xi32, #tpu.memory_space<vmem>>, vector<16xi32>,
      %gather3A_767 = tpu.vector_load_idx %arg8[%get3A_766] : memref<100096xf32, #tpu.memory_space<vmem>>[vector<16xi32>], vector<16xf32>,
      %add3A_768 = arith.addf %add3A_726, %gather3A_767 : vector<16xf32>
      %get3A_769 = arith.index_cast %scan3A_753 : i32 to index
      %get3A_770 = arith.constant 48 : index
      %get3A_771 = tpu.vector_load %arg11[%get3A_769, %get3A_770] {strides = array<i32>} : memref<100x128xi32, #tpu.memory_space<vmem>>, vector<16xi32>,
      %gather3A_772 = tpu.vector_load_idx %arg8[%get3A_771] : memref<100096xf32, #tpu.memory_space<vmem>>[vector<16xi32>], vector<16xf32>,
      %add3A_773 = arith.addf %add3A_731, %gather3A_772 : vector<16xf32>
      %get3A_774 = arith.index_cast %scan3A_753 : i32 to index
      %get3A_775 = arith.constant 64 : index
      %get3A_776 = tpu.vector_load %arg11[%get3A_774, %get3A_775] {strides = array<i32>} : memref<100x128xi32, #tpu.memory_space<vmem>>, vector<16xi32>,
      %gather3A_777 = tpu.vector_load_idx %arg8[%get3A_776] : memref<100096xf32, #tpu.memory_space<vmem>>[vector<16xi32>], vector<16xf32>,
      %add3A_778 = arith.addf %add3A_736, %gather3A_777 : vector<16xf32>
      %get3A_779 = arith.index_cast %scan3A_753 : i32 to index
      %get3A_780 = arith.constant 80 : index
      %get3A_781 = tpu.vector_load %arg11[%get3A_779, %get3A_780] {strides = array<i32>} : memref<100x128xi32, #tpu.memory_space<vmem>>, vector<16xi32>,
      %gather3A_782 = tpu.vector_load_idx %arg8[%get3A_781] : memref<100096xf32, #tpu.memory_space<vmem>>[vector<16xi32>], vector<16xf32>,
      %add3A_783 = arith.addf %add3A_741, %gather3A_782 : vector<16xf32>
      %get3A_784 = arith.index_cast %scan3A_753 : i32 to index
      %get3A_785 = arith.constant 96 : index
      %get3A_786 = tpu.vector_load %arg11[%get3A_784, %get3A_785] {strides = array<i32>} : memref<100x128xi32, #tpu.memory_space<vmem>>, vector<16xi32>,
      %gather3A_787 = tpu.vector_load_idx %arg8[%get3A_786] : memref<100096xf32, #tpu.memory_space<vmem>>[vector<16xi32>], vector<16xf32>,
      %add3A_788 = arith.addf %add3A_746, %gather3A_787 : vector<16xf32>
      %get3A_789 = arith.index_cast %scan3A_753 : i32 to index
      %get3A_790 = arith.constant 112 : index
      %get3A_791 = tpu.vector_load %arg11[%get3A_789, %get3A_790] {strides = array<i32>} : memref<100x128xi32, #tpu.memory_space<vmem>>, vector<16xi32>,
      %gather3A_792 = tpu.vector_load_idx %arg8[%get3A_791] : memref<100096xf32, #tpu.memory_space<vmem>>[vector<16xi32>], vector<16xf32>,
      %add3A_793 = arith.addf %add3A_751, %gather3A_792 : vector<16xf32>
      scf.yield %add3A_758, %add3A_763, %add3A_768, %add3A_773, %add3A_778, %add3A_783, %add3A_788, %add3A_793 : vector<16xf32>, vector<16xf32>, vector<16xf32>, vector<16xf32>, vector<16xf32>, vector<16xf32>, vector<16xf32>, vector<16xf32>
    }
    %scan3A_108 = arith.constant 100 : i32
    %add3A_109 = arith.constant 128 : i32
    %add3A_110 = arith.addi %mul3A_2, %add3A_109 : i32
    %dma_start3A_111 = arith.constant 0 : i32
    %dma_start3A_112 = tpu.memref_slice %arg3[%dma_start3A_111, %add3A_110] : memref<100x16384xi32, #tpu.memory_space<hbm>> -> memref<100x128xi32, #tpu.memory_space<hbm>>
    %dma_start3A_113 = arith.constant 0 : i32
    %dma_start3A_114 = tpu.memref_slice %arg3[%dma_start3A_113, %add3A_110] : memref<100x16384xi32, #tpu.memory_space<hbm>> -> memref<100x128xi32, #tpu.memory_space<hbm>>
    tpu.enqueue_dma source(%dma_start3A_114 : memref<100x128xi32, #tpu.memory_space<hbm>>) target(%arg11 : memref<100x128xi32, #tpu.memory_space<vmem>>) target_semaphore(%arg20 : memref<!tpu.dma_semaphore, #tpu.memory_space<semaphore_mem>>)
    %add3A_115 = arith.constant 128 : i32
    %add3A_116 = arith.addi %mul3A_2, %add3A_115 : i32
    "tpu.region"() ({
      %run_scoped3A = tpu.sem_alloc : memref<!tpu.dma_semaphore, #tpu.memory_space<semaphore_mem>>
      %dma_start3A_704 = arith.constant 0 : i32
      %dma_start3A_705 = tpu.memref_slice %arg2[%dma_start3A_704, %add3A_116] : memref<26x16384xi32, #tpu.memory_space<hbm>> -> memref<26x128xi32, #tpu.memory_space<hbm>>
      %dma_start3A_706 = arith.constant 0 : i32
      %dma_start3A_707 = tpu.memref_slice %arg2[%dma_start3A_706, %add3A_116] : memref<26x16384xi32, #tpu.memory_space<hbm>> -> memref<26x128xi32, #tpu.memory_space<hbm>>
      tpu.enqueue_dma source(%dma_start3A_707 : memref<26x128xi32, #tpu.memory_space<hbm>>) target(%arg10 : memref<26x128xi32, #tpu.memory_space<vmem>>) target_semaphore(%run_scoped3A : memref<!tpu.dma_semaphore, #tpu.memory_space<semaphore_mem>>)
      %dma_wait3A_708 = arith.constant 0 : i32
      %dma_wait3A_709 = tpu.memref_slice %arg2[%dma_wait3A_708, %add3A_116] : memref<26x16384xi32, #tpu.memory_space<hbm>> -> memref<26x128xi32, #tpu.memory_space<hbm>>
      %dma_wait3A_710 = arith.constant 0 : i32
      %dma_wait3A_711 = tpu.memref_slice %arg2[%dma_wait3A_710, %add3A_116] : memref<26x16384xi32, #tpu.memory_space<hbm>> -> memref<26x128xi32, #tpu.memory_space<hbm>>
      tpu.wait_dma2 semaphore(%run_scoped3A : memref<!tpu.dma_semaphore, #tpu.memory_space<semaphore_mem>>) src(%dma_wait3A_711 : memref<26x128xi32, #tpu.memory_space<hbm>>) dst(%arg10 : memref<26x128xi32, #tpu.memory_space<vmem>>)
      tpu.yield
    }) : () -> ()
    %scan3A_117 = arith.constant 0 : i32
    %scan3A_118 = arith.constant 0 : i32
    %scan3A_119 = arith.constant 0 : i32
    %scan3A_120 = arith.constant 26 : i32
    %scan3A_121 = arith.addi %scan3A_119, %scan3A_120 : i32
    %scan3A_122 = arith.constant 1 : i32
    scf.for %scan3A_704 = %scan3A_119 to %scan3A_121 step %scan3A_122  : i32 {
      %mul3A_705 = arith.constant 128 : i32
      %mul3A_706 = arith.muli %scan3A_704, %mul3A_705 : i32
      %dma_start3A_707 = tpu.memref_slice %arg13[%mul3A_706] : memref<3328xf32, #tpu.memory_space<vmem>> -> memref<128xf32, #tpu.memory_space<vmem>>
      %dma_start3A_708 = arith.constant 0 : i32
      %dma_start3A_709 = tpu.memref_slice %arg10[%scan3A_704, %dma_start3A_708] : memref<26x128xi32, #tpu.memory_space<vmem>> -> memref<1x128xi32, #tpu.memory_space<vmem>>
      %dma_start3A_710 = tpu.memref_squeeze %dma_start3A_709 : memref<1x128xi32, #tpu.memory_space<vmem>> -> memref<128xi32, #tpu.memory_space<vmem>>
      %dma_start3A_711 = arith.constant 0 : i32
      %dma_start3A_712 = tpu.memref_slice %arg4[%scan3A_118, %dma_start3A_711] : memref<1x1000000xf32, #tpu.memory_space<hbm>> -> memref<1x1000000xf32, #tpu.memory_space<hbm>>
      %dma_start3A_713 = tpu.memref_squeeze %dma_start3A_712 : memref<1x1000000xf32, #tpu.memory_space<hbm>> -> memref<1000000xf32, #tpu.memory_space<hbm>>
      %dma_start3A_714 = arith.constant 0 : i32
      %dma_start3A_715 = tpu.memref_slice %dma_start3A_713[%dma_start3A_714] : memref<1000000xf32, #tpu.memory_space<hbm>> -> memref<1000000xf32, #tpu.memory_space<hbm>>
      tpu.enqueue_indirect_dma source(%dma_start3A_715 : memref<1000000xf32, #tpu.memory_space<hbm>>) target(%dma_start3A_707 : memref<128xf32, #tpu.memory_space<vmem>>) offsets(%dma_start3A_710 : memref<128xi32, #tpu.memory_space<vmem>>) semaphore(%arg18 : memref<!tpu.dma_semaphore, #tpu.memory_space<semaphore_mem>>)
    }
    %scan3A_123 = arith.constant 26 : i32
    %scan3A_124 = arith.constant 0 : i32
    %scan3A_125 = arith.constant 0 : i32
    %scan3A_126 = arith.constant 0 : i32
    %scan3A_127 = arith.constant 26 : i32
    %scan3A_128 = arith.addi %scan3A_126, %scan3A_127 : i32
    %scan3A_129 = arith.constant 1 : i32
    scf.for %scan3A_704 = %scan3A_126 to %scan3A_128 step %scan3A_129  : i32 {
      %mul3A_705 = arith.constant 128 : i32
      %mul3A_706 = arith.muli %scan3A_704, %mul3A_705 : i32
      %dma_wait3A_707 = tpu.memref_slice %arg12[%mul3A_706] : memref<3328xf32, #tpu.memory_space<vmem>> -> memref<128xf32, #tpu.memory_space<vmem>>
      %dma_wait3A_708 = arith.constant 0 : i32
      %dma_wait3A_709 = tpu.memref_slice %arg9[%scan3A_704, %dma_wait3A_708] : memref<26x128xi32, #tpu.memory_space<vmem>> -> memref<1x128xi32, #tpu.memory_space<vmem>>
      %dma_wait3A_710 = tpu.memref_squeeze %dma_wait3A_709 : memref<1x128xi32, #tpu.memory_space<vmem>> -> memref<128xi32, #tpu.memory_space<vmem>>
      %dma_wait3A_711 = arith.constant 0 : i32
      %dma_wait3A_712 = tpu.memref_slice %arg4[%scan3A_125, %dma_wait3A_711] : memref<1x1000000xf32, #tpu.memory_space<hbm>> -> memref<1x1000000xf32, #tpu.memory_space<hbm>>
      %dma_wait3A_713 = tpu.memref_squeeze %dma_wait3A_712 : memref<1x1000000xf32, #tpu.memory_space<hbm>> -> memref<1000000xf32, #tpu.memory_space<hbm>>
      %dma_wait3A_714 = arith.constant 0 : i32
      %dma_wait3A_715 = tpu.memref_slice %dma_wait3A_713[%dma_wait3A_714] : memref<1000000xf32, #tpu.memory_space<hbm>> -> memref<1000000xf32, #tpu.memory_space<hbm>>
      tpu.wait_indirect_dma semaphore(%arg17 : memref<!tpu.dma_semaphore, #tpu.memory_space<semaphore_mem>>) src(%dma_wait3A_715 : memref<1000000xf32, #tpu.memory_space<hbm>>) dst(%dma_wait3A_707 : memref<128xf32, #tpu.memory_space<vmem>>)
    }
    %scan3A_130 = arith.constant 26 : i32
    %scan3A_131 = arith.constant 0 : i32
    %scan3A_132 = arith.constant 26 : i32
    %scan3A_133 = arith.addi %scan3A_131, %scan3A_132 : i32
    %scan3A_134 = arith.constant 1 : i32
    %scan3A_135:8 = scf.for %scan3A_704 = %scan3A_131 to %scan3A_133 step %scan3A_134 iter_args(%scan3A_705 = %scan3A_107#0, %scan3A_706 = %scan3A_107#1, %scan3A_707 = %scan3A_107#2, %scan3A_708 = %scan3A_107#3, %scan3A_709 = %scan3A_107#4, %scan3A_710 = %scan3A_107#5, %scan3A_711 = %scan3A_107#6, %scan3A_712 = %scan3A_107#7) -> (vector<16xf32>, vector<16xf32>, vector<16xf32>, vector<16xf32>, vector<16xf32>, vector<16xf32>, vector<16xf32>, vector<16xf32>)  : i32 {
      %mul3A_713 = arith.constant 128 : i32
      %mul3A_714 = arith.muli %scan3A_704, %mul3A_713 : i32
      %add3A_715 = arith.constant 0 : i32
      %add3A_716 = arith.addi %mul3A_714, %add3A_715 : i32
      %get3A_717 = arith.index_cast %add3A_716 : i32 to index
      %get3A_718 = tpu.vector_load %arg12[%get3A_717] {strides = array<i32>} : memref<3328xf32, #tpu.memory_space<vmem>>, vector<16xf32>,
      %add3A_719 = arith.addf %scan3A_705, %get3A_718 : vector<16xf32>
      %mul3A_720 = arith.constant 128 : i32
      %mul3A_721 = arith.muli %scan3A_704, %mul3A_720 : i32
      %add3A_722 = arith.constant 16 : i32
      %add3A_723 = arith.addi %mul3A_721, %add3A_722 : i32
      %get3A_724 = arith.index_cast %add3A_723 : i32 to index
      %get3A_725 = tpu.vector_load %arg12[%get3A_724] {strides = array<i32>} : memref<3328xf32, #tpu.memory_space<vmem>>, vector<16xf32>,
      %add3A_726 = arith.addf %scan3A_706, %get3A_725 : vector<16xf32>
      %mul3A_727 = arith.constant 128 : i32
      %mul3A_728 = arith.muli %scan3A_704, %mul3A_727 : i32
      %add3A_729 = arith.constant 32 : i32
      %add3A_730 = arith.addi %mul3A_728, %add3A_729 : i32
      %get3A_731 = arith.index_cast %add3A_730 : i32 to index
      %get3A_732 = tpu.vector_load %arg12[%get3A_731] {strides = array<i32>} : memref<3328xf32, #tpu.memory_space<vmem>>, vector<16xf32>,
      %add3A_733 = arith.addf %scan3A_707, %get3A_732 : vector<16xf32>
      %mul3A_734 = arith.constant 128 : i32
      %mul3A_735 = arith.muli %scan3A_704, %mul3A_734 : i32
      %add3A_736 = arith.constant 48 : i32
      %add3A_737 = arith.addi %mul3A_735, %add3A_736 : i32
      %get3A_738 = arith.index_cast %add3A_737 : i32 to index
      %get3A_739 = tpu.vector_load %arg12[%get3A_738] {strides = array<i32>} : memref<3328xf32, #tpu.memory_space<vmem>>, vector<16xf32>,
      %add3A_740 = arith.addf %scan3A_708, %get3A_739 : vector<16xf32>
      %mul3A_741 = arith.constant 128 : i32
      %mul3A_742 = arith.muli %scan3A_704, %mul3A_741 : i32
      %add3A_743 = arith.constant 64 : i32
      %add3A_744 = arith.addi %mul3A_742, %add3A_743 : i32
      %get3A_745 = arith.index_cast %add3A_744 : i32 to index
      %get3A_746 = tpu.vector_load %arg12[%get3A_745] {strides = array<i32>} : memref<3328xf32, #tpu.memory_space<vmem>>, vector<16xf32>,
      %add3A_747 = arith.addf %scan3A_709, %get3A_746 : vector<16xf32>
      %mul3A_748 = arith.constant 128 : i32
      %mul3A_749 = arith.muli %scan3A_704, %mul3A_748 : i32
      %add3A_750 = arith.constant 80 : i32
      %add3A_751 = arith.addi %mul3A_749, %add3A_750 : i32
      %get3A_752 = arith.index_cast %add3A_751 : i32 to index
      %get3A_753 = tpu.vector_load %arg12[%get3A_752] {strides = array<i32>} : memref<3328xf32, #tpu.memory_space<vmem>>, vector<16xf32>,
      %add3A_754 = arith.addf %scan3A_710, %get3A_753 : vector<16xf32>
      %mul3A_755 = arith.constant 128 : i32
      %mul3A_756 = arith.muli %scan3A_704, %mul3A_755 : i32
      %add3A_757 = arith.constant 96 : i32
      %add3A_758 = arith.addi %mul3A_756, %add3A_757 : i32
      %get3A_759 = arith.index_cast %add3A_758 : i32 to index
      %get3A_760 = tpu.vector_load %arg12[%get3A_759] {strides = array<i32>} : memref<3328xf32, #tpu.memory_space<vmem>>, vector<16xf32>,
      %add3A_761 = arith.addf %scan3A_711, %get3A_760 : vector<16xf32>
      %mul3A_762 = arith.constant 128 : i32
      %mul3A_763 = arith.muli %scan3A_704, %mul3A_762 : i32
      %add3A_764 = arith.constant 112 : i32
      %add3A_765 = arith.addi %mul3A_763, %add3A_764 : i32
      %get3A_766 = arith.index_cast %add3A_765 : i32 to index
      %get3A_767 = tpu.vector_load %arg12[%get3A_766] {strides = array<i32>} : memref<3328xf32, #tpu.memory_space<vmem>>, vector<16xf32>,
      %add3A_768 = arith.addf %scan3A_712, %get3A_767 : vector<16xf32>
      scf.yield %add3A_719, %add3A_726, %add3A_733, %add3A_740, %add3A_747, %add3A_754, %add3A_761, %add3A_768 : vector<16xf32>, vector<16xf32>, vector<16xf32>, vector<16xf32>, vector<16xf32>, vector<16xf32>, vector<16xf32>, vector<16xf32>
    }
    %scan3A_136 = arith.constant 26 : i32
    %get3A = arith.constant 0 : index
    %get3A_137 = tpu.vector_load %arg15[%get3A] {strides = array<i32>} : memref<16xf32, #tpu.memory_space<vmem>>, vector<16xf32>,
    %add3A_138 = arith.addf %scan3A_135#0, %get3A_137 : vector<16xf32>
    %neg3A = arith.constant 0.000000e+00 : f32
    %neg3A_139 = vector.broadcast %neg3A : f32 to vector<16xf32>
    %neg3A_140 = arith.subf %neg3A_139, %add3A_138 : vector<16xf32>
    %exp3A = math.exp %neg3A_140 : vector<16xf32>
    %add3A_141 = arith.constant 1.000000e+00 : f32
    %add3A_142 = vector.broadcast %add3A_141 : f32 to vector<16xf32>
    %add3A_143 = arith.addf %add3A_142, %exp3A : vector<16xf32>
    %div3A = arith.constant 1.000000e+00 : f32
    %div3A_144 = vector.broadcast %div3A : f32 to vector<16xf32>
    %div3A_145 = arith.divf %div3A_144, %add3A_143 : vector<16xf32>
    %swap3A_146 = arith.constant 0 : index
    %swap3A_147 = tpu.vector_load %arg14[%swap3A_146] {strides = array<i32>} : memref<512xf32, #tpu.memory_space<vmem>>, vector<16xf32>,
    tpu.vector_store %arg14[%swap3A_146], %div3A_145 {strides = array<i32>} : memref<512xf32, #tpu.memory_space<vmem>>, vector<16xf32>,
    %add3A_148 = arith.addf %scan3A_135#1, %get3A_137 : vector<16xf32>
    %neg3A_149 = arith.constant 0.000000e+00 : f32
    %neg3A_150 = vector.broadcast %neg3A_149 : f32 to vector<16xf32>
    %neg3A_151 = arith.subf %neg3A_150, %add3A_148 : vector<16xf32>
    %exp3A_152 = math.exp %neg3A_151 : vector<16xf32>
    %add3A_153 = arith.constant 1.000000e+00 : f32
    %add3A_154 = vector.broadcast %add3A_153 : f32 to vector<16xf32>
    %add3A_155 = arith.addf %add3A_154, %exp3A_152 : vector<16xf32>
    %div3A_156 = arith.constant 1.000000e+00 : f32
    %div3A_157 = vector.broadcast %div3A_156 : f32 to vector<16xf32>
    %div3A_158 = arith.divf %div3A_157, %add3A_155 : vector<16xf32>
    %swap3A_159 = arith.constant 16 : index
    %swap3A_160 = tpu.vector_load %arg14[%swap3A_159] {strides = array<i32>} : memref<512xf32, #tpu.memory_space<vmem>>, vector<16xf32>,
    tpu.vector_store %arg14[%swap3A_159], %div3A_158 {strides = array<i32>} : memref<512xf32, #tpu.memory_space<vmem>>, vector<16xf32>,
    %add3A_161 = arith.addf %scan3A_135#2, %get3A_137 : vector<16xf32>
    %neg3A_162 = arith.constant 0.000000e+00 : f32
    %neg3A_163 = vector.broadcast %neg3A_162 : f32 to vector<16xf32>
    %neg3A_164 = arith.subf %neg3A_163, %add3A_161 : vector<16xf32>
    %exp3A_165 = math.exp %neg3A_164 : vector<16xf32>
    %add3A_166 = arith.constant 1.000000e+00 : f32
    %add3A_167 = vector.broadcast %add3A_166 : f32 to vector<16xf32>
    %add3A_168 = arith.addf %add3A_167, %exp3A_165 : vector<16xf32>
    %div3A_169 = arith.constant 1.000000e+00 : f32
    %div3A_170 = vector.broadcast %div3A_169 : f32 to vector<16xf32>
    %div3A_171 = arith.divf %div3A_170, %add3A_168 : vector<16xf32>
    %swap3A_172 = arith.constant 32 : index
    %swap3A_173 = tpu.vector_load %arg14[%swap3A_172] {strides = array<i32>} : memref<512xf32, #tpu.memory_space<vmem>>, vector<16xf32>,
    tpu.vector_store %arg14[%swap3A_172], %div3A_171 {strides = array<i32>} : memref<512xf32, #tpu.memory_space<vmem>>, vector<16xf32>,
    %add3A_174 = arith.addf %scan3A_135#3, %get3A_137 : vector<16xf32>
    %neg3A_175 = arith.constant 0.000000e+00 : f32
    %neg3A_176 = vector.broadcast %neg3A_175 : f32 to vector<16xf32>
    %neg3A_177 = arith.subf %neg3A_176, %add3A_174 : vector<16xf32>
    %exp3A_178 = math.exp %neg3A_177 : vector<16xf32>
    %add3A_179 = arith.constant 1.000000e+00 : f32
    %add3A_180 = vector.broadcast %add3A_179 : f32 to vector<16xf32>
    %add3A_181 = arith.addf %add3A_180, %exp3A_178 : vector<16xf32>
    %div3A_182 = arith.constant 1.000000e+00 : f32
    %div3A_183 = vector.broadcast %div3A_182 : f32 to vector<16xf32>
    %div3A_184 = arith.divf %div3A_183, %add3A_181 : vector<16xf32>
    %swap3A_185 = arith.constant 48 : index
    %swap3A_186 = tpu.vector_load %arg14[%swap3A_185] {strides = array<i32>} : memref<512xf32, #tpu.memory_space<vmem>>, vector<16xf32>,
    tpu.vector_store %arg14[%swap3A_185], %div3A_184 {strides = array<i32>} : memref<512xf32, #tpu.memory_space<vmem>>, vector<16xf32>,
    %add3A_187 = arith.addf %scan3A_135#4, %get3A_137 : vector<16xf32>
    %neg3A_188 = arith.constant 0.000000e+00 : f32
    %neg3A_189 = vector.broadcast %neg3A_188 : f32 to vector<16xf32>
    %neg3A_190 = arith.subf %neg3A_189, %add3A_187 : vector<16xf32>
    %exp3A_191 = math.exp %neg3A_190 : vector<16xf32>
    %add3A_192 = arith.constant 1.000000e+00 : f32
    %add3A_193 = vector.broadcast %add3A_192 : f32 to vector<16xf32>
    %add3A_194 = arith.addf %add3A_193, %exp3A_191 : vector<16xf32>
    %div3A_195 = arith.constant 1.000000e+00 : f32
    %div3A_196 = vector.broadcast %div3A_195 : f32 to vector<16xf32>
    %div3A_197 = arith.divf %div3A_196, %add3A_194 : vector<16xf32>
    %swap3A_198 = arith.constant 64 : index
    %swap3A_199 = tpu.vector_load %arg14[%swap3A_198] {strides = array<i32>} : memref<512xf32, #tpu.memory_space<vmem>>, vector<16xf32>,
    tpu.vector_store %arg14[%swap3A_198], %div3A_197 {strides = array<i32>} : memref<512xf32, #tpu.memory_space<vmem>>, vector<16xf32>,
    %add3A_200 = arith.addf %scan3A_135#5, %get3A_137 : vector<16xf32>
    %neg3A_201 = arith.constant 0.000000e+00 : f32
    %neg3A_202 = vector.broadcast %neg3A_201 : f32 to vector<16xf32>
    %neg3A_203 = arith.subf %neg3A_202, %add3A_200 : vector<16xf32>
    %exp3A_204 = math.exp %neg3A_203 : vector<16xf32>
    %add3A_205 = arith.constant 1.000000e+00 : f32
    %add3A_206 = vector.broadcast %add3A_205 : f32 to vector<16xf32>
    %add3A_207 = arith.addf %add3A_206, %exp3A_204 : vector<16xf32>
    %div3A_208 = arith.constant 1.000000e+00 : f32
    %div3A_209 = vector.broadcast %div3A_208 : f32 to vector<16xf32>
    %div3A_210 = arith.divf %div3A_209, %add3A_207 : vector<16xf32>
    %swap3A_211 = arith.constant 80 : index
    %swap3A_212 = tpu.vector_load %arg14[%swap3A_211] {strides = array<i32>} : memref<512xf32, #tpu.memory_space<vmem>>, vector<16xf32>,
    tpu.vector_store %arg14[%swap3A_211], %div3A_210 {strides = array<i32>} : memref<512xf32, #tpu.memory_space<vmem>>, vector<16xf32>,
    %add3A_213 = arith.addf %scan3A_135#6, %get3A_137 : vector<16xf32>
    %neg3A_214 = arith.constant 0.000000e+00 : f32
    %neg3A_215 = vector.broadcast %neg3A_214 : f32 to vector<16xf32>
    %neg3A_216 = arith.subf %neg3A_215, %add3A_213 : vector<16xf32>
    %exp3A_217 = math.exp %neg3A_216 : vector<16xf32>
    %add3A_218 = arith.constant 1.000000e+00 : f32
    %add3A_219 = vector.broadcast %add3A_218 : f32 to vector<16xf32>
    %add3A_220 = arith.addf %add3A_219, %exp3A_217 : vector<16xf32>
    %div3A_221 = arith.constant 1.000000e+00 : f32
    %div3A_222 = vector.broadcast %div3A_221 : f32 to vector<16xf32>
    %div3A_223 = arith.divf %div3A_222, %add3A_220 : vector<16xf32>
    %swap3A_224 = arith.constant 96 : index
    %swap3A_225 = tpu.vector_load %arg14[%swap3A_224] {strides = array<i32>} : memref<512xf32, #tpu.memory_space<vmem>>, vector<16xf32>,
    tpu.vector_store %arg14[%swap3A_224], %div3A_223 {strides = array<i32>} : memref<512xf32, #tpu.memory_space<vmem>>, vector<16xf32>,
    %add3A_226 = arith.addf %scan3A_135#7, %get3A_137 : vector<16xf32>
    %neg3A_227 = arith.constant 0.000000e+00 : f32
    %neg3A_228 = vector.broadcast %neg3A_227 : f32 to vector<16xf32>
    %neg3A_229 = arith.subf %neg3A_228, %add3A_226 : vector<16xf32>
    %exp3A_230 = math.exp %neg3A_229 : vector<16xf32>
    %add3A_231 = arith.constant 1.000000e+00 : f32
    %add3A_232 = vector.broadcast %add3A_231 : f32 to vector<16xf32>
    %add3A_233 = arith.addf %add3A_232, %exp3A_230 : vector<16xf32>
    %div3A_234 = arith.constant 1.000000e+00 : f32
    %div3A_235 = vector.broadcast %div3A_234 : f32 to vector<16xf32>
    %div3A_236 = arith.divf %div3A_235, %add3A_233 : vector<16xf32>
    %swap3A_237 = arith.constant 112 : index
    %swap3A_238 = tpu.vector_load %arg14[%swap3A_237] {strides = array<i32>} : memref<512xf32, #tpu.memory_space<vmem>>, vector<16xf32>,
    tpu.vector_store %arg14[%swap3A_237], %div3A_236 {strides = array<i32>} : memref<512xf32, #tpu.memory_space<vmem>>, vector<16xf32>,
    %dma_wait3A_239 = arith.constant 0 : i32
    %dma_wait3A_240 = tpu.memref_slice %arg3[%dma_wait3A_239, %add3A_110] : memref<100x16384xi32, #tpu.memory_space<hbm>> -> memref<100x128xi32, #tpu.memory_space<hbm>>
    %dma_wait3A_241 = arith.constant 0 : i32
    %dma_wait3A_242 = tpu.memref_slice %arg3[%dma_wait3A_241, %add3A_110] : memref<100x16384xi32, #tpu.memory_space<hbm>> -> memref<100x128xi32, #tpu.memory_space<hbm>>
    tpu.wait_dma2 semaphore(%arg20 : memref<!tpu.dma_semaphore, #tpu.memory_space<semaphore_mem>>) src(%dma_wait3A_242 : memref<100x128xi32, #tpu.memory_space<hbm>>) dst(%arg11 : memref<100x128xi32, #tpu.memory_space<vmem>>)
    %broadcast_in_dim3A_243 = arith.constant 0.000000e+00 : f32
    %broadcast_in_dim3A_244 = vector.broadcast %broadcast_in_dim3A_243 : f32 to vector<16xf32>
    %broadcast_in_dim3A_245 = arith.constant 0.000000e+00 : f32
    %broadcast_in_dim3A_246 = vector.broadcast %broadcast_in_dim3A_245 : f32 to vector<16xf32>
    %broadcast_in_dim3A_247 = arith.constant 0.000000e+00 : f32
    %broadcast_in_dim3A_248 = vector.broadcast %broadcast_in_dim3A_247 : f32 to vector<16xf32>
    %broadcast_in_dim3A_249 = arith.constant 0.000000e+00 : f32
    %broadcast_in_dim3A_250 = vector.broadcast %broadcast_in_dim3A_249 : f32 to vector<16xf32>
    %broadcast_in_dim3A_251 = arith.constant 0.000000e+00 : f32
    %broadcast_in_dim3A_252 = vector.broadcast %broadcast_in_dim3A_251 : f32 to vector<16xf32>
    %broadcast_in_dim3A_253 = arith.constant 0.000000e+00 : f32
    %broadcast_in_dim3A_254 = vector.broadcast %broadcast_in_dim3A_253 : f32 to vector<16xf32>
    %broadcast_in_dim3A_255 = arith.constant 0.000000e+00 : f32
    %broadcast_in_dim3A_256 = vector.broadcast %broadcast_in_dim3A_255 : f32 to vector<16xf32>
    %broadcast_in_dim3A_257 = arith.constant 0.000000e+00 : f32
    %broadcast_in_dim3A_258 = vector.broadcast %broadcast_in_dim3A_257 : f32 to vector<16xf32>
    %scan3A_259 = arith.constant 0 : i32
    %scan3A_260 = arith.constant 100 : i32
    %scan3A_261 = arith.addi %scan3A_259, %scan3A_260 : i32
    %scan3A_262 = arith.constant 2 : i32
    %scan3A_263:8 = scf.for %scan3A_704 = %scan3A_259 to %scan3A_261 step %scan3A_262 iter_args(%scan3A_705 = %broadcast_in_dim3A_244, %scan3A_706 = %broadcast_in_dim3A_246, %scan3A_707 = %broadcast_in_dim3A_248, %scan3A_708 = %broadcast_in_dim3A_250, %scan3A_709 = %broadcast_in_dim3A_252, %scan3A_710 = %broadcast_in_dim3A_254, %scan3A_711 = %broadcast_in_dim3A_256, %scan3A_712 = %broadcast_in_dim3A_258) -> (vector<16xf32>, vector<16xf32>, vector<16xf32>, vector<16xf32>, vector<16xf32>, vector<16xf32>, vector<16xf32>, vector<16xf32>)  : i32 {
      %get3A_713 = arith.index_cast %scan3A_704 : i32 to index
      %get3A_714 = arith.constant 0 : index
      %get3A_715 = tpu.vector_load %arg11[%get3A_713, %get3A_714] {strides = array<i32>} : memref<100x128xi32, #tpu.memory_space<vmem>>, vector<16xi32>,
      %gather3A = tpu.vector_load_idx %arg8[%get3A_715] : memref<100096xf32, #tpu.memory_space<vmem>>[vector<16xi32>], vector<16xf32>,
      %add3A_716 = arith.addf %scan3A_705, %gather3A : vector<16xf32>
      %get3A_717 = arith.index_cast %scan3A_704 : i32 to index
      %get3A_718 = arith.constant 16 : index
      %get3A_719 = tpu.vector_load %arg11[%get3A_717, %get3A_718] {strides = array<i32>} : memref<100x128xi32, #tpu.memory_space<vmem>>, vector<16xi32>,
      %gather3A_720 = tpu.vector_load_idx %arg8[%get3A_719] : memref<100096xf32, #tpu.memory_space<vmem>>[vector<16xi32>], vector<16xf32>,
      %add3A_721 = arith.addf %scan3A_706, %gather3A_720 : vector<16xf32>
      %get3A_722 = arith.index_cast %scan3A_704 : i32 to index
      %get3A_723 = arith.constant 32 : index
      %get3A_724 = tpu.vector_load %arg11[%get3A_722, %get3A_723] {strides = array<i32>} : memref<100x128xi32, #tpu.memory_space<vmem>>, vector<16xi32>,
      %gather3A_725 = tpu.vector_load_idx %arg8[%get3A_724] : memref<100096xf32, #tpu.memory_space<vmem>>[vector<16xi32>], vector<16xf32>,
      %add3A_726 = arith.addf %scan3A_707, %gather3A_725 : vector<16xf32>
      %get3A_727 = arith.index_cast %scan3A_704 : i32 to index
      %get3A_728 = arith.constant 48 : index
      %get3A_729 = tpu.vector_load %arg11[%get3A_727, %get3A_728] {strides = array<i32>} : memref<100x128xi32, #tpu.memory_space<vmem>>, vector<16xi32>,
      %gather3A_730 = tpu.vector_load_idx %arg8[%get3A_729] : memref<100096xf32, #tpu.memory_space<vmem>>[vector<16xi32>], vector<16xf32>,
      %add3A_731 = arith.addf %scan3A_708, %gather3A_730 : vector<16xf32>
      %get3A_732 = arith.index_cast %scan3A_704 : i32 to index
      %get3A_733 = arith.constant 64 : index
      %get3A_734 = tpu.vector_load %arg11[%get3A_732, %get3A_733] {strides = array<i32>} : memref<100x128xi32, #tpu.memory_space<vmem>>, vector<16xi32>,
      %gather3A_735 = tpu.vector_load_idx %arg8[%get3A_734] : memref<100096xf32, #tpu.memory_space<vmem>>[vector<16xi32>], vector<16xf32>,
      %add3A_736 = arith.addf %scan3A_709, %gather3A_735 : vector<16xf32>
      %get3A_737 = arith.index_cast %scan3A_704 : i32 to index
      %get3A_738 = arith.constant 80 : index
      %get3A_739 = tpu.vector_load %arg11[%get3A_737, %get3A_738] {strides = array<i32>} : memref<100x128xi32, #tpu.memory_space<vmem>>, vector<16xi32>,
      %gather3A_740 = tpu.vector_load_idx %arg8[%get3A_739] : memref<100096xf32, #tpu.memory_space<vmem>>[vector<16xi32>], vector<16xf32>,
      %add3A_741 = arith.addf %scan3A_710, %gather3A_740 : vector<16xf32>
      %get3A_742 = arith.index_cast %scan3A_704 : i32 to index
      %get3A_743 = arith.constant 96 : index
      %get3A_744 = tpu.vector_load %arg11[%get3A_742, %get3A_743] {strides = array<i32>} : memref<100x128xi32, #tpu.memory_space<vmem>>, vector<16xi32>,
      %gather3A_745 = tpu.vector_load_idx %arg8[%get3A_744] : memref<100096xf32, #tpu.memory_space<vmem>>[vector<16xi32>], vector<16xf32>,
      %add3A_746 = arith.addf %scan3A_711, %gather3A_745 : vector<16xf32>
      %get3A_747 = arith.index_cast %scan3A_704 : i32 to index
      %get3A_748 = arith.constant 112 : index
      %get3A_749 = tpu.vector_load %arg11[%get3A_747, %get3A_748] {strides = array<i32>} : memref<100x128xi32, #tpu.memory_space<vmem>>, vector<16xi32>,
      %gather3A_750 = tpu.vector_load_idx %arg8[%get3A_749] : memref<100096xf32, #tpu.memory_space<vmem>>[vector<16xi32>], vector<16xf32>,
      %add3A_751 = arith.addf %scan3A_712, %gather3A_750 : vector<16xf32>
      %scan3A_752 = arith.constant 1 : i32
      %scan3A_753 = arith.addi %scan3A_704, %scan3A_752 : i32
      %get3A_754 = arith.index_cast %scan3A_753 : i32 to index
      %get3A_755 = arith.constant 0 : index
      %get3A_756 = tpu.vector_load %arg11[%get3A_754, %get3A_755] {strides = array<i32>} : memref<100x128xi32, #tpu.memory_space<vmem>>, vector<16xi32>,
      %gather3A_757 = tpu.vector_load_idx %arg8[%get3A_756] : memref<100096xf32, #tpu.memory_space<vmem>>[vector<16xi32>], vector<16xf32>,
      %add3A_758 = arith.addf %add3A_716, %gather3A_757 : vector<16xf32>
      %get3A_759 = arith.index_cast %scan3A_753 : i32 to index
      %get3A_760 = arith.constant 16 : index
      %get3A_761 = tpu.vector_load %arg11[%get3A_759, %get3A_760] {strides = array<i32>} : memref<100x128xi32, #tpu.memory_space<vmem>>, vector<16xi32>,
      %gather3A_762 = tpu.vector_load_idx %arg8[%get3A_761] : memref<100096xf32, #tpu.memory_space<vmem>>[vector<16xi32>], vector<16xf32>,
      %add3A_763 = arith.addf %add3A_721, %gather3A_762 : vector<16xf32>
      %get3A_764 = arith.index_cast %scan3A_753 : i32 to index
      %get3A_765 = arith.constant 32 : index
      %get3A_766 = tpu.vector_load %arg11[%get3A_764, %get3A_765] {strides = array<i32>} : memref<100x128xi32, #tpu.memory_space<vmem>>, vector<16xi32>,
      %gather3A_767 = tpu.vector_load_idx %arg8[%get3A_766] : memref<100096xf32, #tpu.memory_space<vmem>>[vector<16xi32>], vector<16xf32>,
      %add3A_768 = arith.addf %add3A_726, %gather3A_767 : vector<16xf32>
      %get3A_769 = arith.index_cast %scan3A_753 : i32 to index
      %get3A_770 = arith.constant 48 : index
      %get3A_771 = tpu.vector_load %arg11[%get3A_769, %get3A_770] {strides = array<i32>} : memref<100x128xi32, #tpu.memory_space<vmem>>, vector<16xi32>,
      %gather3A_772 = tpu.vector_load_idx %arg8[%get3A_771] : memref<100096xf32, #tpu.memory_space<vmem>>[vector<16xi32>], vector<16xf32>,
      %add3A_773 = arith.addf %add3A_731, %gather3A_772 : vector<16xf32>
      %get3A_774 = arith.index_cast %scan3A_753 : i32 to index
      %get3A_775 = arith.constant 64 : index
      %get3A_776 = tpu.vector_load %arg11[%get3A_774, %get3A_775] {strides = array<i32>} : memref<100x128xi32, #tpu.memory_space<vmem>>, vector<16xi32>,
      %gather3A_777 = tpu.vector_load_idx %arg8[%get3A_776] : memref<100096xf32, #tpu.memory_space<vmem>>[vector<16xi32>], vector<16xf32>,
      %add3A_778 = arith.addf %add3A_736, %gather3A_777 : vector<16xf32>
      %get3A_779 = arith.index_cast %scan3A_753 : i32 to index
      %get3A_780 = arith.constant 80 : index
      %get3A_781 = tpu.vector_load %arg11[%get3A_779, %get3A_780] {strides = array<i32>} : memref<100x128xi32, #tpu.memory_space<vmem>>, vector<16xi32>,
      %gather3A_782 = tpu.vector_load_idx %arg8[%get3A_781] : memref<100096xf32, #tpu.memory_space<vmem>>[vector<16xi32>], vector<16xf32>,
      %add3A_783 = arith.addf %add3A_741, %gather3A_782 : vector<16xf32>
      %get3A_784 = arith.index_cast %scan3A_753 : i32 to index
      %get3A_785 = arith.constant 96 : index
      %get3A_786 = tpu.vector_load %arg11[%get3A_784, %get3A_785] {strides = array<i32>} : memref<100x128xi32, #tpu.memory_space<vmem>>, vector<16xi32>,
      %gather3A_787 = tpu.vector_load_idx %arg8[%get3A_786] : memref<100096xf32, #tpu.memory_space<vmem>>[vector<16xi32>], vector<16xf32>,
      %add3A_788 = arith.addf %add3A_746, %gather3A_787 : vector<16xf32>
      %get3A_789 = arith.index_cast %scan3A_753 : i32 to index
      %get3A_790 = arith.constant 112 : index
      %get3A_791 = tpu.vector_load %arg11[%get3A_789, %get3A_790] {strides = array<i32>} : memref<100x128xi32, #tpu.memory_space<vmem>>, vector<16xi32>,
      %gather3A_792 = tpu.vector_load_idx %arg8[%get3A_791] : memref<100096xf32, #tpu.memory_space<vmem>>[vector<16xi32>], vector<16xf32>,
      %add3A_793 = arith.addf %add3A_751, %gather3A_792 : vector<16xf32>
      scf.yield %add3A_758, %add3A_763, %add3A_768, %add3A_773, %add3A_778, %add3A_783, %add3A_788, %add3A_793 : vector<16xf32>, vector<16xf32>, vector<16xf32>, vector<16xf32>, vector<16xf32>, vector<16xf32>, vector<16xf32>, vector<16xf32>
    }
    %scan3A_264 = arith.constant 100 : i32
    %add3A_265 = arith.constant 256 : i32
    %add3A_266 = arith.addi %mul3A_2, %add3A_265 : i32
    %dma_start3A_267 = arith.constant 0 : i32
    %dma_start3A_268 = tpu.memref_slice %arg3[%dma_start3A_267, %add3A_266] : memref<100x16384xi32, #tpu.memory_space<hbm>> -> memref<100x128xi32, #tpu.memory_space<hbm>>
    %dma_start3A_269 = arith.constant 0 : i32
    %dma_start3A_270 = tpu.memref_slice %arg3[%dma_start3A_269, %add3A_266] : memref<100x16384xi32, #tpu.memory_space<hbm>> -> memref<100x128xi32, #tpu.memory_space<hbm>>
    tpu.enqueue_dma source(%dma_start3A_270 : memref<100x128xi32, #tpu.memory_space<hbm>>) target(%arg11 : memref<100x128xi32, #tpu.memory_space<vmem>>) target_semaphore(%arg20 : memref<!tpu.dma_semaphore, #tpu.memory_space<semaphore_mem>>)
    %add3A_271 = arith.constant 256 : i32
    %add3A_272 = arith.addi %mul3A_2, %add3A_271 : i32
    "tpu.region"() ({
      %run_scoped3A = tpu.sem_alloc : memref<!tpu.dma_semaphore, #tpu.memory_space<semaphore_mem>>
      %dma_start3A_704 = arith.constant 0 : i32
      %dma_start3A_705 = tpu.memref_slice %arg2[%dma_start3A_704, %add3A_272] : memref<26x16384xi32, #tpu.memory_space<hbm>> -> memref<26x128xi32, #tpu.memory_space<hbm>>
      %dma_start3A_706 = arith.constant 0 : i32
      %dma_start3A_707 = tpu.memref_slice %arg2[%dma_start3A_706, %add3A_272] : memref<26x16384xi32, #tpu.memory_space<hbm>> -> memref<26x128xi32, #tpu.memory_space<hbm>>
      tpu.enqueue_dma source(%dma_start3A_707 : memref<26x128xi32, #tpu.memory_space<hbm>>) target(%arg9 : memref<26x128xi32, #tpu.memory_space<vmem>>) target_semaphore(%run_scoped3A : memref<!tpu.dma_semaphore, #tpu.memory_space<semaphore_mem>>)
      %dma_wait3A_708 = arith.constant 0 : i32
      %dma_wait3A_709 = tpu.memref_slice %arg2[%dma_wait3A_708, %add3A_272] : memref<26x16384xi32, #tpu.memory_space<hbm>> -> memref<26x128xi32, #tpu.memory_space<hbm>>
      %dma_wait3A_710 = arith.constant 0 : i32
      %dma_wait3A_711 = tpu.memref_slice %arg2[%dma_wait3A_710, %add3A_272] : memref<26x16384xi32, #tpu.memory_space<hbm>> -> memref<26x128xi32, #tpu.memory_space<hbm>>
      tpu.wait_dma2 semaphore(%run_scoped3A : memref<!tpu.dma_semaphore, #tpu.memory_space<semaphore_mem>>) src(%dma_wait3A_711 : memref<26x128xi32, #tpu.memory_space<hbm>>) dst(%arg9 : memref<26x128xi32, #tpu.memory_space<vmem>>)
      tpu.yield
    }) : () -> ()
    %scan3A_273 = arith.constant 0 : i32
    %scan3A_274 = arith.constant 0 : i32
    %scan3A_275 = arith.constant 0 : i32
    %scan3A_276 = arith.constant 26 : i32
    %scan3A_277 = arith.addi %scan3A_275, %scan3A_276 : i32
    %scan3A_278 = arith.constant 1 : i32
    scf.for %scan3A_704 = %scan3A_275 to %scan3A_277 step %scan3A_278  : i32 {
      %mul3A_705 = arith.constant 128 : i32
      %mul3A_706 = arith.muli %scan3A_704, %mul3A_705 : i32
      %dma_start3A_707 = tpu.memref_slice %arg12[%mul3A_706] : memref<3328xf32, #tpu.memory_space<vmem>> -> memref<128xf32, #tpu.memory_space<vmem>>
      %dma_start3A_708 = arith.constant 0 : i32
      %dma_start3A_709 = tpu.memref_slice %arg9[%scan3A_704, %dma_start3A_708] : memref<26x128xi32, #tpu.memory_space<vmem>> -> memref<1x128xi32, #tpu.memory_space<vmem>>
      %dma_start3A_710 = tpu.memref_squeeze %dma_start3A_709 : memref<1x128xi32, #tpu.memory_space<vmem>> -> memref<128xi32, #tpu.memory_space<vmem>>
      %dma_start3A_711 = arith.constant 0 : i32
      %dma_start3A_712 = tpu.memref_slice %arg4[%scan3A_274, %dma_start3A_711] : memref<1x1000000xf32, #tpu.memory_space<hbm>> -> memref<1x1000000xf32, #tpu.memory_space<hbm>>
      %dma_start3A_713 = tpu.memref_squeeze %dma_start3A_712 : memref<1x1000000xf32, #tpu.memory_space<hbm>> -> memref<1000000xf32, #tpu.memory_space<hbm>>
      %dma_start3A_714 = arith.constant 0 : i32
      %dma_start3A_715 = tpu.memref_slice %dma_start3A_713[%dma_start3A_714] : memref<1000000xf32, #tpu.memory_space<hbm>> -> memref<1000000xf32, #tpu.memory_space<hbm>>
      tpu.enqueue_indirect_dma source(%dma_start3A_715 : memref<1000000xf32, #tpu.memory_space<hbm>>) target(%dma_start3A_707 : memref<128xf32, #tpu.memory_space<vmem>>) offsets(%dma_start3A_710 : memref<128xi32, #tpu.memory_space<vmem>>) semaphore(%arg17 : memref<!tpu.dma_semaphore, #tpu.memory_space<semaphore_mem>>)
    }
    %scan3A_279 = arith.constant 26 : i32
    %scan3A_280 = arith.constant 0 : i32
    %scan3A_281 = arith.constant 0 : i32
    %scan3A_282 = arith.constant 0 : i32
    %scan3A_283 = arith.constant 26 : i32
    %scan3A_284 = arith.addi %scan3A_282, %scan3A_283 : i32
    %scan3A_285 = arith.constant 1 : i32
    scf.for %scan3A_704 = %scan3A_282 to %scan3A_284 step %scan3A_285  : i32 {
      %mul3A_705 = arith.constant 128 : i32
      %mul3A_706 = arith.muli %scan3A_704, %mul3A_705 : i32
      %dma_wait3A_707 = tpu.memref_slice %arg13[%mul3A_706] : memref<3328xf32, #tpu.memory_space<vmem>> -> memref<128xf32, #tpu.memory_space<vmem>>
      %dma_wait3A_708 = arith.constant 0 : i32
      %dma_wait3A_709 = tpu.memref_slice %arg10[%scan3A_704, %dma_wait3A_708] : memref<26x128xi32, #tpu.memory_space<vmem>> -> memref<1x128xi32, #tpu.memory_space<vmem>>
      %dma_wait3A_710 = tpu.memref_squeeze %dma_wait3A_709 : memref<1x128xi32, #tpu.memory_space<vmem>> -> memref<128xi32, #tpu.memory_space<vmem>>
      %dma_wait3A_711 = arith.constant 0 : i32
      %dma_wait3A_712 = tpu.memref_slice %arg4[%scan3A_281, %dma_wait3A_711] : memref<1x1000000xf32, #tpu.memory_space<hbm>> -> memref<1x1000000xf32, #tpu.memory_space<hbm>>
      %dma_wait3A_713 = tpu.memref_squeeze %dma_wait3A_712 : memref<1x1000000xf32, #tpu.memory_space<hbm>> -> memref<1000000xf32, #tpu.memory_space<hbm>>
      %dma_wait3A_714 = arith.constant 0 : i32
      %dma_wait3A_715 = tpu.memref_slice %dma_wait3A_713[%dma_wait3A_714] : memref<1000000xf32, #tpu.memory_space<hbm>> -> memref<1000000xf32, #tpu.memory_space<hbm>>
      tpu.wait_indirect_dma semaphore(%arg18 : memref<!tpu.dma_semaphore, #tpu.memory_space<semaphore_mem>>) src(%dma_wait3A_715 : memref<1000000xf32, #tpu.memory_space<hbm>>) dst(%dma_wait3A_707 : memref<128xf32, #tpu.memory_space<vmem>>)
    }
    %scan3A_286 = arith.constant 26 : i32
    %scan3A_287 = arith.constant 0 : i32
    %scan3A_288 = arith.constant 26 : i32
    %scan3A_289 = arith.addi %scan3A_287, %scan3A_288 : i32
    %scan3A_290 = arith.constant 1 : i32
    %scan3A_291:8 = scf.for %scan3A_704 = %scan3A_287 to %scan3A_289 step %scan3A_290 iter_args(%scan3A_705 = %scan3A_263#0, %scan3A_706 = %scan3A_263#1, %scan3A_707 = %scan3A_263#2, %scan3A_708 = %scan3A_263#3, %scan3A_709 = %scan3A_263#4, %scan3A_710 = %scan3A_263#5, %scan3A_711 = %scan3A_263#6, %scan3A_712 = %scan3A_263#7) -> (vector<16xf32>, vector<16xf32>, vector<16xf32>, vector<16xf32>, vector<16xf32>, vector<16xf32>, vector<16xf32>, vector<16xf32>)  : i32 {
      %mul3A_713 = arith.constant 128 : i32
      %mul3A_714 = arith.muli %scan3A_704, %mul3A_713 : i32
      %add3A_715 = arith.constant 0 : i32
      %add3A_716 = arith.addi %mul3A_714, %add3A_715 : i32
      %get3A_717 = arith.index_cast %add3A_716 : i32 to index
      %get3A_718 = tpu.vector_load %arg13[%get3A_717] {strides = array<i32>} : memref<3328xf32, #tpu.memory_space<vmem>>, vector<16xf32>,
      %add3A_719 = arith.addf %scan3A_705, %get3A_718 : vector<16xf32>
      %mul3A_720 = arith.constant 128 : i32
      %mul3A_721 = arith.muli %scan3A_704, %mul3A_720 : i32
      %add3A_722 = arith.constant 16 : i32
      %add3A_723 = arith.addi %mul3A_721, %add3A_722 : i32
      %get3A_724 = arith.index_cast %add3A_723 : i32 to index
      %get3A_725 = tpu.vector_load %arg13[%get3A_724] {strides = array<i32>} : memref<3328xf32, #tpu.memory_space<vmem>>, vector<16xf32>,
      %add3A_726 = arith.addf %scan3A_706, %get3A_725 : vector<16xf32>
      %mul3A_727 = arith.constant 128 : i32
      %mul3A_728 = arith.muli %scan3A_704, %mul3A_727 : i32
      %add3A_729 = arith.constant 32 : i32
      %add3A_730 = arith.addi %mul3A_728, %add3A_729 : i32
      %get3A_731 = arith.index_cast %add3A_730 : i32 to index
      %get3A_732 = tpu.vector_load %arg13[%get3A_731] {strides = array<i32>} : memref<3328xf32, #tpu.memory_space<vmem>>, vector<16xf32>,
      %add3A_733 = arith.addf %scan3A_707, %get3A_732 : vector<16xf32>
      %mul3A_734 = arith.constant 128 : i32
      %mul3A_735 = arith.muli %scan3A_704, %mul3A_734 : i32
      %add3A_736 = arith.constant 48 : i32
      %add3A_737 = arith.addi %mul3A_735, %add3A_736 : i32
      %get3A_738 = arith.index_cast %add3A_737 : i32 to index
      %get3A_739 = tpu.vector_load %arg13[%get3A_738] {strides = array<i32>} : memref<3328xf32, #tpu.memory_space<vmem>>, vector<16xf32>,
      %add3A_740 = arith.addf %scan3A_708, %get3A_739 : vector<16xf32>
      %mul3A_741 = arith.constant 128 : i32
      %mul3A_742 = arith.muli %scan3A_704, %mul3A_741 : i32
      %add3A_743 = arith.constant 64 : i32
      %add3A_744 = arith.addi %mul3A_742, %add3A_743 : i32
      %get3A_745 = arith.index_cast %add3A_744 : i32 to index
      %get3A_746 = tpu.vector_load %arg13[%get3A_745] {strides = array<i32>} : memref<3328xf32, #tpu.memory_space<vmem>>, vector<16xf32>,
      %add3A_747 = arith.addf %scan3A_709, %get3A_746 : vector<16xf32>
      %mul3A_748 = arith.constant 128 : i32
      %mul3A_749 = arith.muli %scan3A_704, %mul3A_748 : i32
      %add3A_750 = arith.constant 80 : i32
      %add3A_751 = arith.addi %mul3A_749, %add3A_750 : i32
      %get3A_752 = arith.index_cast %add3A_751 : i32 to index
      %get3A_753 = tpu.vector_load %arg13[%get3A_752] {strides = array<i32>} : memref<3328xf32, #tpu.memory_space<vmem>>, vector<16xf32>,
      %add3A_754 = arith.addf %scan3A_710, %get3A_753 : vector<16xf32>
      %mul3A_755 = arith.constant 128 : i32
      %mul3A_756 = arith.muli %scan3A_704, %mul3A_755 : i32
      %add3A_757 = arith.constant 96 : i32
      %add3A_758 = arith.addi %mul3A_756, %add3A_757 : i32
      %get3A_759 = arith.index_cast %add3A_758 : i32 to index
      %get3A_760 = tpu.vector_load %arg13[%get3A_759] {strides = array<i32>} : memref<3328xf32, #tpu.memory_space<vmem>>, vector<16xf32>,
      %add3A_761 = arith.addf %scan3A_711, %get3A_760 : vector<16xf32>
      %mul3A_762 = arith.constant 128 : i32
      %mul3A_763 = arith.muli %scan3A_704, %mul3A_762 : i32
      %add3A_764 = arith.constant 112 : i32
      %add3A_765 = arith.addi %mul3A_763, %add3A_764 : i32
      %get3A_766 = arith.index_cast %add3A_765 : i32 to index
      %get3A_767 = tpu.vector_load %arg13[%get3A_766] {strides = array<i32>} : memref<3328xf32, #tpu.memory_space<vmem>>, vector<16xf32>,
      %add3A_768 = arith.addf %scan3A_712, %get3A_767 : vector<16xf32>
      scf.yield %add3A_719, %add3A_726, %add3A_733, %add3A_740, %add3A_747, %add3A_754, %add3A_761, %add3A_768 : vector<16xf32>, vector<16xf32>, vector<16xf32>, vector<16xf32>, vector<16xf32>, vector<16xf32>, vector<16xf32>, vector<16xf32>
    }
    %scan3A_292 = arith.constant 26 : i32
    %get3A_293 = arith.constant 0 : index
    %get3A_294 = tpu.vector_load %arg15[%get3A_293] {strides = array<i32>} : memref<16xf32, #tpu.memory_space<vmem>>, vector<16xf32>,
    %add3A_295 = arith.addf %scan3A_291#0, %get3A_294 : vector<16xf32>
    %neg3A_296 = arith.constant 0.000000e+00 : f32
    %neg3A_297 = vector.broadcast %neg3A_296 : f32 to vector<16xf32>
    %neg3A_298 = arith.subf %neg3A_297, %add3A_295 : vector<16xf32>
    %exp3A_299 = math.exp %neg3A_298 : vector<16xf32>
    %add3A_300 = arith.constant 1.000000e+00 : f32
    %add3A_301 = vector.broadcast %add3A_300 : f32 to vector<16xf32>
    %add3A_302 = arith.addf %add3A_301, %exp3A_299 : vector<16xf32>
    %div3A_303 = arith.constant 1.000000e+00 : f32
    %div3A_304 = vector.broadcast %div3A_303 : f32 to vector<16xf32>
    %div3A_305 = arith.divf %div3A_304, %add3A_302 : vector<16xf32>
    %swap3A_306 = arith.constant 128 : index
    %swap3A_307 = tpu.vector_load %arg14[%swap3A_306] {strides = array<i32>} : memref<512xf32, #tpu.memory_space<vmem>>, vector<16xf32>,
    tpu.vector_store %arg14[%swap3A_306], %div3A_305 {strides = array<i32>} : memref<512xf32, #tpu.memory_space<vmem>>, vector<16xf32>,
    %add3A_308 = arith.addf %scan3A_291#1, %get3A_294 : vector<16xf32>
    %neg3A_309 = arith.constant 0.000000e+00 : f32
    %neg3A_310 = vector.broadcast %neg3A_309 : f32 to vector<16xf32>
    %neg3A_311 = arith.subf %neg3A_310, %add3A_308 : vector<16xf32>
    %exp3A_312 = math.exp %neg3A_311 : vector<16xf32>
    %add3A_313 = arith.constant 1.000000e+00 : f32
    %add3A_314 = vector.broadcast %add3A_313 : f32 to vector<16xf32>
    %add3A_315 = arith.addf %add3A_314, %exp3A_312 : vector<16xf32>
    %div3A_316 = arith.constant 1.000000e+00 : f32
    %div3A_317 = vector.broadcast %div3A_316 : f32 to vector<16xf32>
    %div3A_318 = arith.divf %div3A_317, %add3A_315 : vector<16xf32>
    %swap3A_319 = arith.constant 144 : index
    %swap3A_320 = tpu.vector_load %arg14[%swap3A_319] {strides = array<i32>} : memref<512xf32, #tpu.memory_space<vmem>>, vector<16xf32>,
    tpu.vector_store %arg14[%swap3A_319], %div3A_318 {strides = array<i32>} : memref<512xf32, #tpu.memory_space<vmem>>, vector<16xf32>,
    %add3A_321 = arith.addf %scan3A_291#2, %get3A_294 : vector<16xf32>
    %neg3A_322 = arith.constant 0.000000e+00 : f32
    %neg3A_323 = vector.broadcast %neg3A_322 : f32 to vector<16xf32>
    %neg3A_324 = arith.subf %neg3A_323, %add3A_321 : vector<16xf32>
    %exp3A_325 = math.exp %neg3A_324 : vector<16xf32>
    %add3A_326 = arith.constant 1.000000e+00 : f32
    %add3A_327 = vector.broadcast %add3A_326 : f32 to vector<16xf32>
    %add3A_328 = arith.addf %add3A_327, %exp3A_325 : vector<16xf32>
    %div3A_329 = arith.constant 1.000000e+00 : f32
    %div3A_330 = vector.broadcast %div3A_329 : f32 to vector<16xf32>
    %div3A_331 = arith.divf %div3A_330, %add3A_328 : vector<16xf32>
    %swap3A_332 = arith.constant 160 : index
    %swap3A_333 = tpu.vector_load %arg14[%swap3A_332] {strides = array<i32>} : memref<512xf32, #tpu.memory_space<vmem>>, vector<16xf32>,
    tpu.vector_store %arg14[%swap3A_332], %div3A_331 {strides = array<i32>} : memref<512xf32, #tpu.memory_space<vmem>>, vector<16xf32>,
    %add3A_334 = arith.addf %scan3A_291#3, %get3A_294 : vector<16xf32>
    %neg3A_335 = arith.constant 0.000000e+00 : f32
    %neg3A_336 = vector.broadcast %neg3A_335 : f32 to vector<16xf32>
    %neg3A_337 = arith.subf %neg3A_336, %add3A_334 : vector<16xf32>
    %exp3A_338 = math.exp %neg3A_337 : vector<16xf32>
    %add3A_339 = arith.constant 1.000000e+00 : f32
    %add3A_340 = vector.broadcast %add3A_339 : f32 to vector<16xf32>
    %add3A_341 = arith.addf %add3A_340, %exp3A_338 : vector<16xf32>
    %div3A_342 = arith.constant 1.000000e+00 : f32
    %div3A_343 = vector.broadcast %div3A_342 : f32 to vector<16xf32>
    %div3A_344 = arith.divf %div3A_343, %add3A_341 : vector<16xf32>
    %swap3A_345 = arith.constant 176 : index
    %swap3A_346 = tpu.vector_load %arg14[%swap3A_345] {strides = array<i32>} : memref<512xf32, #tpu.memory_space<vmem>>, vector<16xf32>,
    tpu.vector_store %arg14[%swap3A_345], %div3A_344 {strides = array<i32>} : memref<512xf32, #tpu.memory_space<vmem>>, vector<16xf32>,
    %add3A_347 = arith.addf %scan3A_291#4, %get3A_294 : vector<16xf32>
    %neg3A_348 = arith.constant 0.000000e+00 : f32
    %neg3A_349 = vector.broadcast %neg3A_348 : f32 to vector<16xf32>
    %neg3A_350 = arith.subf %neg3A_349, %add3A_347 : vector<16xf32>
    %exp3A_351 = math.exp %neg3A_350 : vector<16xf32>
    %add3A_352 = arith.constant 1.000000e+00 : f32
    %add3A_353 = vector.broadcast %add3A_352 : f32 to vector<16xf32>
    %add3A_354 = arith.addf %add3A_353, %exp3A_351 : vector<16xf32>
    %div3A_355 = arith.constant 1.000000e+00 : f32
    %div3A_356 = vector.broadcast %div3A_355 : f32 to vector<16xf32>
    %div3A_357 = arith.divf %div3A_356, %add3A_354 : vector<16xf32>
    %swap3A_358 = arith.constant 192 : index
    %swap3A_359 = tpu.vector_load %arg14[%swap3A_358] {strides = array<i32>} : memref<512xf32, #tpu.memory_space<vmem>>, vector<16xf32>,
    tpu.vector_store %arg14[%swap3A_358], %div3A_357 {strides = array<i32>} : memref<512xf32, #tpu.memory_space<vmem>>, vector<16xf32>,
    %add3A_360 = arith.addf %scan3A_291#5, %get3A_294 : vector<16xf32>
    %neg3A_361 = arith.constant 0.000000e+00 : f32
    %neg3A_362 = vector.broadcast %neg3A_361 : f32 to vector<16xf32>
    %neg3A_363 = arith.subf %neg3A_362, %add3A_360 : vector<16xf32>
    %exp3A_364 = math.exp %neg3A_363 : vector<16xf32>
    %add3A_365 = arith.constant 1.000000e+00 : f32
    %add3A_366 = vector.broadcast %add3A_365 : f32 to vector<16xf32>
    %add3A_367 = arith.addf %add3A_366, %exp3A_364 : vector<16xf32>
    %div3A_368 = arith.constant 1.000000e+00 : f32
    %div3A_369 = vector.broadcast %div3A_368 : f32 to vector<16xf32>
    %div3A_370 = arith.divf %div3A_369, %add3A_367 : vector<16xf32>
    %swap3A_371 = arith.constant 208 : index
    %swap3A_372 = tpu.vector_load %arg14[%swap3A_371] {strides = array<i32>} : memref<512xf32, #tpu.memory_space<vmem>>, vector<16xf32>,
    tpu.vector_store %arg14[%swap3A_371], %div3A_370 {strides = array<i32>} : memref<512xf32, #tpu.memory_space<vmem>>, vector<16xf32>,
    %add3A_373 = arith.addf %scan3A_291#6, %get3A_294 : vector<16xf32>
    %neg3A_374 = arith.constant 0.000000e+00 : f32
    %neg3A_375 = vector.broadcast %neg3A_374 : f32 to vector<16xf32>
    %neg3A_376 = arith.subf %neg3A_375, %add3A_373 : vector<16xf32>
    %exp3A_377 = math.exp %neg3A_376 : vector<16xf32>
    %add3A_378 = arith.constant 1.000000e+00 : f32
    %add3A_379 = vector.broadcast %add3A_378 : f32 to vector<16xf32>
    %add3A_380 = arith.addf %add3A_379, %exp3A_377 : vector<16xf32>
    %div3A_381 = arith.constant 1.000000e+00 : f32
    %div3A_382 = vector.broadcast %div3A_381 : f32 to vector<16xf32>
    %div3A_383 = arith.divf %div3A_382, %add3A_380 : vector<16xf32>
    %swap3A_384 = arith.constant 224 : index
    %swap3A_385 = tpu.vector_load %arg14[%swap3A_384] {strides = array<i32>} : memref<512xf32, #tpu.memory_space<vmem>>, vector<16xf32>,
    tpu.vector_store %arg14[%swap3A_384], %div3A_383 {strides = array<i32>} : memref<512xf32, #tpu.memory_space<vmem>>, vector<16xf32>,
    %add3A_386 = arith.addf %scan3A_291#7, %get3A_294 : vector<16xf32>
    %neg3A_387 = arith.constant 0.000000e+00 : f32
    %neg3A_388 = vector.broadcast %neg3A_387 : f32 to vector<16xf32>
    %neg3A_389 = arith.subf %neg3A_388, %add3A_386 : vector<16xf32>
    %exp3A_390 = math.exp %neg3A_389 : vector<16xf32>
    %add3A_391 = arith.constant 1.000000e+00 : f32
    %add3A_392 = vector.broadcast %add3A_391 : f32 to vector<16xf32>
    %add3A_393 = arith.addf %add3A_392, %exp3A_390 : vector<16xf32>
    %div3A_394 = arith.constant 1.000000e+00 : f32
    %div3A_395 = vector.broadcast %div3A_394 : f32 to vector<16xf32>
    %div3A_396 = arith.divf %div3A_395, %add3A_393 : vector<16xf32>
    %swap3A_397 = arith.constant 240 : index
    %swap3A_398 = tpu.vector_load %arg14[%swap3A_397] {strides = array<i32>} : memref<512xf32, #tpu.memory_space<vmem>>, vector<16xf32>,
    tpu.vector_store %arg14[%swap3A_397], %div3A_396 {strides = array<i32>} : memref<512xf32, #tpu.memory_space<vmem>>, vector<16xf32>,
    %dma_wait3A_399 = arith.constant 0 : i32
    %dma_wait3A_400 = tpu.memref_slice %arg3[%dma_wait3A_399, %add3A_266] : memref<100x16384xi32, #tpu.memory_space<hbm>> -> memref<100x128xi32, #tpu.memory_space<hbm>>
    %dma_wait3A_401 = arith.constant 0 : i32
    %dma_wait3A_402 = tpu.memref_slice %arg3[%dma_wait3A_401, %add3A_266] : memref<100x16384xi32, #tpu.memory_space<hbm>> -> memref<100x128xi32, #tpu.memory_space<hbm>>
    tpu.wait_dma2 semaphore(%arg20 : memref<!tpu.dma_semaphore, #tpu.memory_space<semaphore_mem>>) src(%dma_wait3A_402 : memref<100x128xi32, #tpu.memory_space<hbm>>) dst(%arg11 : memref<100x128xi32, #tpu.memory_space<vmem>>)
    %broadcast_in_dim3A_403 = arith.constant 0.000000e+00 : f32
    %broadcast_in_dim3A_404 = vector.broadcast %broadcast_in_dim3A_403 : f32 to vector<16xf32>
    %broadcast_in_dim3A_405 = arith.constant 0.000000e+00 : f32
    %broadcast_in_dim3A_406 = vector.broadcast %broadcast_in_dim3A_405 : f32 to vector<16xf32>
    %broadcast_in_dim3A_407 = arith.constant 0.000000e+00 : f32
    %broadcast_in_dim3A_408 = vector.broadcast %broadcast_in_dim3A_407 : f32 to vector<16xf32>
    %broadcast_in_dim3A_409 = arith.constant 0.000000e+00 : f32
    %broadcast_in_dim3A_410 = vector.broadcast %broadcast_in_dim3A_409 : f32 to vector<16xf32>
    %broadcast_in_dim3A_411 = arith.constant 0.000000e+00 : f32
    %broadcast_in_dim3A_412 = vector.broadcast %broadcast_in_dim3A_411 : f32 to vector<16xf32>
    %broadcast_in_dim3A_413 = arith.constant 0.000000e+00 : f32
    %broadcast_in_dim3A_414 = vector.broadcast %broadcast_in_dim3A_413 : f32 to vector<16xf32>
    %broadcast_in_dim3A_415 = arith.constant 0.000000e+00 : f32
    %broadcast_in_dim3A_416 = vector.broadcast %broadcast_in_dim3A_415 : f32 to vector<16xf32>
    %broadcast_in_dim3A_417 = arith.constant 0.000000e+00 : f32
    %broadcast_in_dim3A_418 = vector.broadcast %broadcast_in_dim3A_417 : f32 to vector<16xf32>
    %scan3A_419 = arith.constant 0 : i32
    %scan3A_420 = arith.constant 100 : i32
    %scan3A_421 = arith.addi %scan3A_419, %scan3A_420 : i32
    %scan3A_422 = arith.constant 2 : i32
    %scan3A_423:8 = scf.for %scan3A_704 = %scan3A_419 to %scan3A_421 step %scan3A_422 iter_args(%scan3A_705 = %broadcast_in_dim3A_404, %scan3A_706 = %broadcast_in_dim3A_406, %scan3A_707 = %broadcast_in_dim3A_408, %scan3A_708 = %broadcast_in_dim3A_410, %scan3A_709 = %broadcast_in_dim3A_412, %scan3A_710 = %broadcast_in_dim3A_414, %scan3A_711 = %broadcast_in_dim3A_416, %scan3A_712 = %broadcast_in_dim3A_418) -> (vector<16xf32>, vector<16xf32>, vector<16xf32>, vector<16xf32>, vector<16xf32>, vector<16xf32>, vector<16xf32>, vector<16xf32>)  : i32 {
      %get3A_713 = arith.index_cast %scan3A_704 : i32 to index
      %get3A_714 = arith.constant 0 : index
      %get3A_715 = tpu.vector_load %arg11[%get3A_713, %get3A_714] {strides = array<i32>} : memref<100x128xi32, #tpu.memory_space<vmem>>, vector<16xi32>,
      %gather3A = tpu.vector_load_idx %arg8[%get3A_715] : memref<100096xf32, #tpu.memory_space<vmem>>[vector<16xi32>], vector<16xf32>,
      %add3A_716 = arith.addf %scan3A_705, %gather3A : vector<16xf32>
      %get3A_717 = arith.index_cast %scan3A_704 : i32 to index
      %get3A_718 = arith.constant 16 : index
      %get3A_719 = tpu.vector_load %arg11[%get3A_717, %get3A_718] {strides = array<i32>} : memref<100x128xi32, #tpu.memory_space<vmem>>, vector<16xi32>,
      %gather3A_720 = tpu.vector_load_idx %arg8[%get3A_719] : memref<100096xf32, #tpu.memory_space<vmem>>[vector<16xi32>], vector<16xf32>,
      %add3A_721 = arith.addf %scan3A_706, %gather3A_720 : vector<16xf32>
      %get3A_722 = arith.index_cast %scan3A_704 : i32 to index
      %get3A_723 = arith.constant 32 : index
      %get3A_724 = tpu.vector_load %arg11[%get3A_722, %get3A_723] {strides = array<i32>} : memref<100x128xi32, #tpu.memory_space<vmem>>, vector<16xi32>,
      %gather3A_725 = tpu.vector_load_idx %arg8[%get3A_724] : memref<100096xf32, #tpu.memory_space<vmem>>[vector<16xi32>], vector<16xf32>,
      %add3A_726 = arith.addf %scan3A_707, %gather3A_725 : vector<16xf32>
      %get3A_727 = arith.index_cast %scan3A_704 : i32 to index
      %get3A_728 = arith.constant 48 : index
      %get3A_729 = tpu.vector_load %arg11[%get3A_727, %get3A_728] {strides = array<i32>} : memref<100x128xi32, #tpu.memory_space<vmem>>, vector<16xi32>,
      %gather3A_730 = tpu.vector_load_idx %arg8[%get3A_729] : memref<100096xf32, #tpu.memory_space<vmem>>[vector<16xi32>], vector<16xf32>,
      %add3A_731 = arith.addf %scan3A_708, %gather3A_730 : vector<16xf32>
      %get3A_732 = arith.index_cast %scan3A_704 : i32 to index
      %get3A_733 = arith.constant 64 : index
      %get3A_734 = tpu.vector_load %arg11[%get3A_732, %get3A_733] {strides = array<i32>} : memref<100x128xi32, #tpu.memory_space<vmem>>, vector<16xi32>,
      %gather3A_735 = tpu.vector_load_idx %arg8[%get3A_734] : memref<100096xf32, #tpu.memory_space<vmem>>[vector<16xi32>], vector<16xf32>,
      %add3A_736 = arith.addf %scan3A_709, %gather3A_735 : vector<16xf32>
      %get3A_737 = arith.index_cast %scan3A_704 : i32 to index
      %get3A_738 = arith.constant 80 : index
      %get3A_739 = tpu.vector_load %arg11[%get3A_737, %get3A_738] {strides = array<i32>} : memref<100x128xi32, #tpu.memory_space<vmem>>, vector<16xi32>,
      %gather3A_740 = tpu.vector_load_idx %arg8[%get3A_739] : memref<100096xf32, #tpu.memory_space<vmem>>[vector<16xi32>], vector<16xf32>,
      %add3A_741 = arith.addf %scan3A_710, %gather3A_740 : vector<16xf32>
      %get3A_742 = arith.index_cast %scan3A_704 : i32 to index
      %get3A_743 = arith.constant 96 : index
      %get3A_744 = tpu.vector_load %arg11[%get3A_742, %get3A_743] {strides = array<i32>} : memref<100x128xi32, #tpu.memory_space<vmem>>, vector<16xi32>,
      %gather3A_745 = tpu.vector_load_idx %arg8[%get3A_744] : memref<100096xf32, #tpu.memory_space<vmem>>[vector<16xi32>], vector<16xf32>,
      %add3A_746 = arith.addf %scan3A_711, %gather3A_745 : vector<16xf32>
      %get3A_747 = arith.index_cast %scan3A_704 : i32 to index
      %get3A_748 = arith.constant 112 : index
      %get3A_749 = tpu.vector_load %arg11[%get3A_747, %get3A_748] {strides = array<i32>} : memref<100x128xi32, #tpu.memory_space<vmem>>, vector<16xi32>,
      %gather3A_750 = tpu.vector_load_idx %arg8[%get3A_749] : memref<100096xf32, #tpu.memory_space<vmem>>[vector<16xi32>], vector<16xf32>,
      %add3A_751 = arith.addf %scan3A_712, %gather3A_750 : vector<16xf32>
      %scan3A_752 = arith.constant 1 : i32
      %scan3A_753 = arith.addi %scan3A_704, %scan3A_752 : i32
      %get3A_754 = arith.index_cast %scan3A_753 : i32 to index
      %get3A_755 = arith.constant 0 : index
      %get3A_756 = tpu.vector_load %arg11[%get3A_754, %get3A_755] {strides = array<i32>} : memref<100x128xi32, #tpu.memory_space<vmem>>, vector<16xi32>,
      %gather3A_757 = tpu.vector_load_idx %arg8[%get3A_756] : memref<100096xf32, #tpu.memory_space<vmem>>[vector<16xi32>], vector<16xf32>,
      %add3A_758 = arith.addf %add3A_716, %gather3A_757 : vector<16xf32>
      %get3A_759 = arith.index_cast %scan3A_753 : i32 to index
      %get3A_760 = arith.constant 16 : index
      %get3A_761 = tpu.vector_load %arg11[%get3A_759, %get3A_760] {strides = array<i32>} : memref<100x128xi32, #tpu.memory_space<vmem>>, vector<16xi32>,
      %gather3A_762 = tpu.vector_load_idx %arg8[%get3A_761] : memref<100096xf32, #tpu.memory_space<vmem>>[vector<16xi32>], vector<16xf32>,
      %add3A_763 = arith.addf %add3A_721, %gather3A_762 : vector<16xf32>
      %get3A_764 = arith.index_cast %scan3A_753 : i32 to index
      %get3A_765 = arith.constant 32 : index
      %get3A_766 = tpu.vector_load %arg11[%get3A_764, %get3A_765] {strides = array<i32>} : memref<100x128xi32, #tpu.memory_space<vmem>>, vector<16xi32>,
      %gather3A_767 = tpu.vector_load_idx %arg8[%get3A_766] : memref<100096xf32, #tpu.memory_space<vmem>>[vector<16xi32>], vector<16xf32>,
      %add3A_768 = arith.addf %add3A_726, %gather3A_767 : vector<16xf32>
      %get3A_769 = arith.index_cast %scan3A_753 : i32 to index
      %get3A_770 = arith.constant 48 : index
      %get3A_771 = tpu.vector_load %arg11[%get3A_769, %get3A_770] {strides = array<i32>} : memref<100x128xi32, #tpu.memory_space<vmem>>, vector<16xi32>,
      %gather3A_772 = tpu.vector_load_idx %arg8[%get3A_771] : memref<100096xf32, #tpu.memory_space<vmem>>[vector<16xi32>], vector<16xf32>,
      %add3A_773 = arith.addf %add3A_731, %gather3A_772 : vector<16xf32>
      %get3A_774 = arith.index_cast %scan3A_753 : i32 to index
      %get3A_775 = arith.constant 64 : index
      %get3A_776 = tpu.vector_load %arg11[%get3A_774, %get3A_775] {strides = array<i32>} : memref<100x128xi32, #tpu.memory_space<vmem>>, vector<16xi32>,
      %gather3A_777 = tpu.vector_load_idx %arg8[%get3A_776] : memref<100096xf32, #tpu.memory_space<vmem>>[vector<16xi32>], vector<16xf32>,
      %add3A_778 = arith.addf %add3A_736, %gather3A_777 : vector<16xf32>
      %get3A_779 = arith.index_cast %scan3A_753 : i32 to index
      %get3A_780 = arith.constant 80 : index
      %get3A_781 = tpu.vector_load %arg11[%get3A_779, %get3A_780] {strides = array<i32>} : memref<100x128xi32, #tpu.memory_space<vmem>>, vector<16xi32>,
      %gather3A_782 = tpu.vector_load_idx %arg8[%get3A_781] : memref<100096xf32, #tpu.memory_space<vmem>>[vector<16xi32>], vector<16xf32>,
      %add3A_783 = arith.addf %add3A_741, %gather3A_782 : vector<16xf32>
      %get3A_784 = arith.index_cast %scan3A_753 : i32 to index
      %get3A_785 = arith.constant 96 : index
      %get3A_786 = tpu.vector_load %arg11[%get3A_784, %get3A_785] {strides = array<i32>} : memref<100x128xi32, #tpu.memory_space<vmem>>, vector<16xi32>,
      %gather3A_787 = tpu.vector_load_idx %arg8[%get3A_786] : memref<100096xf32, #tpu.memory_space<vmem>>[vector<16xi32>], vector<16xf32>,
      %add3A_788 = arith.addf %add3A_746, %gather3A_787 : vector<16xf32>
      %get3A_789 = arith.index_cast %scan3A_753 : i32 to index
      %get3A_790 = arith.constant 112 : index
      %get3A_791 = tpu.vector_load %arg11[%get3A_789, %get3A_790] {strides = array<i32>} : memref<100x128xi32, #tpu.memory_space<vmem>>, vector<16xi32>,
      %gather3A_792 = tpu.vector_load_idx %arg8[%get3A_791] : memref<100096xf32, #tpu.memory_space<vmem>>[vector<16xi32>], vector<16xf32>,
      %add3A_793 = arith.addf %add3A_751, %gather3A_792 : vector<16xf32>
      scf.yield %add3A_758, %add3A_763, %add3A_768, %add3A_773, %add3A_778, %add3A_783, %add3A_788, %add3A_793 : vector<16xf32>, vector<16xf32>, vector<16xf32>, vector<16xf32>, vector<16xf32>, vector<16xf32>, vector<16xf32>, vector<16xf32>
    }
    %scan3A_424 = arith.constant 100 : i32
    %add3A_425 = arith.constant 384 : i32
    %add3A_426 = arith.addi %mul3A_2, %add3A_425 : i32
    %dma_start3A_427 = arith.constant 0 : i32
    %dma_start3A_428 = tpu.memref_slice %arg3[%dma_start3A_427, %add3A_426] : memref<100x16384xi32, #tpu.memory_space<hbm>> -> memref<100x128xi32, #tpu.memory_space<hbm>>
    %dma_start3A_429 = arith.constant 0 : i32
    %dma_start3A_430 = tpu.memref_slice %arg3[%dma_start3A_429, %add3A_426] : memref<100x16384xi32, #tpu.memory_space<hbm>> -> memref<100x128xi32, #tpu.memory_space<hbm>>
    tpu.enqueue_dma source(%dma_start3A_430 : memref<100x128xi32, #tpu.memory_space<hbm>>) target(%arg11 : memref<100x128xi32, #tpu.memory_space<vmem>>) target_semaphore(%arg20 : memref<!tpu.dma_semaphore, #tpu.memory_space<semaphore_mem>>)
    %add3A_431 = arith.constant 384 : i32
    %add3A_432 = arith.addi %mul3A_2, %add3A_431 : i32
    "tpu.region"() ({
      %run_scoped3A = tpu.sem_alloc : memref<!tpu.dma_semaphore, #tpu.memory_space<semaphore_mem>>
      %dma_start3A_704 = arith.constant 0 : i32
      %dma_start3A_705 = tpu.memref_slice %arg2[%dma_start3A_704, %add3A_432] : memref<26x16384xi32, #tpu.memory_space<hbm>> -> memref<26x128xi32, #tpu.memory_space<hbm>>
      %dma_start3A_706 = arith.constant 0 : i32
      %dma_start3A_707 = tpu.memref_slice %arg2[%dma_start3A_706, %add3A_432] : memref<26x16384xi32, #tpu.memory_space<hbm>> -> memref<26x128xi32, #tpu.memory_space<hbm>>
      tpu.enqueue_dma source(%dma_start3A_707 : memref<26x128xi32, #tpu.memory_space<hbm>>) target(%arg10 : memref<26x128xi32, #tpu.memory_space<vmem>>) target_semaphore(%run_scoped3A : memref<!tpu.dma_semaphore, #tpu.memory_space<semaphore_mem>>)
      %dma_wait3A_708 = arith.constant 0 : i32
      %dma_wait3A_709 = tpu.memref_slice %arg2[%dma_wait3A_708, %add3A_432] : memref<26x16384xi32, #tpu.memory_space<hbm>> -> memref<26x128xi32, #tpu.memory_space<hbm>>
      %dma_wait3A_710 = arith.constant 0 : i32
      %dma_wait3A_711 = tpu.memref_slice %arg2[%dma_wait3A_710, %add3A_432] : memref<26x16384xi32, #tpu.memory_space<hbm>> -> memref<26x128xi32, #tpu.memory_space<hbm>>
      tpu.wait_dma2 semaphore(%run_scoped3A : memref<!tpu.dma_semaphore, #tpu.memory_space<semaphore_mem>>) src(%dma_wait3A_711 : memref<26x128xi32, #tpu.memory_space<hbm>>) dst(%arg10 : memref<26x128xi32, #tpu.memory_space<vmem>>)
      tpu.yield
    }) : () -> ()
    %scan3A_433 = arith.constant 0 : i32
    %scan3A_434 = arith.constant 0 : i32
    %scan3A_435 = arith.constant 0 : i32
    %scan3A_436 = arith.constant 26 : i32
    %scan3A_437 = arith.addi %scan3A_435, %scan3A_436 : i32
    %scan3A_438 = arith.constant 1 : i32
    scf.for %scan3A_704 = %scan3A_435 to %scan3A_437 step %scan3A_438  : i32 {
      %mul3A_705 = arith.constant 128 : i32
      %mul3A_706 = arith.muli %scan3A_704, %mul3A_705 : i32
      %dma_start3A_707 = tpu.memref_slice %arg13[%mul3A_706] : memref<3328xf32, #tpu.memory_space<vmem>> -> memref<128xf32, #tpu.memory_space<vmem>>
      %dma_start3A_708 = arith.constant 0 : i32
      %dma_start3A_709 = tpu.memref_slice %arg10[%scan3A_704, %dma_start3A_708] : memref<26x128xi32, #tpu.memory_space<vmem>> -> memref<1x128xi32, #tpu.memory_space<vmem>>
      %dma_start3A_710 = tpu.memref_squeeze %dma_start3A_709 : memref<1x128xi32, #tpu.memory_space<vmem>> -> memref<128xi32, #tpu.memory_space<vmem>>
      %dma_start3A_711 = arith.constant 0 : i32
      %dma_start3A_712 = tpu.memref_slice %arg4[%scan3A_434, %dma_start3A_711] : memref<1x1000000xf32, #tpu.memory_space<hbm>> -> memref<1x1000000xf32, #tpu.memory_space<hbm>>
      %dma_start3A_713 = tpu.memref_squeeze %dma_start3A_712 : memref<1x1000000xf32, #tpu.memory_space<hbm>> -> memref<1000000xf32, #tpu.memory_space<hbm>>
      %dma_start3A_714 = arith.constant 0 : i32
      %dma_start3A_715 = tpu.memref_slice %dma_start3A_713[%dma_start3A_714] : memref<1000000xf32, #tpu.memory_space<hbm>> -> memref<1000000xf32, #tpu.memory_space<hbm>>
      tpu.enqueue_indirect_dma source(%dma_start3A_715 : memref<1000000xf32, #tpu.memory_space<hbm>>) target(%dma_start3A_707 : memref<128xf32, #tpu.memory_space<vmem>>) offsets(%dma_start3A_710 : memref<128xi32, #tpu.memory_space<vmem>>) semaphore(%arg18 : memref<!tpu.dma_semaphore, #tpu.memory_space<semaphore_mem>>)
    }
    %scan3A_439 = arith.constant 26 : i32
    %scan3A_440 = arith.constant 0 : i32
    %scan3A_441 = arith.constant 0 : i32
    %scan3A_442 = arith.constant 0 : i32
    %scan3A_443 = arith.constant 26 : i32
    %scan3A_444 = arith.addi %scan3A_442, %scan3A_443 : i32
    %scan3A_445 = arith.constant 1 : i32
    scf.for %scan3A_704 = %scan3A_442 to %scan3A_444 step %scan3A_445  : i32 {
      %mul3A_705 = arith.constant 128 : i32
      %mul3A_706 = arith.muli %scan3A_704, %mul3A_705 : i32
      %dma_wait3A_707 = tpu.memref_slice %arg12[%mul3A_706] : memref<3328xf32, #tpu.memory_space<vmem>> -> memref<128xf32, #tpu.memory_space<vmem>>
      %dma_wait3A_708 = arith.constant 0 : i32
      %dma_wait3A_709 = tpu.memref_slice %arg9[%scan3A_704, %dma_wait3A_708] : memref<26x128xi32, #tpu.memory_space<vmem>> -> memref<1x128xi32, #tpu.memory_space<vmem>>
      %dma_wait3A_710 = tpu.memref_squeeze %dma_wait3A_709 : memref<1x128xi32, #tpu.memory_space<vmem>> -> memref<128xi32, #tpu.memory_space<vmem>>
      %dma_wait3A_711 = arith.constant 0 : i32
      %dma_wait3A_712 = tpu.memref_slice %arg4[%scan3A_441, %dma_wait3A_711] : memref<1x1000000xf32, #tpu.memory_space<hbm>> -> memref<1x1000000xf32, #tpu.memory_space<hbm>>
      %dma_wait3A_713 = tpu.memref_squeeze %dma_wait3A_712 : memref<1x1000000xf32, #tpu.memory_space<hbm>> -> memref<1000000xf32, #tpu.memory_space<hbm>>
      %dma_wait3A_714 = arith.constant 0 : i32
      %dma_wait3A_715 = tpu.memref_slice %dma_wait3A_713[%dma_wait3A_714] : memref<1000000xf32, #tpu.memory_space<hbm>> -> memref<1000000xf32, #tpu.memory_space<hbm>>
      tpu.wait_indirect_dma semaphore(%arg17 : memref<!tpu.dma_semaphore, #tpu.memory_space<semaphore_mem>>) src(%dma_wait3A_715 : memref<1000000xf32, #tpu.memory_space<hbm>>) dst(%dma_wait3A_707 : memref<128xf32, #tpu.memory_space<vmem>>)
    }
    %scan3A_446 = arith.constant 26 : i32
    %scan3A_447 = arith.constant 0 : i32
    %scan3A_448 = arith.constant 26 : i32
    %scan3A_449 = arith.addi %scan3A_447, %scan3A_448 : i32
    %scan3A_450 = arith.constant 1 : i32
    %scan3A_451:8 = scf.for %scan3A_704 = %scan3A_447 to %scan3A_449 step %scan3A_450 iter_args(%scan3A_705 = %scan3A_423#0, %scan3A_706 = %scan3A_423#1, %scan3A_707 = %scan3A_423#2, %scan3A_708 = %scan3A_423#3, %scan3A_709 = %scan3A_423#4, %scan3A_710 = %scan3A_423#5, %scan3A_711 = %scan3A_423#6, %scan3A_712 = %scan3A_423#7) -> (vector<16xf32>, vector<16xf32>, vector<16xf32>, vector<16xf32>, vector<16xf32>, vector<16xf32>, vector<16xf32>, vector<16xf32>)  : i32 {
      %mul3A_713 = arith.constant 128 : i32
      %mul3A_714 = arith.muli %scan3A_704, %mul3A_713 : i32
      %add3A_715 = arith.constant 0 : i32
      %add3A_716 = arith.addi %mul3A_714, %add3A_715 : i32
      %get3A_717 = arith.index_cast %add3A_716 : i32 to index
      %get3A_718 = tpu.vector_load %arg12[%get3A_717] {strides = array<i32>} : memref<3328xf32, #tpu.memory_space<vmem>>, vector<16xf32>,
      %add3A_719 = arith.addf %scan3A_705, %get3A_718 : vector<16xf32>
      %mul3A_720 = arith.constant 128 : i32
      %mul3A_721 = arith.muli %scan3A_704, %mul3A_720 : i32
      %add3A_722 = arith.constant 16 : i32
      %add3A_723 = arith.addi %mul3A_721, %add3A_722 : i32
      %get3A_724 = arith.index_cast %add3A_723 : i32 to index
      %get3A_725 = tpu.vector_load %arg12[%get3A_724] {strides = array<i32>} : memref<3328xf32, #tpu.memory_space<vmem>>, vector<16xf32>,
      %add3A_726 = arith.addf %scan3A_706, %get3A_725 : vector<16xf32>
      %mul3A_727 = arith.constant 128 : i32
      %mul3A_728 = arith.muli %scan3A_704, %mul3A_727 : i32
      %add3A_729 = arith.constant 32 : i32
      %add3A_730 = arith.addi %mul3A_728, %add3A_729 : i32
      %get3A_731 = arith.index_cast %add3A_730 : i32 to index
      %get3A_732 = tpu.vector_load %arg12[%get3A_731] {strides = array<i32>} : memref<3328xf32, #tpu.memory_space<vmem>>, vector<16xf32>,
      %add3A_733 = arith.addf %scan3A_707, %get3A_732 : vector<16xf32>
      %mul3A_734 = arith.constant 128 : i32
      %mul3A_735 = arith.muli %scan3A_704, %mul3A_734 : i32
      %add3A_736 = arith.constant 48 : i32
      %add3A_737 = arith.addi %mul3A_735, %add3A_736 : i32
      %get3A_738 = arith.index_cast %add3A_737 : i32 to index
      %get3A_739 = tpu.vector_load %arg12[%get3A_738] {strides = array<i32>} : memref<3328xf32, #tpu.memory_space<vmem>>, vector<16xf32>,
      %add3A_740 = arith.addf %scan3A_708, %get3A_739 : vector<16xf32>
      %mul3A_741 = arith.constant 128 : i32
      %mul3A_742 = arith.muli %scan3A_704, %mul3A_741 : i32
      %add3A_743 = arith.constant 64 : i32
      %add3A_744 = arith.addi %mul3A_742, %add3A_743 : i32
      %get3A_745 = arith.index_cast %add3A_744 : i32 to index
      %get3A_746 = tpu.vector_load %arg12[%get3A_745] {strides = array<i32>} : memref<3328xf32, #tpu.memory_space<vmem>>, vector<16xf32>,
      %add3A_747 = arith.addf %scan3A_709, %get3A_746 : vector<16xf32>
      %mul3A_748 = arith.constant 128 : i32
      %mul3A_749 = arith.muli %scan3A_704, %mul3A_748 : i32
      %add3A_750 = arith.constant 80 : i32
      %add3A_751 = arith.addi %mul3A_749, %add3A_750 : i32
      %get3A_752 = arith.index_cast %add3A_751 : i32 to index
      %get3A_753 = tpu.vector_load %arg12[%get3A_752] {strides = array<i32>} : memref<3328xf32, #tpu.memory_space<vmem>>, vector<16xf32>,
      %add3A_754 = arith.addf %scan3A_710, %get3A_753 : vector<16xf32>
      %mul3A_755 = arith.constant 128 : i32
      %mul3A_756 = arith.muli %scan3A_704, %mul3A_755 : i32
      %add3A_757 = arith.constant 96 : i32
      %add3A_758 = arith.addi %mul3A_756, %add3A_757 : i32
      %get3A_759 = arith.index_cast %add3A_758 : i32 to index
      %get3A_760 = tpu.vector_load %arg12[%get3A_759] {strides = array<i32>} : memref<3328xf32, #tpu.memory_space<vmem>>, vector<16xf32>,
      %add3A_761 = arith.addf %scan3A_711, %get3A_760 : vector<16xf32>
      %mul3A_762 = arith.constant 128 : i32
      %mul3A_763 = arith.muli %scan3A_704, %mul3A_762 : i32
      %add3A_764 = arith.constant 112 : i32
      %add3A_765 = arith.addi %mul3A_763, %add3A_764 : i32
      %get3A_766 = arith.index_cast %add3A_765 : i32 to index
      %get3A_767 = tpu.vector_load %arg12[%get3A_766] {strides = array<i32>} : memref<3328xf32, #tpu.memory_space<vmem>>, vector<16xf32>,
      %add3A_768 = arith.addf %scan3A_712, %get3A_767 : vector<16xf32>
      scf.yield %add3A_719, %add3A_726, %add3A_733, %add3A_740, %add3A_747, %add3A_754, %add3A_761, %add3A_768 : vector<16xf32>, vector<16xf32>, vector<16xf32>, vector<16xf32>, vector<16xf32>, vector<16xf32>, vector<16xf32>, vector<16xf32>
    }
    %scan3A_452 = arith.constant 26 : i32
    %get3A_453 = arith.constant 0 : index
    %get3A_454 = tpu.vector_load %arg15[%get3A_453] {strides = array<i32>} : memref<16xf32, #tpu.memory_space<vmem>>, vector<16xf32>,
    %add3A_455 = arith.addf %scan3A_451#0, %get3A_454 : vector<16xf32>
    %neg3A_456 = arith.constant 0.000000e+00 : f32
    %neg3A_457 = vector.broadcast %neg3A_456 : f32 to vector<16xf32>
    %neg3A_458 = arith.subf %neg3A_457, %add3A_455 : vector<16xf32>
    %exp3A_459 = math.exp %neg3A_458 : vector<16xf32>
    %add3A_460 = arith.constant 1.000000e+00 : f32
    %add3A_461 = vector.broadcast %add3A_460 : f32 to vector<16xf32>
    %add3A_462 = arith.addf %add3A_461, %exp3A_459 : vector<16xf32>
    %div3A_463 = arith.constant 1.000000e+00 : f32
    %div3A_464 = vector.broadcast %div3A_463 : f32 to vector<16xf32>
    %div3A_465 = arith.divf %div3A_464, %add3A_462 : vector<16xf32>
    %swap3A_466 = arith.constant 256 : index
    %swap3A_467 = tpu.vector_load %arg14[%swap3A_466] {strides = array<i32>} : memref<512xf32, #tpu.memory_space<vmem>>, vector<16xf32>,
    tpu.vector_store %arg14[%swap3A_466], %div3A_465 {strides = array<i32>} : memref<512xf32, #tpu.memory_space<vmem>>, vector<16xf32>,
    %add3A_468 = arith.addf %scan3A_451#1, %get3A_454 : vector<16xf32>
    %neg3A_469 = arith.constant 0.000000e+00 : f32
    %neg3A_470 = vector.broadcast %neg3A_469 : f32 to vector<16xf32>
    %neg3A_471 = arith.subf %neg3A_470, %add3A_468 : vector<16xf32>
    %exp3A_472 = math.exp %neg3A_471 : vector<16xf32>
    %add3A_473 = arith.constant 1.000000e+00 : f32
    %add3A_474 = vector.broadcast %add3A_473 : f32 to vector<16xf32>
    %add3A_475 = arith.addf %add3A_474, %exp3A_472 : vector<16xf32>
    %div3A_476 = arith.constant 1.000000e+00 : f32
    %div3A_477 = vector.broadcast %div3A_476 : f32 to vector<16xf32>
    %div3A_478 = arith.divf %div3A_477, %add3A_475 : vector<16xf32>
    %swap3A_479 = arith.constant 272 : index
    %swap3A_480 = tpu.vector_load %arg14[%swap3A_479] {strides = array<i32>} : memref<512xf32, #tpu.memory_space<vmem>>, vector<16xf32>,
    tpu.vector_store %arg14[%swap3A_479], %div3A_478 {strides = array<i32>} : memref<512xf32, #tpu.memory_space<vmem>>, vector<16xf32>,
    %add3A_481 = arith.addf %scan3A_451#2, %get3A_454 : vector<16xf32>
    %neg3A_482 = arith.constant 0.000000e+00 : f32
    %neg3A_483 = vector.broadcast %neg3A_482 : f32 to vector<16xf32>
    %neg3A_484 = arith.subf %neg3A_483, %add3A_481 : vector<16xf32>
    %exp3A_485 = math.exp %neg3A_484 : vector<16xf32>
    %add3A_486 = arith.constant 1.000000e+00 : f32
    %add3A_487 = vector.broadcast %add3A_486 : f32 to vector<16xf32>
    %add3A_488 = arith.addf %add3A_487, %exp3A_485 : vector<16xf32>
    %div3A_489 = arith.constant 1.000000e+00 : f32
    %div3A_490 = vector.broadcast %div3A_489 : f32 to vector<16xf32>
    %div3A_491 = arith.divf %div3A_490, %add3A_488 : vector<16xf32>
    %swap3A_492 = arith.constant 288 : index
    %swap3A_493 = tpu.vector_load %arg14[%swap3A_492] {strides = array<i32>} : memref<512xf32, #tpu.memory_space<vmem>>, vector<16xf32>,
    tpu.vector_store %arg14[%swap3A_492], %div3A_491 {strides = array<i32>} : memref<512xf32, #tpu.memory_space<vmem>>, vector<16xf32>,
    %add3A_494 = arith.addf %scan3A_451#3, %get3A_454 : vector<16xf32>
    %neg3A_495 = arith.constant 0.000000e+00 : f32
    %neg3A_496 = vector.broadcast %neg3A_495 : f32 to vector<16xf32>
    %neg3A_497 = arith.subf %neg3A_496, %add3A_494 : vector<16xf32>
    %exp3A_498 = math.exp %neg3A_497 : vector<16xf32>
    %add3A_499 = arith.constant 1.000000e+00 : f32
    %add3A_500 = vector.broadcast %add3A_499 : f32 to vector<16xf32>
    %add3A_501 = arith.addf %add3A_500, %exp3A_498 : vector<16xf32>
    %div3A_502 = arith.constant 1.000000e+00 : f32
    %div3A_503 = vector.broadcast %div3A_502 : f32 to vector<16xf32>
    %div3A_504 = arith.divf %div3A_503, %add3A_501 : vector<16xf32>
    %swap3A_505 = arith.constant 304 : index
    %swap3A_506 = tpu.vector_load %arg14[%swap3A_505] {strides = array<i32>} : memref<512xf32, #tpu.memory_space<vmem>>, vector<16xf32>,
    tpu.vector_store %arg14[%swap3A_505], %div3A_504 {strides = array<i32>} : memref<512xf32, #tpu.memory_space<vmem>>, vector<16xf32>,
    %add3A_507 = arith.addf %scan3A_451#4, %get3A_454 : vector<16xf32>
    %neg3A_508 = arith.constant 0.000000e+00 : f32
    %neg3A_509 = vector.broadcast %neg3A_508 : f32 to vector<16xf32>
    %neg3A_510 = arith.subf %neg3A_509, %add3A_507 : vector<16xf32>
    %exp3A_511 = math.exp %neg3A_510 : vector<16xf32>
    %add3A_512 = arith.constant 1.000000e+00 : f32
    %add3A_513 = vector.broadcast %add3A_512 : f32 to vector<16xf32>
    %add3A_514 = arith.addf %add3A_513, %exp3A_511 : vector<16xf32>
    %div3A_515 = arith.constant 1.000000e+00 : f32
    %div3A_516 = vector.broadcast %div3A_515 : f32 to vector<16xf32>
    %div3A_517 = arith.divf %div3A_516, %add3A_514 : vector<16xf32>
    %swap3A_518 = arith.constant 320 : index
    %swap3A_519 = tpu.vector_load %arg14[%swap3A_518] {strides = array<i32>} : memref<512xf32, #tpu.memory_space<vmem>>, vector<16xf32>,
    tpu.vector_store %arg14[%swap3A_518], %div3A_517 {strides = array<i32>} : memref<512xf32, #tpu.memory_space<vmem>>, vector<16xf32>,
    %add3A_520 = arith.addf %scan3A_451#5, %get3A_454 : vector<16xf32>
    %neg3A_521 = arith.constant 0.000000e+00 : f32
    %neg3A_522 = vector.broadcast %neg3A_521 : f32 to vector<16xf32>
    %neg3A_523 = arith.subf %neg3A_522, %add3A_520 : vector<16xf32>
    %exp3A_524 = math.exp %neg3A_523 : vector<16xf32>
    %add3A_525 = arith.constant 1.000000e+00 : f32
    %add3A_526 = vector.broadcast %add3A_525 : f32 to vector<16xf32>
    %add3A_527 = arith.addf %add3A_526, %exp3A_524 : vector<16xf32>
    %div3A_528 = arith.constant 1.000000e+00 : f32
    %div3A_529 = vector.broadcast %div3A_528 : f32 to vector<16xf32>
    %div3A_530 = arith.divf %div3A_529, %add3A_527 : vector<16xf32>
    %swap3A_531 = arith.constant 336 : index
    %swap3A_532 = tpu.vector_load %arg14[%swap3A_531] {strides = array<i32>} : memref<512xf32, #tpu.memory_space<vmem>>, vector<16xf32>,
    tpu.vector_store %arg14[%swap3A_531], %div3A_530 {strides = array<i32>} : memref<512xf32, #tpu.memory_space<vmem>>, vector<16xf32>,
    %add3A_533 = arith.addf %scan3A_451#6, %get3A_454 : vector<16xf32>
    %neg3A_534 = arith.constant 0.000000e+00 : f32
    %neg3A_535 = vector.broadcast %neg3A_534 : f32 to vector<16xf32>
    %neg3A_536 = arith.subf %neg3A_535, %add3A_533 : vector<16xf32>
    %exp3A_537 = math.exp %neg3A_536 : vector<16xf32>
    %add3A_538 = arith.constant 1.000000e+00 : f32
    %add3A_539 = vector.broadcast %add3A_538 : f32 to vector<16xf32>
    %add3A_540 = arith.addf %add3A_539, %exp3A_537 : vector<16xf32>
    %div3A_541 = arith.constant 1.000000e+00 : f32
    %div3A_542 = vector.broadcast %div3A_541 : f32 to vector<16xf32>
    %div3A_543 = arith.divf %div3A_542, %add3A_540 : vector<16xf32>
    %swap3A_544 = arith.constant 352 : index
    %swap3A_545 = tpu.vector_load %arg14[%swap3A_544] {strides = array<i32>} : memref<512xf32, #tpu.memory_space<vmem>>, vector<16xf32>,
    tpu.vector_store %arg14[%swap3A_544], %div3A_543 {strides = array<i32>} : memref<512xf32, #tpu.memory_space<vmem>>, vector<16xf32>,
    %add3A_546 = arith.addf %scan3A_451#7, %get3A_454 : vector<16xf32>
    %neg3A_547 = arith.constant 0.000000e+00 : f32
    %neg3A_548 = vector.broadcast %neg3A_547 : f32 to vector<16xf32>
    %neg3A_549 = arith.subf %neg3A_548, %add3A_546 : vector<16xf32>
    %exp3A_550 = math.exp %neg3A_549 : vector<16xf32>
    %add3A_551 = arith.constant 1.000000e+00 : f32
    %add3A_552 = vector.broadcast %add3A_551 : f32 to vector<16xf32>
    %add3A_553 = arith.addf %add3A_552, %exp3A_550 : vector<16xf32>
    %div3A_554 = arith.constant 1.000000e+00 : f32
    %div3A_555 = vector.broadcast %div3A_554 : f32 to vector<16xf32>
    %div3A_556 = arith.divf %div3A_555, %add3A_553 : vector<16xf32>
    %swap3A_557 = arith.constant 368 : index
    %swap3A_558 = tpu.vector_load %arg14[%swap3A_557] {strides = array<i32>} : memref<512xf32, #tpu.memory_space<vmem>>, vector<16xf32>,
    tpu.vector_store %arg14[%swap3A_557], %div3A_556 {strides = array<i32>} : memref<512xf32, #tpu.memory_space<vmem>>, vector<16xf32>,
    %dma_wait3A_559 = arith.constant 0 : i32
    %dma_wait3A_560 = tpu.memref_slice %arg3[%dma_wait3A_559, %add3A_426] : memref<100x16384xi32, #tpu.memory_space<hbm>> -> memref<100x128xi32, #tpu.memory_space<hbm>>
    %dma_wait3A_561 = arith.constant 0 : i32
    %dma_wait3A_562 = tpu.memref_slice %arg3[%dma_wait3A_561, %add3A_426] : memref<100x16384xi32, #tpu.memory_space<hbm>> -> memref<100x128xi32, #tpu.memory_space<hbm>>
    tpu.wait_dma2 semaphore(%arg20 : memref<!tpu.dma_semaphore, #tpu.memory_space<semaphore_mem>>) src(%dma_wait3A_562 : memref<100x128xi32, #tpu.memory_space<hbm>>) dst(%arg11 : memref<100x128xi32, #tpu.memory_space<vmem>>)
    %broadcast_in_dim3A_563 = arith.constant 0.000000e+00 : f32
    %broadcast_in_dim3A_564 = vector.broadcast %broadcast_in_dim3A_563 : f32 to vector<16xf32>
    %broadcast_in_dim3A_565 = arith.constant 0.000000e+00 : f32
    %broadcast_in_dim3A_566 = vector.broadcast %broadcast_in_dim3A_565 : f32 to vector<16xf32>
    %broadcast_in_dim3A_567 = arith.constant 0.000000e+00 : f32
    %broadcast_in_dim3A_568 = vector.broadcast %broadcast_in_dim3A_567 : f32 to vector<16xf32>
    %broadcast_in_dim3A_569 = arith.constant 0.000000e+00 : f32
    %broadcast_in_dim3A_570 = vector.broadcast %broadcast_in_dim3A_569 : f32 to vector<16xf32>
    %broadcast_in_dim3A_571 = arith.constant 0.000000e+00 : f32
    %broadcast_in_dim3A_572 = vector.broadcast %broadcast_in_dim3A_571 : f32 to vector<16xf32>
    %broadcast_in_dim3A_573 = arith.constant 0.000000e+00 : f32
    %broadcast_in_dim3A_574 = vector.broadcast %broadcast_in_dim3A_573 : f32 to vector<16xf32>
    %broadcast_in_dim3A_575 = arith.constant 0.000000e+00 : f32
    %broadcast_in_dim3A_576 = vector.broadcast %broadcast_in_dim3A_575 : f32 to vector<16xf32>
    %broadcast_in_dim3A_577 = arith.constant 0.000000e+00 : f32
    %broadcast_in_dim3A_578 = vector.broadcast %broadcast_in_dim3A_577 : f32 to vector<16xf32>
    %scan3A_579 = arith.constant 0 : i32
    %scan3A_580 = arith.constant 100 : i32
    %scan3A_581 = arith.addi %scan3A_579, %scan3A_580 : i32
    %scan3A_582 = arith.constant 2 : i32
    %scan3A_583:8 = scf.for %scan3A_704 = %scan3A_579 to %scan3A_581 step %scan3A_582 iter_args(%scan3A_705 = %broadcast_in_dim3A_564, %scan3A_706 = %broadcast_in_dim3A_566, %scan3A_707 = %broadcast_in_dim3A_568, %scan3A_708 = %broadcast_in_dim3A_570, %scan3A_709 = %broadcast_in_dim3A_572, %scan3A_710 = %broadcast_in_dim3A_574, %scan3A_711 = %broadcast_in_dim3A_576, %scan3A_712 = %broadcast_in_dim3A_578) -> (vector<16xf32>, vector<16xf32>, vector<16xf32>, vector<16xf32>, vector<16xf32>, vector<16xf32>, vector<16xf32>, vector<16xf32>)  : i32 {
      %get3A_713 = arith.index_cast %scan3A_704 : i32 to index
      %get3A_714 = arith.constant 0 : index
      %get3A_715 = tpu.vector_load %arg11[%get3A_713, %get3A_714] {strides = array<i32>} : memref<100x128xi32, #tpu.memory_space<vmem>>, vector<16xi32>,
      %gather3A = tpu.vector_load_idx %arg8[%get3A_715] : memref<100096xf32, #tpu.memory_space<vmem>>[vector<16xi32>], vector<16xf32>,
      %add3A_716 = arith.addf %scan3A_705, %gather3A : vector<16xf32>
      %get3A_717 = arith.index_cast %scan3A_704 : i32 to index
      %get3A_718 = arith.constant 16 : index
      %get3A_719 = tpu.vector_load %arg11[%get3A_717, %get3A_718] {strides = array<i32>} : memref<100x128xi32, #tpu.memory_space<vmem>>, vector<16xi32>,
      %gather3A_720 = tpu.vector_load_idx %arg8[%get3A_719] : memref<100096xf32, #tpu.memory_space<vmem>>[vector<16xi32>], vector<16xf32>,
      %add3A_721 = arith.addf %scan3A_706, %gather3A_720 : vector<16xf32>
      %get3A_722 = arith.index_cast %scan3A_704 : i32 to index
      %get3A_723 = arith.constant 32 : index
      %get3A_724 = tpu.vector_load %arg11[%get3A_722, %get3A_723] {strides = array<i32>} : memref<100x128xi32, #tpu.memory_space<vmem>>, vector<16xi32>,
      %gather3A_725 = tpu.vector_load_idx %arg8[%get3A_724] : memref<100096xf32, #tpu.memory_space<vmem>>[vector<16xi32>], vector<16xf32>,
      %add3A_726 = arith.addf %scan3A_707, %gather3A_725 : vector<16xf32>
      %get3A_727 = arith.index_cast %scan3A_704 : i32 to index
      %get3A_728 = arith.constant 48 : index
      %get3A_729 = tpu.vector_load %arg11[%get3A_727, %get3A_728] {strides = array<i32>} : memref<100x128xi32, #tpu.memory_space<vmem>>, vector<16xi32>,
      %gather3A_730 = tpu.vector_load_idx %arg8[%get3A_729] : memref<100096xf32, #tpu.memory_space<vmem>>[vector<16xi32>], vector<16xf32>,
      %add3A_731 = arith.addf %scan3A_708, %gather3A_730 : vector<16xf32>
      %get3A_732 = arith.index_cast %scan3A_704 : i32 to index
      %get3A_733 = arith.constant 64 : index
      %get3A_734 = tpu.vector_load %arg11[%get3A_732, %get3A_733] {strides = array<i32>} : memref<100x128xi32, #tpu.memory_space<vmem>>, vector<16xi32>,
      %gather3A_735 = tpu.vector_load_idx %arg8[%get3A_734] : memref<100096xf32, #tpu.memory_space<vmem>>[vector<16xi32>], vector<16xf32>,
      %add3A_736 = arith.addf %scan3A_709, %gather3A_735 : vector<16xf32>
      %get3A_737 = arith.index_cast %scan3A_704 : i32 to index
      %get3A_738 = arith.constant 80 : index
      %get3A_739 = tpu.vector_load %arg11[%get3A_737, %get3A_738] {strides = array<i32>} : memref<100x128xi32, #tpu.memory_space<vmem>>, vector<16xi32>,
      %gather3A_740 = tpu.vector_load_idx %arg8[%get3A_739] : memref<100096xf32, #tpu.memory_space<vmem>>[vector<16xi32>], vector<16xf32>,
      %add3A_741 = arith.addf %scan3A_710, %gather3A_740 : vector<16xf32>
      %get3A_742 = arith.index_cast %scan3A_704 : i32 to index
      %get3A_743 = arith.constant 96 : index
      %get3A_744 = tpu.vector_load %arg11[%get3A_742, %get3A_743] {strides = array<i32>} : memref<100x128xi32, #tpu.memory_space<vmem>>, vector<16xi32>,
      %gather3A_745 = tpu.vector_load_idx %arg8[%get3A_744] : memref<100096xf32, #tpu.memory_space<vmem>>[vector<16xi32>], vector<16xf32>,
      %add3A_746 = arith.addf %scan3A_711, %gather3A_745 : vector<16xf32>
      %get3A_747 = arith.index_cast %scan3A_704 : i32 to index
      %get3A_748 = arith.constant 112 : index
      %get3A_749 = tpu.vector_load %arg11[%get3A_747, %get3A_748] {strides = array<i32>} : memref<100x128xi32, #tpu.memory_space<vmem>>, vector<16xi32>,
      %gather3A_750 = tpu.vector_load_idx %arg8[%get3A_749] : memref<100096xf32, #tpu.memory_space<vmem>>[vector<16xi32>], vector<16xf32>,
      %add3A_751 = arith.addf %scan3A_712, %gather3A_750 : vector<16xf32>
      %scan3A_752 = arith.constant 1 : i32
      %scan3A_753 = arith.addi %scan3A_704, %scan3A_752 : i32
      %get3A_754 = arith.index_cast %scan3A_753 : i32 to index
      %get3A_755 = arith.constant 0 : index
      %get3A_756 = tpu.vector_load %arg11[%get3A_754, %get3A_755] {strides = array<i32>} : memref<100x128xi32, #tpu.memory_space<vmem>>, vector<16xi32>,
      %gather3A_757 = tpu.vector_load_idx %arg8[%get3A_756] : memref<100096xf32, #tpu.memory_space<vmem>>[vector<16xi32>], vector<16xf32>,
      %add3A_758 = arith.addf %add3A_716, %gather3A_757 : vector<16xf32>
      %get3A_759 = arith.index_cast %scan3A_753 : i32 to index
      %get3A_760 = arith.constant 16 : index
      %get3A_761 = tpu.vector_load %arg11[%get3A_759, %get3A_760] {strides = array<i32>} : memref<100x128xi32, #tpu.memory_space<vmem>>, vector<16xi32>,
      %gather3A_762 = tpu.vector_load_idx %arg8[%get3A_761] : memref<100096xf32, #tpu.memory_space<vmem>>[vector<16xi32>], vector<16xf32>,
      %add3A_763 = arith.addf %add3A_721, %gather3A_762 : vector<16xf32>
      %get3A_764 = arith.index_cast %scan3A_753 : i32 to index
      %get3A_765 = arith.constant 32 : index
      %get3A_766 = tpu.vector_load %arg11[%get3A_764, %get3A_765] {strides = array<i32>} : memref<100x128xi32, #tpu.memory_space<vmem>>, vector<16xi32>,
      %gather3A_767 = tpu.vector_load_idx %arg8[%get3A_766] : memref<100096xf32, #tpu.memory_space<vmem>>[vector<16xi32>], vector<16xf32>,
      %add3A_768 = arith.addf %add3A_726, %gather3A_767 : vector<16xf32>
      %get3A_769 = arith.index_cast %scan3A_753 : i32 to index
      %get3A_770 = arith.constant 48 : index
      %get3A_771 = tpu.vector_load %arg11[%get3A_769, %get3A_770] {strides = array<i32>} : memref<100x128xi32, #tpu.memory_space<vmem>>, vector<16xi32>,
      %gather3A_772 = tpu.vector_load_idx %arg8[%get3A_771] : memref<100096xf32, #tpu.memory_space<vmem>>[vector<16xi32>], vector<16xf32>,
      %add3A_773 = arith.addf %add3A_731, %gather3A_772 : vector<16xf32>
      %get3A_774 = arith.index_cast %scan3A_753 : i32 to index
      %get3A_775 = arith.constant 64 : index
      %get3A_776 = tpu.vector_load %arg11[%get3A_774, %get3A_775] {strides = array<i32>} : memref<100x128xi32, #tpu.memory_space<vmem>>, vector<16xi32>,
      %gather3A_777 = tpu.vector_load_idx %arg8[%get3A_776] : memref<100096xf32, #tpu.memory_space<vmem>>[vector<16xi32>], vector<16xf32>,
      %add3A_778 = arith.addf %add3A_736, %gather3A_777 : vector<16xf32>
      %get3A_779 = arith.index_cast %scan3A_753 : i32 to index
      %get3A_780 = arith.constant 80 : index
      %get3A_781 = tpu.vector_load %arg11[%get3A_779, %get3A_780] {strides = array<i32>} : memref<100x128xi32, #tpu.memory_space<vmem>>, vector<16xi32>,
      %gather3A_782 = tpu.vector_load_idx %arg8[%get3A_781] : memref<100096xf32, #tpu.memory_space<vmem>>[vector<16xi32>], vector<16xf32>,
      %add3A_783 = arith.addf %add3A_741, %gather3A_782 : vector<16xf32>
      %get3A_784 = arith.index_cast %scan3A_753 : i32 to index
      %get3A_785 = arith.constant 96 : index
      %get3A_786 = tpu.vector_load %arg11[%get3A_784, %get3A_785] {strides = array<i32>} : memref<100x128xi32, #tpu.memory_space<vmem>>, vector<16xi32>,
      %gather3A_787 = tpu.vector_load_idx %arg8[%get3A_786] : memref<100096xf32, #tpu.memory_space<vmem>>[vector<16xi32>], vector<16xf32>,
      %add3A_788 = arith.addf %add3A_746, %gather3A_787 : vector<16xf32>
      %get3A_789 = arith.index_cast %scan3A_753 : i32 to index
      %get3A_790 = arith.constant 112 : index
      %get3A_791 = tpu.vector_load %arg11[%get3A_789, %get3A_790] {strides = array<i32>} : memref<100x128xi32, #tpu.memory_space<vmem>>, vector<16xi32>,
      %gather3A_792 = tpu.vector_load_idx %arg8[%get3A_791] : memref<100096xf32, #tpu.memory_space<vmem>>[vector<16xi32>], vector<16xf32>,
      %add3A_793 = arith.addf %add3A_751, %gather3A_792 : vector<16xf32>
      scf.yield %add3A_758, %add3A_763, %add3A_768, %add3A_773, %add3A_778, %add3A_783, %add3A_788, %add3A_793 : vector<16xf32>, vector<16xf32>, vector<16xf32>, vector<16xf32>, vector<16xf32>, vector<16xf32>, vector<16xf32>, vector<16xf32>
    }
    %scan3A_584 = arith.constant 100 : i32
    %scan3A_585 = arith.constant 0 : i32
    %scan3A_586 = arith.constant 0 : i32
    %scan3A_587 = arith.constant 0 : i32
    %scan3A_588 = arith.constant 26 : i32
    %scan3A_589 = arith.addi %scan3A_587, %scan3A_588 : i32
    %scan3A_590 = arith.constant 1 : i32
    scf.for %scan3A_704 = %scan3A_587 to %scan3A_589 step %scan3A_590  : i32 {
      %mul3A_705 = arith.constant 128 : i32
      %mul3A_706 = arith.muli %scan3A_704, %mul3A_705 : i32
      %dma_wait3A_707 = tpu.memref_slice %arg13[%mul3A_706] : memref<3328xf32, #tpu.memory_space<vmem>> -> memref<128xf32, #tpu.memory_space<vmem>>
      %dma_wait3A_708 = arith.constant 0 : i32
      %dma_wait3A_709 = tpu.memref_slice %arg10[%scan3A_704, %dma_wait3A_708] : memref<26x128xi32, #tpu.memory_space<vmem>> -> memref<1x128xi32, #tpu.memory_space<vmem>>
      %dma_wait3A_710 = tpu.memref_squeeze %dma_wait3A_709 : memref<1x128xi32, #tpu.memory_space<vmem>> -> memref<128xi32, #tpu.memory_space<vmem>>
      %dma_wait3A_711 = arith.constant 0 : i32
      %dma_wait3A_712 = tpu.memref_slice %arg4[%scan3A_586, %dma_wait3A_711] : memref<1x1000000xf32, #tpu.memory_space<hbm>> -> memref<1x1000000xf32, #tpu.memory_space<hbm>>
      %dma_wait3A_713 = tpu.memref_squeeze %dma_wait3A_712 : memref<1x1000000xf32, #tpu.memory_space<hbm>> -> memref<1000000xf32, #tpu.memory_space<hbm>>
      %dma_wait3A_714 = arith.constant 0 : i32
      %dma_wait3A_715 = tpu.memref_slice %dma_wait3A_713[%dma_wait3A_714] : memref<1000000xf32, #tpu.memory_space<hbm>> -> memref<1000000xf32, #tpu.memory_space<hbm>>
      tpu.wait_indirect_dma semaphore(%arg18 : memref<!tpu.dma_semaphore, #tpu.memory_space<semaphore_mem>>) src(%dma_wait3A_715 : memref<1000000xf32, #tpu.memory_space<hbm>>) dst(%dma_wait3A_707 : memref<128xf32, #tpu.memory_space<vmem>>)
    }
    %scan3A_591 = arith.constant 26 : i32
    %scan3A_592 = arith.constant 0 : i32
    %scan3A_593 = arith.constant 26 : i32
    %scan3A_594 = arith.addi %scan3A_592, %scan3A_593 : i32
    %scan3A_595 = arith.constant 1 : i32
    %scan3A_596:8 = scf.for %scan3A_704 = %scan3A_592 to %scan3A_594 step %scan3A_595 iter_args(%scan3A_705 = %scan3A_583#0, %scan3A_706 = %scan3A_583#1, %scan3A_707 = %scan3A_583#2, %scan3A_708 = %scan3A_583#3, %scan3A_709 = %scan3A_583#4, %scan3A_710 = %scan3A_583#5, %scan3A_711 = %scan3A_583#6, %scan3A_712 = %scan3A_583#7) -> (vector<16xf32>, vector<16xf32>, vector<16xf32>, vector<16xf32>, vector<16xf32>, vector<16xf32>, vector<16xf32>, vector<16xf32>)  : i32 {
      %mul3A_713 = arith.constant 128 : i32
      %mul3A_714 = arith.muli %scan3A_704, %mul3A_713 : i32
      %add3A_715 = arith.constant 0 : i32
      %add3A_716 = arith.addi %mul3A_714, %add3A_715 : i32
      %get3A_717 = arith.index_cast %add3A_716 : i32 to index
      %get3A_718 = tpu.vector_load %arg13[%get3A_717] {strides = array<i32>} : memref<3328xf32, #tpu.memory_space<vmem>>, vector<16xf32>,
      %add3A_719 = arith.addf %scan3A_705, %get3A_718 : vector<16xf32>
      %mul3A_720 = arith.constant 128 : i32
      %mul3A_721 = arith.muli %scan3A_704, %mul3A_720 : i32
      %add3A_722 = arith.constant 16 : i32
      %add3A_723 = arith.addi %mul3A_721, %add3A_722 : i32
      %get3A_724 = arith.index_cast %add3A_723 : i32 to index
      %get3A_725 = tpu.vector_load %arg13[%get3A_724] {strides = array<i32>} : memref<3328xf32, #tpu.memory_space<vmem>>, vector<16xf32>,
      %add3A_726 = arith.addf %scan3A_706, %get3A_725 : vector<16xf32>
      %mul3A_727 = arith.constant 128 : i32
      %mul3A_728 = arith.muli %scan3A_704, %mul3A_727 : i32
      %add3A_729 = arith.constant 32 : i32
      %add3A_730 = arith.addi %mul3A_728, %add3A_729 : i32
      %get3A_731 = arith.index_cast %add3A_730 : i32 to index
      %get3A_732 = tpu.vector_load %arg13[%get3A_731] {strides = array<i32>} : memref<3328xf32, #tpu.memory_space<vmem>>, vector<16xf32>,
      %add3A_733 = arith.addf %scan3A_707, %get3A_732 : vector<16xf32>
      %mul3A_734 = arith.constant 128 : i32
      %mul3A_735 = arith.muli %scan3A_704, %mul3A_734 : i32
      %add3A_736 = arith.constant 48 : i32
      %add3A_737 = arith.addi %mul3A_735, %add3A_736 : i32
      %get3A_738 = arith.index_cast %add3A_737 : i32 to index
      %get3A_739 = tpu.vector_load %arg13[%get3A_738] {strides = array<i32>} : memref<3328xf32, #tpu.memory_space<vmem>>, vector<16xf32>,
      %add3A_740 = arith.addf %scan3A_708, %get3A_739 : vector<16xf32>
      %mul3A_741 = arith.constant 128 : i32
      %mul3A_742 = arith.muli %scan3A_704, %mul3A_741 : i32
      %add3A_743 = arith.constant 64 : i32
      %add3A_744 = arith.addi %mul3A_742, %add3A_743 : i32
      %get3A_745 = arith.index_cast %add3A_744 : i32 to index
      %get3A_746 = tpu.vector_load %arg13[%get3A_745] {strides = array<i32>} : memref<3328xf32, #tpu.memory_space<vmem>>, vector<16xf32>,
      %add3A_747 = arith.addf %scan3A_709, %get3A_746 : vector<16xf32>
      %mul3A_748 = arith.constant 128 : i32
      %mul3A_749 = arith.muli %scan3A_704, %mul3A_748 : i32
      %add3A_750 = arith.constant 80 : i32
      %add3A_751 = arith.addi %mul3A_749, %add3A_750 : i32
      %get3A_752 = arith.index_cast %add3A_751 : i32 to index
      %get3A_753 = tpu.vector_load %arg13[%get3A_752] {strides = array<i32>} : memref<3328xf32, #tpu.memory_space<vmem>>, vector<16xf32>,
      %add3A_754 = arith.addf %scan3A_710, %get3A_753 : vector<16xf32>
      %mul3A_755 = arith.constant 128 : i32
      %mul3A_756 = arith.muli %scan3A_704, %mul3A_755 : i32
      %add3A_757 = arith.constant 96 : i32
      %add3A_758 = arith.addi %mul3A_756, %add3A_757 : i32
      %get3A_759 = arith.index_cast %add3A_758 : i32 to index
      %get3A_760 = tpu.vector_load %arg13[%get3A_759] {strides = array<i32>} : memref<3328xf32, #tpu.memory_space<vmem>>, vector<16xf32>,
      %add3A_761 = arith.addf %scan3A_711, %get3A_760 : vector<16xf32>
      %mul3A_762 = arith.constant 128 : i32
      %mul3A_763 = arith.muli %scan3A_704, %mul3A_762 : i32
      %add3A_764 = arith.constant 112 : i32
      %add3A_765 = arith.addi %mul3A_763, %add3A_764 : i32
      %get3A_766 = arith.index_cast %add3A_765 : i32 to index
      %get3A_767 = tpu.vector_load %arg13[%get3A_766] {strides = array<i32>} : memref<3328xf32, #tpu.memory_space<vmem>>, vector<16xf32>,
      %add3A_768 = arith.addf %scan3A_712, %get3A_767 : vector<16xf32>
      scf.yield %add3A_719, %add3A_726, %add3A_733, %add3A_740, %add3A_747, %add3A_754, %add3A_761, %add3A_768 : vector<16xf32>, vector<16xf32>, vector<16xf32>, vector<16xf32>, vector<16xf32>, vector<16xf32>, vector<16xf32>, vector<16xf32>
    }
    %scan3A_597 = arith.constant 26 : i32
    %get3A_598 = arith.constant 0 : index
    %get3A_599 = tpu.vector_load %arg15[%get3A_598] {strides = array<i32>} : memref<16xf32, #tpu.memory_space<vmem>>, vector<16xf32>,
    %add3A_600 = arith.addf %scan3A_596#0, %get3A_599 : vector<16xf32>
    %neg3A_601 = arith.constant 0.000000e+00 : f32
    %neg3A_602 = vector.broadcast %neg3A_601 : f32 to vector<16xf32>
    %neg3A_603 = arith.subf %neg3A_602, %add3A_600 : vector<16xf32>
    %exp3A_604 = math.exp %neg3A_603 : vector<16xf32>
    %add3A_605 = arith.constant 1.000000e+00 : f32
    %add3A_606 = vector.broadcast %add3A_605 : f32 to vector<16xf32>
    %add3A_607 = arith.addf %add3A_606, %exp3A_604 : vector<16xf32>
    %div3A_608 = arith.constant 1.000000e+00 : f32
    %div3A_609 = vector.broadcast %div3A_608 : f32 to vector<16xf32>
    %div3A_610 = arith.divf %div3A_609, %add3A_607 : vector<16xf32>
    %swap3A_611 = arith.constant 384 : index
    %swap3A_612 = tpu.vector_load %arg14[%swap3A_611] {strides = array<i32>} : memref<512xf32, #tpu.memory_space<vmem>>, vector<16xf32>,
    tpu.vector_store %arg14[%swap3A_611], %div3A_610 {strides = array<i32>} : memref<512xf32, #tpu.memory_space<vmem>>, vector<16xf32>,
    %add3A_613 = arith.addf %scan3A_596#1, %get3A_599 : vector<16xf32>
    %neg3A_614 = arith.constant 0.000000e+00 : f32
    %neg3A_615 = vector.broadcast %neg3A_614 : f32 to vector<16xf32>
    %neg3A_616 = arith.subf %neg3A_615, %add3A_613 : vector<16xf32>
    %exp3A_617 = math.exp %neg3A_616 : vector<16xf32>
    %add3A_618 = arith.constant 1.000000e+00 : f32
    %add3A_619 = vector.broadcast %add3A_618 : f32 to vector<16xf32>
    %add3A_620 = arith.addf %add3A_619, %exp3A_617 : vector<16xf32>
    %div3A_621 = arith.constant 1.000000e+00 : f32
    %div3A_622 = vector.broadcast %div3A_621 : f32 to vector<16xf32>
    %div3A_623 = arith.divf %div3A_622, %add3A_620 : vector<16xf32>
    %swap3A_624 = arith.constant 400 : index
    %swap3A_625 = tpu.vector_load %arg14[%swap3A_624] {strides = array<i32>} : memref<512xf32, #tpu.memory_space<vmem>>, vector<16xf32>,
    tpu.vector_store %arg14[%swap3A_624], %div3A_623 {strides = array<i32>} : memref<512xf32, #tpu.memory_space<vmem>>, vector<16xf32>,
    %add3A_626 = arith.addf %scan3A_596#2, %get3A_599 : vector<16xf32>
    %neg3A_627 = arith.constant 0.000000e+00 : f32
    %neg3A_628 = vector.broadcast %neg3A_627 : f32 to vector<16xf32>
    %neg3A_629 = arith.subf %neg3A_628, %add3A_626 : vector<16xf32>
    %exp3A_630 = math.exp %neg3A_629 : vector<16xf32>
    %add3A_631 = arith.constant 1.000000e+00 : f32
    %add3A_632 = vector.broadcast %add3A_631 : f32 to vector<16xf32>
    %add3A_633 = arith.addf %add3A_632, %exp3A_630 : vector<16xf32>
    %div3A_634 = arith.constant 1.000000e+00 : f32
    %div3A_635 = vector.broadcast %div3A_634 : f32 to vector<16xf32>
    %div3A_636 = arith.divf %div3A_635, %add3A_633 : vector<16xf32>
    %swap3A_637 = arith.constant 416 : index
    %swap3A_638 = tpu.vector_load %arg14[%swap3A_637] {strides = array<i32>} : memref<512xf32, #tpu.memory_space<vmem>>, vector<16xf32>,
    tpu.vector_store %arg14[%swap3A_637], %div3A_636 {strides = array<i32>} : memref<512xf32, #tpu.memory_space<vmem>>, vector<16xf32>,
    %add3A_639 = arith.addf %scan3A_596#3, %get3A_599 : vector<16xf32>
    %neg3A_640 = arith.constant 0.000000e+00 : f32
    %neg3A_641 = vector.broadcast %neg3A_640 : f32 to vector<16xf32>
    %neg3A_642 = arith.subf %neg3A_641, %add3A_639 : vector<16xf32>
    %exp3A_643 = math.exp %neg3A_642 : vector<16xf32>
    %add3A_644 = arith.constant 1.000000e+00 : f32
    %add3A_645 = vector.broadcast %add3A_644 : f32 to vector<16xf32>
    %add3A_646 = arith.addf %add3A_645, %exp3A_643 : vector<16xf32>
    %div3A_647 = arith.constant 1.000000e+00 : f32
    %div3A_648 = vector.broadcast %div3A_647 : f32 to vector<16xf32>
    %div3A_649 = arith.divf %div3A_648, %add3A_646 : vector<16xf32>
    %swap3A_650 = arith.constant 432 : index
    %swap3A_651 = tpu.vector_load %arg14[%swap3A_650] {strides = array<i32>} : memref<512xf32, #tpu.memory_space<vmem>>, vector<16xf32>,
    tpu.vector_store %arg14[%swap3A_650], %div3A_649 {strides = array<i32>} : memref<512xf32, #tpu.memory_space<vmem>>, vector<16xf32>,
    %add3A_652 = arith.addf %scan3A_596#4, %get3A_599 : vector<16xf32>
    %neg3A_653 = arith.constant 0.000000e+00 : f32
    %neg3A_654 = vector.broadcast %neg3A_653 : f32 to vector<16xf32>
    %neg3A_655 = arith.subf %neg3A_654, %add3A_652 : vector<16xf32>
    %exp3A_656 = math.exp %neg3A_655 : vector<16xf32>
    %add3A_657 = arith.constant 1.000000e+00 : f32
    %add3A_658 = vector.broadcast %add3A_657 : f32 to vector<16xf32>
    %add3A_659 = arith.addf %add3A_658, %exp3A_656 : vector<16xf32>
    %div3A_660 = arith.constant 1.000000e+00 : f32
    %div3A_661 = vector.broadcast %div3A_660 : f32 to vector<16xf32>
    %div3A_662 = arith.divf %div3A_661, %add3A_659 : vector<16xf32>
    %swap3A_663 = arith.constant 448 : index
    %swap3A_664 = tpu.vector_load %arg14[%swap3A_663] {strides = array<i32>} : memref<512xf32, #tpu.memory_space<vmem>>, vector<16xf32>,
    tpu.vector_store %arg14[%swap3A_663], %div3A_662 {strides = array<i32>} : memref<512xf32, #tpu.memory_space<vmem>>, vector<16xf32>,
    %add3A_665 = arith.addf %scan3A_596#5, %get3A_599 : vector<16xf32>
    %neg3A_666 = arith.constant 0.000000e+00 : f32
    %neg3A_667 = vector.broadcast %neg3A_666 : f32 to vector<16xf32>
    %neg3A_668 = arith.subf %neg3A_667, %add3A_665 : vector<16xf32>
    %exp3A_669 = math.exp %neg3A_668 : vector<16xf32>
    %add3A_670 = arith.constant 1.000000e+00 : f32
    %add3A_671 = vector.broadcast %add3A_670 : f32 to vector<16xf32>
    %add3A_672 = arith.addf %add3A_671, %exp3A_669 : vector<16xf32>
    %div3A_673 = arith.constant 1.000000e+00 : f32
    %div3A_674 = vector.broadcast %div3A_673 : f32 to vector<16xf32>
    %div3A_675 = arith.divf %div3A_674, %add3A_672 : vector<16xf32>
    %swap3A_676 = arith.constant 464 : index
    %swap3A_677 = tpu.vector_load %arg14[%swap3A_676] {strides = array<i32>} : memref<512xf32, #tpu.memory_space<vmem>>, vector<16xf32>,
    tpu.vector_store %arg14[%swap3A_676], %div3A_675 {strides = array<i32>} : memref<512xf32, #tpu.memory_space<vmem>>, vector<16xf32>,
    %add3A_678 = arith.addf %scan3A_596#6, %get3A_599 : vector<16xf32>
    %neg3A_679 = arith.constant 0.000000e+00 : f32
    %neg3A_680 = vector.broadcast %neg3A_679 : f32 to vector<16xf32>
    %neg3A_681 = arith.subf %neg3A_680, %add3A_678 : vector<16xf32>
    %exp3A_682 = math.exp %neg3A_681 : vector<16xf32>
    %add3A_683 = arith.constant 1.000000e+00 : f32
    %add3A_684 = vector.broadcast %add3A_683 : f32 to vector<16xf32>
    %add3A_685 = arith.addf %add3A_684, %exp3A_682 : vector<16xf32>
    %div3A_686 = arith.constant 1.000000e+00 : f32
    %div3A_687 = vector.broadcast %div3A_686 : f32 to vector<16xf32>
    %div3A_688 = arith.divf %div3A_687, %add3A_685 : vector<16xf32>
    %swap3A_689 = arith.constant 480 : index
    %swap3A_690 = tpu.vector_load %arg14[%swap3A_689] {strides = array<i32>} : memref<512xf32, #tpu.memory_space<vmem>>, vector<16xf32>,
    tpu.vector_store %arg14[%swap3A_689], %div3A_688 {strides = array<i32>} : memref<512xf32, #tpu.memory_space<vmem>>, vector<16xf32>,
    %add3A_691 = arith.addf %scan3A_596#7, %get3A_599 : vector<16xf32>
    %neg3A_692 = arith.constant 0.000000e+00 : f32
    %neg3A_693 = vector.broadcast %neg3A_692 : f32 to vector<16xf32>
    %neg3A_694 = arith.subf %neg3A_693, %add3A_691 : vector<16xf32>
    %exp3A_695 = math.exp %neg3A_694 : vector<16xf32>
    %add3A_696 = arith.constant 1.000000e+00 : f32
    %add3A_697 = vector.broadcast %add3A_696 : f32 to vector<16xf32>
    %add3A_698 = arith.addf %add3A_697, %exp3A_695 : vector<16xf32>
    %div3A_699 = arith.constant 1.000000e+00 : f32
    %div3A_700 = vector.broadcast %div3A_699 : f32 to vector<16xf32>
    %div3A_701 = arith.divf %div3A_700, %add3A_698 : vector<16xf32>
    %swap3A_702 = arith.constant 496 : index
    %swap3A_703 = tpu.vector_load %arg14[%swap3A_702] {strides = array<i32>} : memref<512xf32, #tpu.memory_space<vmem>>, vector<16xf32>,
    tpu.vector_store %arg14[%swap3A_702], %div3A_701 {strides = array<i32>} : memref<512xf32, #tpu.memory_space<vmem>>, vector<16xf32>,
    "tpu.region"() ({
      %run_scoped3A = tpu.sem_alloc : memref<!tpu.dma_semaphore, #tpu.memory_space<semaphore_mem>>
      %dma_start3A_704 = tpu.memref_slice %arg7[%mul3A_2] : memref<16384xf32, #tpu.memory_space<hbm>> -> memref<512xf32, #tpu.memory_space<hbm>>
      %dma_start3A_705 = tpu.memref_slice %arg7[%mul3A_2] : memref<16384xf32, #tpu.memory_space<hbm>> -> memref<512xf32, #tpu.memory_space<hbm>>
      tpu.enqueue_dma source(%arg14 : memref<512xf32, #tpu.memory_space<vmem>>) target(%dma_start3A_705 : memref<512xf32, #tpu.memory_space<hbm>>) target_semaphore(%run_scoped3A : memref<!tpu.dma_semaphore, #tpu.memory_space<semaphore_mem>>)
      %dma_wait3A_706 = tpu.memref_slice %arg7[%mul3A_2] : memref<16384xf32, #tpu.memory_space<hbm>> -> memref<512xf32, #tpu.memory_space<hbm>>
      %dma_wait3A_707 = tpu.memref_slice %arg7[%mul3A_2] : memref<16384xf32, #tpu.memory_space<hbm>> -> memref<512xf32, #tpu.memory_space<hbm>>
      tpu.wait_dma2 semaphore(%run_scoped3A : memref<!tpu.dma_semaphore, #tpu.memory_space<semaphore_mem>>) src(%arg14 : memref<512xf32, #tpu.memory_space<vmem>>) dst(%dma_wait3A_707 : memref<512xf32, #tpu.memory_space<hbm>>)
      tpu.yield
    }) : () -> ()
    return
  }
}

</mosaic_0001>

<sc_bundles>
// kernel: _run.3.cloned.1.call-start
scs
__scs_entry_jumppad:
0x0: {  	(pc) =	sbr.rel $0x88, $3  }
0x1: {  	(tag) =	ssettag $0x0;
	lr =	simm.s32 $0x1  }
0x2: {  	[smem:$0x3F9C] =	sst lr;
	_ =	strace $0xD0000000  }
0x3: {  	_ = 	snop  }
0x4: {  	_ = 	snop  }
0x5: {  	_ = 	snop  }
0x6: {  	_ = 	snop  }
0x7: {  	_ = 	snop  }
__scs_overlays_trampoline_lowered:
0x8: {  	[smem:$0x3FAB] =	sst s0  }
0x9: {  	[smem:$0x3FAC] =	sst s1  }
0xa: {  	[smem:$0x3FAD] =	sst s2  }
0xb: {  	[smem:$0x3FAE] =	sst s3  }
0xc: {  	[smem:$0x3FAF] =	sst s4  }
0xd: {  	[smem:$0x3FB0] =	sst s5  }
0xe: {  	[smem:$0x3FB1] =	sst s6  }
0xf: {  	[smem:$0x3FB2] =	sst s7  }
0x10: {  	[smem:$0x3FB3] =	sst s8  }
0x11: {  	[smem:$0x3FB4] =	sst s9;
	s0 =	simm.s32 @!p0 $0x0  }
0x12: {  	s1 =	sld [smem:$0x3F9A];
	s0 =	simm.s32 @p0 $0x1  }
0x13: {  	[smem:$0x3FB5] =	sst s0;
	s0 =	simm.s32 @!p1 $0x0  }
0x14: {  	s2 =	sld [smem:$0x3F99];
	s0 =	simm.s32 @p1 $0x1  }
0x15: {  	[smem:$0x3FB6] =	sst s0;
	s0 =	simm.s32 @!p2 $0x0  }
0x16: {  	s3 =	sld [smem:$0x3FDB];
	s0 =	simm.s32 @p2 $0x1  }
0x17: {  	s4 =	simm.s32 $0x1BF5;
	[smem:$0x3FB8] =	sst s0  }
0x18: {  	s0 =	sld [smem:$0x3F9B];
	_ =	swait.ge [sflag:s4], $0x0  }
0x19: {  	s7 =	sld [smem:$0x3F9C]  }
0x1a: {  	s8 =	sadd.s32 $0xFFFFE003, lr  }
0x1b: {  	s9 =	sadd.s32 $0xFFFFFEF7, lr;
	s5 =	simm.s32 $0xFFFFFFFF;
	p2 =	slt.u32 s8, $0xFFFFF086  }
0x1c: {  	p1 =	slt.u32 s9, $0xF7A;
	s5 =	simm.s32 @!p2 $0x0  }
0x1d: {  	s5 =	simm.s32 @p1 $0x1;
	p0 =	seq.s32 s7, s2  }
0x1e: {  	s7 =	smul.u32 @!p0 $0xF7A, s2;
	p2 =	seq.s32 @!p0 s5, $0x0  }
0x1f: {  	s9 =	smul.u32 $0xF7A, s1;
	s8 =	simm.s32 @!p0 $0x1BF5;
	p2 =	por !p2, p0  }
0x20: {  	[sflag:s8] =	ssyncset.s32 @!p0 $0xFFFFF086;
	s6 =	sadd.s32 @!p0 s3, s7;
	s7 =	simm.s32 @!p0 $0x108  }
0x21: {  	s3 =	sadd.s32 s3, s9;
	s6 =	sadd.s32 @!p0 $0x88, s6;
	s7 =	simm.s32 @p2 $0x1082  }
0x22: {  	[simem:s7], [sflag:s8] =	dma.local @!p0 [hbm:s6], $0xF7A  }
0x23: {  	s9 =	sor.u32 $0xD0000000, s2;
	s6 =	simm.s32 $0x108;
	_ =	swait.ge @!p0 [sflag:s8], $0x0  }
0x24: {  	s3 =	sadd.s32 $0x88, s3;
	s6 =	simm.s32 @!p1 $0x1082;
	[sflag:s4] =	ssyncset.s32 $0xFFFFF086  }
0x25: {  	[simem:s6], [sflag:s4] =	dma.local [hbm:s3], $0xF7A  }
0x26: {  	[smem:$0x3F9C] =	sst s1;
	(tag) =	ssettag s2;
	_ =	strace s9  }
0x27: {  	s1 =	sld [smem:$0x3FAC]  }
0x28: {  	s2 =	sld [smem:$0x3FAD]  }
0x29: {  	s4 =	sld [smem:$0x3FAF]  }
0x2a: {  	p0 =	seq.s32 s5, $0x0;
	s5 =	sld [smem:$0x3FB0]  }
0x2b: {  	s6 =	sld [smem:$0x3FB1]  }
0x2c: {  	s7 =	sld [smem:$0x3FB2]  }
0x2d: {  	s3 =	simm.s32 $0x108;
	s8 =	sld [smem:$0x3FB3]  }
0x2e: {  	s3 =	simm.s32 @!p0 $0x1082;
	s9 =	sld [smem:$0x3FB4]  }
0x2f: {  	lr =	sadd.s32 s0, s3;
	s0 =	sld [smem:$0x3FAB]  }
0x30: {  	s3 =	sld [smem:$0x3FAE]  }
0x31: {  	[smem:$0x3FB7] =	sst s10  }
0x32: {  	s10 =	sld [smem:$0x3FB5];
	_ =	sdelay $0x3  }
0x33: {  	p0 =	seq.s32 s10, $0x1;
	s10 =	sld [smem:$0x3FB7];
	_ =	sdelay $0x3  }
0x34: {  	[smem:$0x3FB7] =	sst s10  }
0x35: {  	s10 =	sld [smem:$0x3FB6];
	_ =	sdelay $0x3  }
0x36: {  	p1 =	seq.s32 s10, $0x1;
	s10 =	sld [smem:$0x3FB7];
	_ =	sdelay $0x3  }
0x37: {  	[smem:$0x3FB7] =	sst s10  }
0x38: {  	s10 =	sld [smem:$0x3FB8]  }
0x39: {  	_ = 	snop;
	(pc) =	sbr.ind lr, $3  }
0x3a: {  	_ = 	snop  }
0x3b: {  	_ = 	snop  }
0x3c: {  	p2 =	seq.s32 s10, $0x1;
	s10 =	sld [smem:$0x3FB7]  }
0x3d: {  	_ =	shalt  }
0x3e: {  	_ =	shalt  }
0x3f: {  	_ =	shalt  }
0x40: {  	_ =	shalt  }
0x41: {  	_ =	shalt  }
0x42: {  	_ =	shalt  }
0x43: {  	_ =	shalt  }
0x44: {  	_ =	shalt  }
0x45: {  	_ =	shalt  }
0x46: {  	_ =	shalt  }
0x47: {  	_ =	shalt  }
0x48: {  	_ =	shalt  }
0x49: {  	_ =	shalt  }
0x4a: {  	_ =	shalt  }
0x4b: {  	_ =	shalt  }
0x4c: {  	_ =	shalt  }
0x4d: {  	_ =	shalt  }
0x4e: {  	_ =	shalt  }
0x4f: {  	_ =	shalt  }
0x50: {  	_ =	shalt  }
0x51: {  	_ =	shalt  }
0x52: {  	_ =	shalt  }
0x53: {  	_ =	shalt  }
0x54: {  	_ =	shalt  }
0x55: {  	_ =	shalt  }
0x56: {  	_ =	shalt  }
0x57: {  	_ =	shalt  }
0x58: {  	_ =	shalt  }
0x59: {  	_ =	shalt  }
0x5a: {  	_ =	shalt  }
0x5b: {  	_ =	shalt  }
0x5c: {  	_ =	shalt  }
0x5d: {  	_ =	shalt  }
0x5e: {  	_ =	shalt  }
0x5f: {  	_ =	shalt  }
0x60: {  	_ =	shalt  }
0x61: {  	_ =	shalt  }
0x62: {  	_ =	shalt  }
0x63: {  	_ =	shalt  }
0x64: {  	_ =	shalt  }
0x65: {  	_ =	shalt  }
0x66: {  	_ =	shalt  }
0x67: {  	_ =	shalt  }
0x68: {  	_ =	shalt  }
0x69: {  	_ =	shalt  }
0x6a: {  	_ =	shalt  }
0x6b: {  	_ =	shalt  }
0x6c: {  	_ =	shalt  }
0x6d: {  	_ =	shalt  }
0x6e: {  	_ =	shalt  }
0x6f: {  	_ =	shalt  }
0x70: {  	_ =	shalt  }
0x71: {  	_ =	shalt  }
0x72: {  	_ =	shalt  }
0x73: {  	_ =	shalt  }
0x74: {  	_ =	shalt  }
0x75: {  	_ =	shalt  }
0x76: {  	_ =	shalt  }
0x77: {  	_ =	shalt  }
0x78: {  	_ =	shalt  }
0x79: {  	_ =	shalt  }
0x7a: {  	_ =	shalt  }
0x7b: {  	_ =	shalt  }
0x7c: {  	_ =	shalt  }
0x7d: {  	_ =	shalt  }
0x7e: {  	_ =	shalt  }
0x7f: {  	_ =	shalt  }
0x80: {  	_ =	shalt  }
0x81: {  	_ =	shalt  }
0x82: {  	_ =	shalt  }
0x83: {  	_ =	shalt  }
0x84: {  	_ =	shalt  }
0x85: {  	_ =	shalt  }
0x86: {  	_ =	shalt  }
0x87: {  	_ =	shalt  }
.Lfunc_end0:
.L_simem_size_0:
called_computation_lowered:
.L_overlay_start_0:
0x88: {  	s2 =	sld [smem:$0x3FD9]  }
0x89: {  	s3 =	sld [smem:$0x3FFE];
	_ =	sdelay $0x1  }
0x8a: {  	s1 =	srdreg.scid  }
0x8b: {  	s0 =	sand.u32 $0x1, s1  }
0x8c: {  	s18 =	sshll.u32 s0, $0xA;
	s2 =	sadd.s32 s3, s2  }
0x8d: {  	s2 =	sadd.s32 s2, s18  }
0x8e: {  	[smem:$0x3FC3] =	sst s2  }
0x8f: {  	_ = 	snop  }
0x90: {  	s2 =	sld [smem:$0x3FC9]  }
0x91: {  	s19 =	sld [smem:$0x3FC8]  }
0x92: {  	s4 =	sld [smem:$0x3FC7]  }
0x93: {  	s5 =	sld [smem:$0x3FC6]  }
0x94: {  	s6 =	sld [smem:$0x3FC5]  }
0x95: {  	s7 =	sld [smem:$0x3FD0];
	(tm) =	ssettm $0x1  }
0x96: {  	s8 =	sld [smem:$0x3FFB];
	_ =	sdelay $0x3  }
0x97: {  	_ =	strace s8  }
0x98: {  	s8 =	sld [smem:$0x3FFC];
	_ =	sdelay $0x3  }
0x99: {  	_ =	strace s8  }
0x9a: {  	s8 =	sld [smem:$0x3FFD];
	_ =	sdelay $0x3  }
0x9b: {  	_ =	strace s8  }
0x9c: {  	_ =	strace $0x8FFFFFFF  }
0x9d: {  	s20 =	sld [smem:$0x3FDB];
	_ =	sdelay $0x1  }
0x9e: {  	s9 =	simm.s32 $_scs_section_size  }
0x9f: {  	s10 =	simm.s32 $_size__tile_overlayer_lowered;
	s11 =	simm.s32 $_tile_overlayer_lowered  }
0xa0: {  	s23 =	simm.s32 $0x1BFF;
	s22 =	sshll.u32 s11, $0x1;
	s8 =	sadd.s32 s9, s20  }
0xa1: {  	s12 =	simm.s32 $0x0;
	s21 =	sshll.u32 s10, $0x1;
	s10 =	sadd.s32 s22, s8  }
0xa2: {  	[timem:s12], [sflag:s23] =	dma.local [hbm:s10], s21  }
0xa3: {  	_ =	swait.ge [sflag:s23], s21  }
0xa4: {  	s9 =	ssub.s32 $0x0, s21;
	[sflag:s23] =	ssyncset.done $0x0  }
0xa5: {  	[sflag:s23] =	ssyncadd.s32 s9;
	_ =	sdelay $0x1  }
0xa6: {  	s24 =	simm.s32 $0x1B8B  }
0xa7: {  	_ =	swait.ge [sflag:s24], $0x1  }
0xa8: {  	[sflag:s24] =	ssyncset.done $0x0  }
0xa9: {  	s25 =	simm.s32 $0x1B8E;
	[sflag:s24] =	ssyncadd.s32 $0xFFFFFFFF  }
0xaa: {  	s26 =	simm.s32 $execute0_lowered;
	[smem:$0x3FD2] =	sst s25  }
0xab: {  	s9 =	sshll.u32 s26, $0x1;
	_ =	strace $0x80000046;
	[dreg:$0x1] =	wrdreg $0xFFFFFFFF  }
0xac: {  	s28 =	simm.s32 $_size_execute0_lowered;
	s8 =	sadd.s32 s8, s9;
	[dreg:$0x0] =	wrdreg $0x0  }
0xad: {  	s9 =	sshll.u32 s28, $0x1;
	[dreg:$0x2] =	wrdreg s8  }
0xae: {  	[dreg:$0x3] =	wrdreg s9  }
0xaf: {  	[dreg:$0x4] =	wrdreg $0xC0  }
0xb0: {  	_ =	task [dreg:s12], $0x5FFFF  }
0xb1: {  	[dreg:$0x1] =	wrdreg $0xFFFFFFFF  }
0xb2: {  	[dreg:$0x0] =	wrdreg $0x60  }
0xb3: {  	[dreg:$0x2] =	wrdreg s2  }
0xb4: {  	[dreg:$0x3] =	wrdreg s19  }
0xb5: {  	[dreg:$0x4] =	wrdreg s4  }
0xb6: {  	[dreg:$0x5] =	wrdreg s5  }
0xb7: {  	[dreg:$0x6] =	wrdreg s6  }
0xb8: {  	[dreg:$0x7] =	wrdreg s7  }
0xb9: {  	[dreg:$0x8] =	wrdreg $0x9  }
0xba: {  	_ =	task.clear_ibuf [dreg:s12], $0x9FFFF;
	_ =	strace $0x90000046  }
0xbb: {  	s29 =	simm.s32 $0x9;
	_ =	strace $0x80000048  }
0xbc: {  	_ =	swait.ge [sflag:s29], $0x1  }
0xbd: {  	[sflag:s29] =	ssyncadd.s32 $0xFFFFFFFF  }
0xbe: {  	_ =	strace $0x90000048  }
0xbf: {  	_ =	sfence  }
0xc0: {  	s30 =	sld [smem:$0x0];
	_ =	sdelay $0x2  }
0xc1: {  	s31 =	sshll.u32 s1, $0xD;
	s1 =	sshrl.u32 s1, $0x2  }
0xc2: {  	s3 =	sand.u32 $0x4000, s31;
	s1 =	sadd.s32 s1, s30  }
0xc3: {  	s0 =	sor.u32 s3, s0;
	s1 =	sshll.u32 s1, $0x11  }
0xc4: {  	s0 =	sor.u32 s1, s0  }
0xc5: {  	s0 =	sadd.s32 $0x8F2B, s0  }
0xc6: {  	[sflag:s0] =	ssyncadd.remote.s32 $0x1  }
0xc7: {  	_ =	sfence.sel $0xFFFF  }
0xc8: {  	[dreg:$0x0] =	wrdreg $0xFFFFFFFF;
	(pc) =	sbr.abs _section_cstart, $3  }
0xc9: {  	[dreg:$0x1] =	wrdreg $0xFFFFFFFF  }
0xca: {  	_ =	task.clear_ibuf [dreg:s12], $0x2FFFF;
	_ =	strace $0x9FFFFFFF  }
0xcb: {  	(tm) =	ssettm $0x7FFFFFFF  }
tec
execute0_lowered:
.L_overlay_start_1:
0x0: {  	(tag) =	ssettag $0x1  }
0x1: {  	s0 =	rddreg [dreg:$0x0]  }
0x2: {  	s2 =	rddreg [dreg:$0x1]  }
0x3: {  	s1 =	rddreg [dreg:$0x2]  }
0x4: {  	s3 =	rddreg [dreg:$0x5];
	s5 =	simm.s32 $0x0;
	s4 =	srdreg.scid  }
0x5: {  	s7 =	stileid.u32;
	s28 =	simm.s32 $0x18700;
	s29 =	simm.s32 $0x19300  }
0x6: {  	s30 =	simm.s32 $0x5;
	s31 =	simm.s32 $0x80;
	s17 =	simm.s32 $0x4  }
0x7: {  	s19 =	simm.s32 $0x1A300;
	s18 =	simm.s32 $0x1A380;
	s9 =	simm.s32 $0x2  }
0x8: {  	s16 =	simm.s32 $0x0;
	[smem:$0x7FF] =	sst s5;
	s4 =	sand.u32 $0x1, s4  }
0x9: {  	s7 =	sshll.u32 s7, $0xA;
	s6 =	ssub.s32 $0x2, s4;
	s4 =	sshll.u32 s4, $0x9  }
0xa: {  	_ =	strace $0x80000047;
	s8 =	sshrl.u32 s6, $0x1;
	s4 =	sor.u32 s4, s7  }
0xb: {  	s6 =	ssub.s32 s6, s8;
	s7 =	sadd.s32 s2, s4;
	s20 =	sadd.s32 s0, s4  }
0xc: {  	s22 =	sor.u32 $0x80, s4;
	s23 =	sor.u32 $0x100, s4;
	s24 =	sor.u32 $0x180, s4  }
0xd: {  	s25 =	sshrl.u32 s4, $0x3;
	s4 =	simm.s32 $0x3;
	[dreg:$0x7] =	wrdreg s7  }
0xe: {  	s8 =	simm.s32 $0x1F480;
	s7 =	sadd.s32 $0x30000, s7;
	[dreg:$0x8] =	wrdreg s20  }
0xf: {  	s21 =	sadd.s32 $0xC000, s20;
	s10 =	sadd.s32 s2, s22;
	s11 =	sadd.s32 s0, s22  }
0x10: {  	s12 =	sadd.s32 s2, s23;
	s13 =	sadd.s32 s0, s23;
	s14 =	sadd.s32 s2, s24  }
0x11: {  	s15 =	sadd.s32 s0, s24;
	s0 =	sadd.s32 s3, s25;
	s26 =	smax.u32 s6, $0x1  }
0x12: {  	s23 =	simm.s32 $0x400;
	s24 =	simm.s32 $0x20000;
	[dreg:$0x9] =	wrdreg s7  }
0x13: {  	s25 =	simm.s32 $0x1A700;
	s3 =	simm.s32 $0x19700;
	[dreg:$0xa] =	wrdreg s21  }
0x14: {  	s22 =	simm.s32 $0x1F380;
	s2 =	simm.s32 $0x1F400;
	[dreg:$0xb] =	wrdreg s0  }
0x15: {  	v0 =	vimm.s32 $0x0;
	v1 =	vimm.s32 $0x186A0;
	[dreg:$0xc] =	wrdreg s26;
	s26 =	simm.s32 $0x1D700;
	s0 =	simm.s32 $0x1  }
.LBB2_1:
0x16: {  	[tilespmem:$0x1F780] =	vst v0  }
0x17: {  	[tilespmem:$0x1F790] =	vst v1;
	s6 =	rddreg [dreg:$0x3]  }
0x18: {  	[tilespmem:s5], [sflag:$0x3] =	stream.linear.gather [hbm4b:s6+s5], $0x186A0, $0x38;
	[tilespmem:$0x1F800] =	vst v63  }
0x19: {  	s7 =	simm.s32 $0x10;
	s20 =	simm.s32 $0x1F790;
	s21 =	simm.s32 $0x186A0  }
0x1a: {  	[tilespmem:s21], [sflag:$0x3] =	stream.indirect.gather [hbm4b:s6+s7], $0x1, s20, s7, $0xb8;
	[tilespmem:$0x1F800] =	vst v63  }
0x1b: {  	s6 =	rddreg [dreg:$0x4];
	s20 =	simm.s32 $0x1F780;
	s21 =	simm.s32 $0x1F700  }
0x1c: {  	[tilespmem:s21], [sflag:$0x3] =	stream.indirect.gather [hbm4b:s6+s7], $0x1, s20, s7, $0xb8;
	[tilespmem:$0x1F800] =	vst v63  }
0x1d: {  	s7 =	rddreg [dreg:$0x7]  }
0x1e: {  	[tilespmem:s25], [sflag:$0x4] =	stream.strided.gather [hbm4b:s7+s23], $0x3000, s24, s23, $0x38;
	[tilespmem:$0x1F800] =	vst v63  }
0x1f: {  	s7 =	rddreg [dreg:$0x9]  }
0x20: {  	[tilespmem:s26], [sflag:$0x4] =	stream.linear.gather [hbm4b:s7+s5], $0x200, $0x38;
	[tilespmem:$0x1F800] =	vst v63  }
0x21: {  	s7 =	rddreg [dreg:$0x8]  }
0x22: {  	[tilespmem:s28], [sflag:$0x5] =	stream.strided.gather [hbm4b:s7+s23], $0xC00, s24, s23, $0x38;
	[tilespmem:$0x1F800] =	vst v63  }
0x23: {  	s7 =	rddreg [dreg:$0xa]  }
0x24: {  	[tilespmem:s29], [sflag:$0x5] =	stream.linear.gather [hbm4b:s7+s5], $0x100, $0x38;
	[tilespmem:$0x1F800] =	vst v63  }
0x25: {  	_ =	swait.ge [sflag:s30], $0xD00  }
0x26: {  	[sflag:s30] =	ssyncset.done $0x0  }
0x27: {  	s20 =	simm.s32 $0x1DB00;
	[sflag:s30] =	ssyncadd.s32 $0xFFFFF300  }
0x28: {  	[tilespmem:s20], [sflag:$0x1] =	stream.indirect.gather [hbm4b:s1+s31], $0x1, s28, s31, $0xb8;
	[tilespmem:$0x1F800] =	vst v63  }
0x29: {  	s21 =	simm.s32 $0x18780;
	s7 =	simm.s32 $0x1DB80  }
0x2a: {  	[tilespmem:s7], [sflag:$0x1] =	stream.indirect.gather [hbm4b:s1+s31], $0x1, s21, s31, $0xb8;
	[tilespmem:$0x1F800] =	vst v63  }
0x2b: {  	s6 =	simm.s32 $0x18800;
	s7 =	simm.s32 $0x1DC00  }
0x2c: {  	[tilespmem:s7], [sflag:$0x1] =	stream.indirect.gather [hbm4b:s1+s31], $0x1, s6, s31, $0xb8;
	[tilespmem:$0x1F800] =	vst v63  }
0x2d: {  	s6 =	simm.s32 $0x18880;
	s7 =	simm.s32 $0x1DC80  }
0x2e: {  	[tilespmem:s7], [sflag:$0x1] =	stream.indirect.gather [hbm4b:s1+s31], $0x1, s6, s31, $0xb8;
	[tilespmem:$0x1F800] =	vst v63  }
0x2f: {  	s6 =	simm.s32 $0x18900;
	s7 =	simm.s32 $0x1DD00  }
0x30: {  	[tilespmem:s7], [sflag:$0x1] =	stream.indirect.gather [hbm4b:s1+s31], $0x1, s6, s31, $0xb8;
	[tilespmem:$0x1F800] =	vst v63  }
0x31: {  	s6 =	simm.s32 $0x18980;
	s7 =	simm.s32 $0x1DD80  }
0x32: {  	[tilespmem:s7], [sflag:$0x1] =	stream.indirect.gather [hbm4b:s1+s31], $0x1, s6, s31, $0xb8;
	[tilespmem:$0x1F800] =	vst v63  }
0x33: {  	s6 =	simm.s32 $0x18A00;
	s7 =	simm.s32 $0x1DE00  }
0x34: {  	[tilespmem:s7], [sflag:$0x1] =	stream.indirect.gather [hbm4b:s1+s31], $0x1, s6, s31, $0xb8;
	[tilespmem:$0x1F800] =	vst v63  }
0x35: {  	s6 =	simm.s32 $0x18A80;
	s7 =	simm.s32 $0x1DE80  }
0x36: {  	[tilespmem:s7], [sflag:$0x1] =	stream.indirect.gather [hbm4b:s1+s31], $0x1, s6, s31, $0xb8;
	[tilespmem:$0x1F800] =	vst v63  }
0x37: {  	s6 =	simm.s32 $0x18B00;
	s7 =	simm.s32 $0x1DF00  }
0x38: {  	[tilespmem:s7], [sflag:$0x1] =	stream.indirect.gather [hbm4b:s1+s31], $0x1, s6, s31, $0xb8;
	[tilespmem:$0x1F800] =	vst v63  }
0x39: {  	s6 =	simm.s32 $0x18B80;
	s7 =	simm.s32 $0x1DF80  }
0x3a: {  	[tilespmem:s7], [sflag:$0x1] =	stream.indirect.gather [hbm4b:s1+s31], $0x1, s6, s31, $0xb8;
	[tilespmem:$0x1F800] =	vst v63  }
0x3b: {  	s6 =	simm.s32 $0x18C00;
	s7 =	simm.s32 $0x1E000  }
0x3c: {  	[tilespmem:s7], [sflag:$0x1] =	stream.indirect.gather [hbm4b:s1+s31], $0x1, s6, s31, $0xb8;
	[tilespmem:$0x1F800] =	vst v63  }
0x3d: {  	s6 =	simm.s32 $0x18C80;
	s7 =	simm.s32 $0x1E080  }
0x3e: {  	[tilespmem:s7], [sflag:$0x1] =	stream.indirect.gather [hbm4b:s1+s31], $0x1, s6, s31, $0xb8;
	[tilespmem:$0x1F800] =	vst v63  }
0x3f: {  	s6 =	simm.s32 $0x18D00;
	s7 =	simm.s32 $0x1E100  }
0x40: {  	[tilespmem:s7], [sflag:$0x1] =	stream.indirect.gather [hbm4b:s1+s31], $0x1, s6, s31, $0xb8;
	[tilespmem:$0x1F800] =	vst v63  }
0x41: {  	s6 =	simm.s32 $0x18D80;
	s7 =	simm.s32 $0x1E180  }
0x42: {  	[tilespmem:s7], [sflag:$0x1] =	stream.indirect.gather [hbm4b:s1+s31], $0x1, s6, s31, $0xb8;
	[tilespmem:$0x1F800] =	vst v63  }
0x43: {  	s6 =	simm.s32 $0x18E00;
	s7 =	simm.s32 $0x1E200  }
0x44: {  	[tilespmem:s7], [sflag:$0x1] =	stream.indirect.gather [hbm4b:s1+s31], $0x1, s6, s31, $0xb8;
	[tilespmem:$0x1F800] =	vst v63  }
0x45: {  	s6 =	simm.s32 $0x18E80;
	s7 =	simm.s32 $0x1E280  }
0x46: {  	[tilespmem:s7], [sflag:$0x1] =	stream.indirect.gather [hbm4b:s1+s31], $0x1, s6, s31, $0xb8;
	[tilespmem:$0x1F800] =	vst v63  }
0x47: {  	s6 =	simm.s32 $0x18F00;
	s7 =	simm.s32 $0x1E300  }
0x48: {  	[tilespmem:s7], [sflag:$0x1] =	stream.indirect.gather [hbm4b:s1+s31], $0x1, s6, s31, $0xb8;
	[tilespmem:$0x1F800] =	vst v63  }
0x49: {  	s6 =	simm.s32 $0x18F80;
	s7 =	simm.s32 $0x1E380  }
0x4a: {  	[tilespmem:s7], [sflag:$0x1] =	stream.indirect.gather [hbm4b:s1+s31], $0x1, s6, s31, $0xb8;
	[tilespmem:$0x1F800] =	vst v63  }
0x4b: {  	s6 =	simm.s32 $0x19000;
	s7 =	simm.s32 $0x1E400  }
0x4c: {  	[tilespmem:s7], [sflag:$0x1] =	stream.indirect.gather [hbm4b:s1+s31], $0x1, s6, s31, $0xb8;
	[tilespmem:$0x1F800] =	vst v63  }
0x4d: {  	s6 =	simm.s32 $0x19080;
	s7 =	simm.s32 $0x1E480  }
0x4e: {  	[tilespmem:s7], [sflag:$0x1] =	stream.indirect.gather [hbm4b:s1+s31], $0x1, s6, s31, $0xb8;
	[tilespmem:$0x1F800] =	vst v63  }
0x4f: {  	s6 =	simm.s32 $0x19100;
	s7 =	simm.s32 $0x1E500  }
0x50: {  	[tilespmem:s7], [sflag:$0x1] =	stream.indirect.gather [hbm4b:s1+s31], $0x1, s6, s31, $0xb8;
	[tilespmem:$0x1F800] =	vst v63  }
0x51: {  	s6 =	simm.s32 $0x19180;
	s7 =	simm.s32 $0x1E580  }
0x52: {  	[tilespmem:s7], [sflag:$0x1] =	stream.indirect.gather [hbm4b:s1+s31], $0x1, s6, s31, $0xb8;
	[tilespmem:$0x1F800] =	vst v63  }
0x53: {  	s6 =	simm.s32 $0x19200;
	s7 =	simm.s32 $0x1E600  }
0x54: {  	[tilespmem:s7], [sflag:$0x1] =	stream.indirect.gather [hbm4b:s1+s31], $0x1, s6, s31, $0xb8;
	[tilespmem:$0x1F800] =	vst v63  }
0x55: {  	s6 =	simm.s32 $0x19280;
	s7 =	simm.s32 $0x1E680  }
0x56: {  	[tilespmem:s7], [sflag:$0x1] =	stream.indirect.gather [hbm4b:s1+s31], $0x1, s6, s31, $0xb8;
	[tilespmem:$0x1F800] =	vst v63  }
0x57: {  	s7 =	simm.s32 $0x1E700  }
0x58: {  	[tilespmem:s7], [sflag:$0x1] =	stream.indirect.gather [hbm4b:s1+s31], $0x1, s29, s31, $0xb8;
	[tilespmem:$0x1F800] =	vst v63  }
0x59: {  	s6 =	simm.s32 $0x19380;
	s7 =	simm.s32 $0x1E780  }
0x5a: {  	[tilespmem:s7], [sflag:$0x1] =	stream.indirect.gather [hbm4b:s1+s31], $0x1, s6, s31, $0xb8;
	[tilespmem:$0x1F800] =	vst v63  }
0x5b: {  	_ =	swait.ge [sflag:s4], $0x186A0  }
0x5c: {  	[sflag:s4] =	ssyncset.done $0x0  }
0x5d: {  	[sflag:s4] =	ssyncadd.s32 $0xFFFE7960  }
0x5e: {  	_ =	swait.ge [sflag:s4], $0x10  }
0x5f: {  	[sflag:s4] =	ssyncset.done $0x0  }
0x60: {  	[sflag:s4] =	ssyncadd.s32 $0xFFFFFFF0  }
0x61: {  	_ =	swait.ge [sflag:s4], $0x10  }
0x62: {  	[sflag:s4] =	ssyncset.done $0x0  }
0x63: {  	[sflag:s4] =	ssyncadd.s32 $0xFFFFFFF0  }
0x64: {  	_ =	swait.ge [sflag:s17], $0x3200  }
0x65: {  	[sflag:s17] =	ssyncset.done $0x0  }
0x66: {  	s7 =	simm.s32 $0x1A780;
	[sflag:s17] =	ssyncadd.s32 $0xFFFFCE00  }
0x67: {  	v2 =	vld [tilespmem:s7+$0x0]  }
0x68: {  	v3 =	vld [tilespmem:s7+$0x10]  }
0x69: {  	v4 =	vld [tilespmem:s7+$0x20]  }
0x6a: {  	v5 =	vld [tilespmem:s7+$0x30]  }
0x6b: {  	v6 =	vld [tilespmem:s7+$0x40]  }
0x6c: {  	v7 =	vld [tilespmem:s7+$0x50]  }
0x6d: {  	v12 =	vld [tilespmem:s7+$0x60]  }
0x6e: {  	v17 =	vld [tilespmem:s7+$0x70]  }
0x6f: {  	v13 =	vld [tilespmem:s7+$0xFFFFFF80]  }
0x70: {  	v14 =	vld [tilespmem:s7+$0xFFFFFF90]  }
0x71: {  	v15 =	vld [tilespmem:s7+$0xFFFFFFA0]  }
0x72: {  	v16 =	vld [tilespmem:s7+$0xFFFFFFB0]  }
0x73: {  	v18 =	vld [tilespmem:s7+$0xFFFFFFC0]  }
0x74: {  	v19 =	vld [tilespmem:s7+$0xFFFFFFD0]  }
0x75: {  	v20 =	vld [tilespmem:s7+$0xFFFFFFE0]  }
0x76: {  	v21 =	vld [tilespmem:s7+$0xFFFFFFF0]  }
0x77: {  	v10 =	vld.idx.msk [tilespmem:v2+s5+$0x0], $0xffff  }
0x78: {  	v11 =	vld.idx.msk [tilespmem:v3+s5+$0x0], $0xffff  }
0x79: {  	v8 =	vld.idx.msk [tilespmem:v4+s5+$0x0], $0xffff  }
0x7a: {  	v9 =	vld.idx.msk [tilespmem:v5+s5+$0x0], $0xffff  }
0x7b: {  	v5 =	vld.idx.msk [tilespmem:v6+s5+$0x0], $0xffff  }
0x7c: {  	v6 =	vld.idx.msk [tilespmem:v7+s5+$0x0], $0xffff  }
0x7d: {  	v3 =	vld.idx.msk [tilespmem:v13+s5+$0x0], $0xffff  }
0x7e: {  	v4 =	vld.idx.msk [tilespmem:v14+s5+$0x0], $0xffff  }
0x7f: {  	v7 =	vld.idx.msk [tilespmem:v15+s5+$0x0], $0xffff  }
0x80: {  	v22 =	vld.idx.msk [tilespmem:v16+s5+$0x0], $0xffff  }
0x81: {  	v13 =	vld.idx.msk [tilespmem:v18+s5+$0x0], $0xffff  }
0x82: {  	v15 =	vld.idx.msk [tilespmem:v19+s5+$0x0], $0xffff  }
0x83: {  	v2 =	vimm.f32 $0.0e+00;
	v14 =	vld.idx.msk [tilespmem:v20+s5+$0x0], $0xffff  }
0x84: {  	v16 =	vld.idx.msk [tilespmem:v21+s5+$0x0], $0xffff;
	v20 =	vadd.f32 v3, v2;
	v18 =	vadd.f32 v4, v2  }
0x85: {  	v12 =	vld.idx.msk [tilespmem:v12+s5+$0x0], $0xffff;
	v21 =	vadd.f32 v7, v2;
	v19 =	vadd.f32 v22, v2  }
0x86: {  	s6 =	simm.s32 $0x0;
	s7 =	simm.s32 $0x1A880;
	v17 =	vld.idx.msk [tilespmem:v17+s5+$0x0], $0xffff;
	v4 =	vimm.f32 $0.0e+00;
	v3 =	vimm.f32 $0.0e+00;
	v7 =	vimm.f32 $0.0e+00  }
.LBB2_2:
0x87: {  	v22 =	vld [tilespmem:s7+$0x0];
	v20 =	vadd.f32 v10, v20;
	v18 =	vadd.f32 v11, v18  }
0x88: {  	v11 =	vld [tilespmem:s7+$0x10];
	v21 =	vadd.f32 v8, v21;
	v19 =	vadd.f32 v9, v19  }
0x89: {  	v2 =	vadd.f32 v13, v2;
	v4 =	vadd.f32 v15, v4;
	v8 =	vld [tilespmem:s7+$0x20]  }
0x8a: {  	v3 =	vadd.f32 v14, v3;
	v7 =	vadd.f32 v16, v7;
	v9 =	vld [tilespmem:s7+$0x30]  }
0x8b: {  	v2 =	vadd.f32 v5, v2;
	v4 =	vadd.f32 v6, v4;
	v13 =	vld [tilespmem:s7+$0x40]  }
0x8c: {  	v3 =	vadd.f32 v12, v3;
	v7 =	vadd.f32 v17, v7;
	v6 =	vld [tilespmem:s7+$0x50]  }
0x8d: {  	v12 =	vld [tilespmem:s7+$0x60]  }
0x8e: {  	v17 =	vld [tilespmem:s7+$0x70]  }
0x8f: {  	v14 =	vld [tilespmem:s7+$0xFFFFFF80]  }
0x90: {  	v15 =	vld [tilespmem:s7+$0xFFFFFF90]  }
0x91: {  	v16 =	vld [tilespmem:s7+$0xFFFFFFA0]  }
0x92: {  	v23 =	vld [tilespmem:s7+$0xFFFFFFB0]  }
0x93: {  	v24 =	vld [tilespmem:s7+$0xFFFFFFC0]  }
0x94: {  	v25 =	vld [tilespmem:s7+$0xFFFFFFD0]  }
0x95: {  	v26 =	vld [tilespmem:s7+$0xFFFFFFE0]  }
0x96: {  	v27 =	vld [tilespmem:s7+$0xFFFFFFF0]  }
0x97: {  	v10 =	vld.idx.msk [tilespmem:v22+s5+$0x0], $0xffff  }
0x98: {  	v11 =	vld.idx.msk [tilespmem:v11+s5+$0x0], $0xffff  }
0x99: {  	v8 =	vld.idx.msk [tilespmem:v8+s5+$0x0], $0xffff  }
0x9a: {  	v9 =	vld.idx.msk [tilespmem:v9+s5+$0x0], $0xffff  }
0x9b: {  	v5 =	vld.idx.msk [tilespmem:v13+s5+$0x0], $0xffff  }
0x9c: {  	s6 =	sadd.s32 $0x2, s6;
	v6 =	vld.idx.msk [tilespmem:v6+s5+$0x0], $0xffff  }
0x9d: {  	p0 =	slt.u32 s6, $0x62;
	v22 =	vld.idx.msk [tilespmem:v14+s5+$0x0], $0xffff  }
0x9e: {  	v28 =	vld.idx.msk [tilespmem:v15+s5+$0x0], $0xffff  }
0x9f: {  	v29 =	vld.idx.msk [tilespmem:v16+s5+$0x0], $0xffff  }
0xa0: {  	v23 =	vld.idx.msk [tilespmem:v23+s5+$0x0], $0xffff  }
0xa1: {  	v13 =	vld.idx.msk [tilespmem:v24+s5+$0x0], $0xffff  }
.Ltmp0:
0xa2: {  	v15 =	vld.idx.msk [tilespmem:v25+s5+$0x0], $0xffff;
	(pc) =	sbr.rel @p0 .LBB2_2-.Ltmp0, $4  }
0xa3: {  	v14 =	vld.idx.msk [tilespmem:v26+s5+$0x0], $0xffff  }
0xa4: {  	v16 =	vld.idx.msk [tilespmem:v27+s5+$0x0], $0xffff  }
0xa5: {  	v20 =	vadd.f32 v22, v20;
	v18 =	vadd.f32 v28, v18;
	v12 =	vld.idx.msk [tilespmem:v12+s5+$0x0], $0xffff  }
0xa6: {  	s7 =	sadd.s32 $0x100, s7;
	v21 =	vadd.f32 v29, v21;
	v19 =	vadd.f32 v23, v19;
	v17 =	vld.idx.msk [tilespmem:v17+s5+$0x0], $0xffff  }
0xa7: {  	[tilespmem:s25], [sflag:$0x4] =	stream.strided.gather [hbm4b:s10+s23], $0x3000, s24, s23, $0x38;
	[tilespmem:$0x1F800] =	vst v63  }
0xa8: {  	s6 =	sadd.s32 $0x30000, s10;
	s7 =	simm.s32 $0x0  }
0xa9: {  	[tilespmem:s26], [sflag:$0x4] =	stream.linear.gather [hbm4b:s6+s7], $0x200, $0x38;
	[tilespmem:$0x1F800] =	vst v63  }
0xaa: {  	_ = 	snop  }
0xab: {  	[tilespmem:s3], [sflag:$0x5] =	stream.strided.gather [hbm4b:s11+s23], $0xC00, s24, s23, $0x38;
	[tilespmem:$0x1F800] =	vst v63  }
0xac: {  	s6 =	sadd.s32 $0xC000, s11  }
0xad: {  	[tilespmem:s19], [sflag:$0x5] =	stream.linear.gather [hbm4b:s6+s7], $0x100, $0x38;
	[tilespmem:$0x1F800] =	vst v63  }
0xae: {  	_ =	swait.ge [sflag:s30], $0xD00  }
0xaf: {  	[sflag:s30] =	ssyncset.done $0x0  }
0xb0: {  	s7 =	simm.s32 $0x1E800;
	[sflag:s30] =	ssyncadd.s32 $0xFFFFF300  }
0xb1: {  	[tilespmem:s7], [sflag:$0x2] =	stream.indirect.gather [hbm4b:s1+s31], $0x1, s3, s31, $0xb8;
	[tilespmem:$0x1F800] =	vst v63  }
0xb2: {  	s6 =	simm.s32 $0x19780;
	s7 =	simm.s32 $0x1E880  }
0xb3: {  	[tilespmem:s7], [sflag:$0x2] =	stream.indirect.gather [hbm4b:s1+s31], $0x1, s6, s31, $0xb8;
	[tilespmem:$0x1F800] =	vst v63  }
0xb4: {  	s6 =	simm.s32 $0x19800;
	s7 =	simm.s32 $0x1E900  }
0xb5: {  	[tilespmem:s7], [sflag:$0x2] =	stream.indirect.gather [hbm4b:s1+s31], $0x1, s6, s31, $0xb8;
	[tilespmem:$0x1F800] =	vst v63  }
0xb6: {  	s6 =	simm.s32 $0x19880;
	s7 =	simm.s32 $0x1E980  }
0xb7: {  	[tilespmem:s7], [sflag:$0x2] =	stream.indirect.gather [hbm4b:s1+s31], $0x1, s6, s31, $0xb8;
	[tilespmem:$0x1F800] =	vst v63  }
0xb8: {  	s6 =	simm.s32 $0x19900;
	s7 =	simm.s32 $0x1EA00  }
0xb9: {  	[tilespmem:s7], [sflag:$0x2] =	stream.indirect.gather [hbm4b:s1+s31], $0x1, s6, s31, $0xb8;
	[tilespmem:$0x1F800] =	vst v63  }
0xba: {  	s6 =	simm.s32 $0x19980;
	s7 =	simm.s32 $0x1EA80  }
0xbb: {  	[tilespmem:s7], [sflag:$0x2] =	stream.indirect.gather [hbm4b:s1+s31], $0x1, s6, s31, $0xb8;
	[tilespmem:$0x1F800] =	vst v63  }
0xbc: {  	s6 =	simm.s32 $0x19A00;
	s7 =	simm.s32 $0x1EB00  }
0xbd: {  	[tilespmem:s7], [sflag:$0x2] =	stream.indirect.gather [hbm4b:s1+s31], $0x1, s6, s31, $0xb8;
	[tilespmem:$0x1F800] =	vst v63  }
0xbe: {  	s6 =	simm.s32 $0x19A80;
	s7 =	simm.s32 $0x1EB80  }
0xbf: {  	[tilespmem:s7], [sflag:$0x2] =	stream.indirect.gather [hbm4b:s1+s31], $0x1, s6, s31, $0xb8;
	[tilespmem:$0x1F800] =	vst v63  }
0xc0: {  	s6 =	simm.s32 $0x19B00;
	s7 =	simm.s32 $0x1EC00  }
0xc1: {  	[tilespmem:s7], [sflag:$0x2] =	stream.indirect.gather [hbm4b:s1+s31], $0x1, s6, s31, $0xb8;
	[tilespmem:$0x1F800] =	vst v63  }
0xc2: {  	s6 =	simm.s32 $0x19B80;
	s7 =	simm.s32 $0x1EC80  }
0xc3: {  	[tilespmem:s7], [sflag:$0x2] =	stream.indirect.gather [hbm4b:s1+s31], $0x1, s6, s31, $0xb8;
	[tilespmem:$0x1F800] =	vst v63  }
0xc4: {  	s6 =	simm.s32 $0x19C00;
	s7 =	simm.s32 $0x1ED00  }
0xc5: {  	[tilespmem:s7], [sflag:$0x2] =	stream.indirect.gather [hbm4b:s1+s31], $0x1, s6, s31, $0xb8;
	[tilespmem:$0x1F800] =	vst v63  }
0xc6: {  	s6 =	simm.s32 $0x19C80;
	s7 =	simm.s32 $0x1ED80  }
0xc7: {  	[tilespmem:s7], [sflag:$0x2] =	stream.indirect.gather [hbm4b:s1+s31], $0x1, s6, s31, $0xb8;
	[tilespmem:$0x1F800] =	vst v63  }
0xc8: {  	s6 =	simm.s32 $0x19D00;
	s7 =	simm.s32 $0x1EE00  }
0xc9: {  	[tilespmem:s7], [sflag:$0x2] =	stream.indirect.gather [hbm4b:s1+s31], $0x1, s6, s31, $0xb8;
	[tilespmem:$0x1F800] =	vst v63  }
0xca: {  	s6 =	simm.s32 $0x19D80;
	s7 =	simm.s32 $0x1EE80  }
0xcb: {  	[tilespmem:s7], [sflag:$0x2] =	stream.indirect.gather [hbm4b:s1+s31], $0x1, s6, s31, $0xb8;
	[tilespmem:$0x1F800] =	vst v63  }
0xcc: {  	s6 =	simm.s32 $0x19E00;
	s7 =	simm.s32 $0x1EF00  }
0xcd: {  	[tilespmem:s7], [sflag:$0x2] =	stream.indirect.gather [hbm4b:s1+s31], $0x1, s6, s31, $0xb8;
	[tilespmem:$0x1F800] =	vst v63  }
0xce: {  	s6 =	simm.s32 $0x19E80;
	s7 =	simm.s32 $0x1EF80  }
0xcf: {  	[tilespmem:s7], [sflag:$0x2] =	stream.indirect.gather [hbm4b:s1+s31], $0x1, s6, s31, $0xb8;
	[tilespmem:$0x1F800] =	vst v63  }
0xd0: {  	s6 =	simm.s32 $0x19F00;
	s7 =	simm.s32 $0x1F000  }
0xd1: {  	[tilespmem:s7], [sflag:$0x2] =	stream.indirect.gather [hbm4b:s1+s31], $0x1, s6, s31, $0xb8;
	[tilespmem:$0x1F800] =	vst v63  }
0xd2: {  	s6 =	simm.s32 $0x19F80;
	s7 =	simm.s32 $0x1F080  }
0xd3: {  	[tilespmem:s7], [sflag:$0x2] =	stream.indirect.gather [hbm4b:s1+s31], $0x1, s6, s31, $0xb8;
	[tilespmem:$0x1F800] =	vst v63  }
0xd4: {  	s6 =	simm.s32 $0x1A000;
	s7 =	simm.s32 $0x1F100  }
0xd5: {  	[tilespmem:s7], [sflag:$0x2] =	stream.indirect.gather [hbm4b:s1+s31], $0x1, s6, s31, $0xb8;
	[tilespmem:$0x1F800] =	vst v63  }
0xd6: {  	s6 =	simm.s32 $0x1A080;
	s7 =	simm.s32 $0x1F180  }
0xd7: {  	[tilespmem:s7], [sflag:$0x2] =	stream.indirect.gather [hbm4b:s1+s31], $0x1, s6, s31, $0xb8;
	[tilespmem:$0x1F800] =	vst v63  }
0xd8: {  	s6 =	simm.s32 $0x1A100;
	s7 =	simm.s32 $0x1F200  }
0xd9: {  	[tilespmem:s7], [sflag:$0x2] =	stream.indirect.gather [hbm4b:s1+s31], $0x1, s6, s31, $0xb8;
	[tilespmem:$0x1F800] =	vst v63  }
0xda: {  	s6 =	simm.s32 $0x1A180;
	s7 =	simm.s32 $0x1F280  }
0xdb: {  	[tilespmem:s7], [sflag:$0x2] =	stream.indirect.gather [hbm4b:s1+s31], $0x1, s6, s31, $0xb8;
	[tilespmem:$0x1F800] =	vst v63  }
0xdc: {  	s6 =	simm.s32 $0x1A200;
	s7 =	simm.s32 $0x1F300  }
0xdd: {  	[tilespmem:s7], [sflag:$0x2] =	stream.indirect.gather [hbm4b:s1+s31], $0x1, s6, s31, $0xb8;
	[tilespmem:$0x1F800] =	vst v63  }
0xde: {  	s7 =	simm.s32 $0x1A280  }
0xdf: {  	[tilespmem:s22], [sflag:$0x2] =	stream.indirect.gather [hbm4b:s1+s31], $0x1, s7, s31, $0xb8;
	[tilespmem:$0x1F800] =	vst v63  }
0xe0: {  	_ = 	snop  }
0xe1: {  	[tilespmem:s2], [sflag:$0x2] =	stream.indirect.gather [hbm4b:s1+s31], $0x1, s19, s31, $0xb8;
	[tilespmem:$0x1F800] =	vst v63  }
0xe2: {  	_ = 	snop  }
0xe3: {  	[tilespmem:s8], [sflag:$0x2] =	stream.indirect.gather [hbm4b:s1+s31], $0x1, s18, s31, $0xb8;
	[tilespmem:$0x1F800] =	vst v63  }
0xe4: {  	_ =	swait.ge [sflag:s0], $0x80  }
0xe5: {  	[sflag:s0] =	ssyncset.done $0x0  }
0xe6: {  	[sflag:s0] =	ssyncadd.s32 $0xFFFFFF80  }
0xe7: {  	_ =	swait.ge [sflag:s0], $0x80  }
0xe8: {  	[sflag:s0] =	ssyncset.done $0x0  }
0xe9: {  	[sflag:s0] =	ssyncadd.s32 $0xFFFFFF80  }
0xea: {  	_ =	swait.ge [sflag:s0], $0x80  }
0xeb: {  	[sflag:s0] =	ssyncset.done $0x0  }
0xec: {  	[sflag:s0] =	ssyncadd.s32 $0xFFFFFF80  }
0xed: {  	_ =	swait.ge [sflag:s0], $0x80  }
0xee: {  	[sflag:s0] =	ssyncset.done $0x0  }
0xef: {  	[sflag:s0] =	ssyncadd.s32 $0xFFFFFF80  }
0xf0: {  	_ =	swait.ge [sflag:s0], $0x80  }
0xf1: {  	[sflag:s0] =	ssyncset.done $0x0  }
0xf2: {  	[sflag:s0] =	ssyncadd.s32 $0xFFFFFF80  }
0xf3: {  	_ =	swait.ge [sflag:s0], $0x80  }
0xf4: {  	[sflag:s0] =	ssyncset.done $0x0  }
0xf5: {  	[sflag:s0] =	ssyncadd.s32 $0xFFFFFF80  }
0xf6: {  	_ =	swait.ge [sflag:s0], $0x80  }
0xf7: {  	[sflag:s0] =	ssyncset.done $0x0  }
0xf8: {  	[sflag:s0] =	ssyncadd.s32 $0xFFFFFF80  }
0xf9: {  	_ =	swait.ge [sflag:s0], $0x80  }
0xfa: {  	[sflag:s0] =	ssyncset.done $0x0  }
0xfb: {  	[sflag:s0] =	ssyncadd.s32 $0xFFFFFF80  }
0xfc: {  	_ =	swait.ge [sflag:s0], $0x80  }
0xfd: {  	[sflag:s0] =	ssyncset.done $0x0  }
0xfe: {  	[sflag:s0] =	ssyncadd.s32 $0xFFFFFF80  }
0xff: {  	_ =	swait.ge [sflag:s0], $0x80  }
0x100: {  	[sflag:s0] =	ssyncset.done $0x0  }
0x101: {  	[sflag:s0] =	ssyncadd.s32 $0xFFFFFF80  }
0x102: {  	_ =	swait.ge [sflag:s0], $0x80  }
0x103: {  	[sflag:s0] =	ssyncset.done $0x0  }
0x104: {  	[sflag:s0] =	ssyncadd.s32 $0xFFFFFF80  }
0x105: {  	_ =	swait.ge [sflag:s0], $0x80  }
0x106: {  	[sflag:s0] =	ssyncset.done $0x0  }
0x107: {  	[sflag:s0] =	ssyncadd.s32 $0xFFFFFF80  }
0x108: {  	_ =	swait.ge [sflag:s0], $0x80  }
0x109: {  	[sflag:s0] =	ssyncset.done $0x0  }
0x10a: {  	[sflag:s0] =	ssyncadd.s32 $0xFFFFFF80  }
0x10b: {  	_ =	swait.ge [sflag:s0], $0x80  }
0x10c: {  	[sflag:s0] =	ssyncset.done $0x0  }
0x10d: {  	[sflag:s0] =	ssyncadd.s32 $0xFFFFFF80  }
0x10e: {  	_ =	swait.ge [sflag:s0], $0x80  }
0x10f: {  	[sflag:s0] =	ssyncset.done $0x0  }
0x110: {  	[sflag:s0] =	ssyncadd.s32 $0xFFFFFF80  }
0x111: {  	_ =	swait.ge [sflag:s0], $0x80  }
0x112: {  	[sflag:s0] =	ssyncset.done $0x0  }
0x113: {  	[sflag:s0] =	ssyncadd.s32 $0xFFFFFF80  }
0x114: {  	_ =	swait.ge [sflag:s0], $0x80  }
0x115: {  	[sflag:s0] =	ssyncset.done $0x0  }
0x116: {  	[sflag:s0] =	ssyncadd.s32 $0xFFFFFF80  }
0x117: {  	_ =	swait.ge [sflag:s0], $0x80  }
0x118: {  	[sflag:s0] =	ssyncset.done $0x0  }
0x119: {  	[sflag:s0] =	ssyncadd.s32 $0xFFFFFF80  }
0x11a: {  	_ =	swait.ge [sflag:s0], $0x80  }
0x11b: {  	[sflag:s0] =	ssyncset.done $0x0  }
0x11c: {  	[sflag:s0] =	ssyncadd.s32 $0xFFFFFF80  }
0x11d: {  	_ =	swait.ge [sflag:s0], $0x80  }
0x11e: {  	[sflag:s0] =	ssyncset.done $0x0  }
0x11f: {  	[sflag:s0] =	ssyncadd.s32 $0xFFFFFF80  }
0x120: {  	_ =	swait.ge [sflag:s0], $0x80  }
0x121: {  	[sflag:s0] =	ssyncset.done $0x0  }
0x122: {  	[sflag:s0] =	ssyncadd.s32 $0xFFFFFF80  }
0x123: {  	_ =	swait.ge [sflag:s0], $0x80  }
0x124: {  	[sflag:s0] =	ssyncset.done $0x0  }
0x125: {  	[sflag:s0] =	ssyncadd.s32 $0xFFFFFF80  }
0x126: {  	_ =	swait.ge [sflag:s0], $0x80  }
0x127: {  	[sflag:s0] =	ssyncset.done $0x0  }
0x128: {  	[sflag:s0] =	ssyncadd.s32 $0xFFFFFF80  }
0x129: {  	_ =	swait.ge [sflag:s0], $0x80  }
0x12a: {  	[sflag:s0] =	ssyncset.done $0x0  }
0x12b: {  	[sflag:s0] =	ssyncadd.s32 $0xFFFFFF80  }
0x12c: {  	_ =	swait.ge [sflag:s0], $0x80  }
0x12d: {  	[sflag:s0] =	ssyncset.done $0x0  }
0x12e: {  	[sflag:s0] =	ssyncadd.s32 $0xFFFFFF80  }
0x12f: {  	_ =	swait.ge [sflag:s0], $0x80  }
0x130: {  	[sflag:s0] =	ssyncset.done $0x0  }
0x131: {  	s7 =	simm.s32 $0x0;
	[sflag:s0] =	ssyncadd.s32 $0xFFFFFF80  }
0x132: {  	v20 =	vadd.f32 v10, v20;
	v22 =	vld [tilespmem:s7+$0x1DB70]  }
0x133: {  	v18 =	vadd.f32 v11, v18;
	v2 =	vadd.f32 v13, v2;
	v62 =	vld [tilespmem:s7+$0x1DB00]  }
0x134: {  	v4 =	vadd.f32 v15, v4;
	v7 =	vadd.f32 v16, v7;
	v63 =	vld [tilespmem:s7+$0x1DB10]  }
0x135: {  	v10 =	vadd.f32 v8, v21;
	v3 =	vadd.f32 v14, v3;
	v13 =	vld [tilespmem:s7+$0x1DB20]  }
0x136: {  	v8 =	vadd.f32 v9, v19;
	v14 =	vadd.f32 v17, v7;
	v11 =	vld [tilespmem:s7+$0x1DB30]  }
0x137: {  	v4 =	vadd.f32 v6, v4;
	v3 =	vadd.f32 v12, v3;
	v9 =	vld [tilespmem:s7+$0x1DB40]  }
0x138: {  	v7 =	vadd.f32 v5, v2;
	v6 =	vld [tilespmem:s7+$0x1DB50];
	v2 =	vadd.f32 v22, v14  }
0x139: {  	s6 =	simm.s32 $0x80;
	v5 =	vld [tilespmem:s7+$0x1DB60];
	s7 =	simm.s32 $0x400;
	v14 =	vadd.f32 v62, v20;
	v12 =	vadd.f32 v63, v18  }
.LBB2_4:
0x13a: {  	p0 =	sne.s32 s7, $0x3200;
	v15 =	vld [tilespmem:s6+$0x1DB70];
	v10 =	vadd.f32 v13, v10  }
0x13b: {  	v16 =	vld [tilespmem:s6+$0x1DB00];
	v8 =	vadd.f32 v11, v8  }
0x13c: {  	v17 =	vld [tilespmem:s6+$0x1DB10];
	v7 =	vadd.f32 v9, v7  }
.Ltmp1:
0x13d: {  	v13 =	vld [tilespmem:s6+$0x1DB20];
	v4 =	vadd.f32 v6, v4;
	(pc) =	sbr.rel @p0 .LBB2_4-.Ltmp1, $4  }
0x13e: {  	v11 =	vld [tilespmem:s6+$0x1DB30];
	v3 =	vadd.f32 v5, v3  }
0x13f: {  	v9 =	vld [tilespmem:s6+$0x1DB40];
	v2 =	vadd.f32 v15, v2  }
0x140: {  	v14 =	vadd.f32 v16, v14;
	v6 =	vld [tilespmem:s6+$0x1DB50]  }
0x141: {  	v12 =	vadd.f32 v17, v12;
	v5 =	vld [tilespmem:s6+$0x1DB60];
	s6 =	sshra.s32 s7, $0x2;
	s7 =	sadd.s32 $0x200, s7  }
0x142: {  	v15 =	vld [tilespmem:s6+$0x1DB00];
	_ =	sdelay $0x1  }
0x143: {  	v16 =	vld [tilespmem:$0x1F700];
	_ =	sdelay $0x2  }
0x144: {  	v14 =	vadd.f32 v15, v14;
	_ =	sdelay $0x1  }
0x145: {  	v14 =	vadd.f32 v16, v14;
	_ =	sdelay $0x1  }
0x146: {  	v14 =	vsub.f32 $0.0e+00, v14;
	_ =	sdelay $0x1  }
0x147: {  	v14 =	vmul.f32 $1.442695020e+00, v14;
	_ =	sdelay $0x1  }
0x148: {  	v15 =	vld [tilespmem:s6+$0x1DB10];
	(erf) = vpow2.f32 v14;
	_ =	sdelay $0x4  }
0x149: {  	v12 =	vadd.f32 v15, v12;
	_ =	sdelay $0x1  }
0x14a: {  	v12 =	vadd.f32 v16, v12;
	_ =	sdelay $0x1  }
0x14b: {  	v12 =	vsub.f32 $0.0e+00, v12;
	v14 =	vpop (erf)  }
0x14c: {  	v14 =	vadd.f32 $1.000000000e+00, v14  }
0x14d: {  	v12 =	vmul.f32 $1.442695020e+00, v12  }
0x14e: {  	(erf) = vrcp.f32 v14  }
0x14f: {  	v14 =	vld [tilespmem:s6+$0x1DB20];
	(erf) = vpow2.f32 v12;
	_ =	sdelay $0x2  }
0x150: {  	v10 =	vadd.f32 v13, v10;
	_ =	sdelay $0x1  }
0x151: {  	v10 =	vadd.f32 v14, v10;
	_ =	sdelay $0x1  }
0x152: {  	v10 =	vadd.f32 v16, v10  }
0x153: {  	v12 =	vpop (erf)  }
0x154: {  	v10 =	vsub.f32 $0.0e+00, v10;
	v13 =	vpop (erf)  }
0x155: {  	v13 =	vadd.f32 $1.000000000e+00, v13  }
0x156: {  	v10 =	vmul.f32 $1.442695020e+00, v10  }
0x157: {  	(erf) = vrcp.f32 v13  }
0x158: {  	v13 =	vld [tilespmem:s6+$0x1DB30];
	(erf) = vpow2.f32 v10;
	_ =	sdelay $0x2  }
0x159: {  	v8 =	vadd.f32 v11, v8;
	_ =	sdelay $0x1  }
0x15a: {  	v8 =	vadd.f32 v13, v8;
	_ =	sdelay $0x1  }
0x15b: {  	v8 =	vadd.f32 v16, v8  }
0x15c: {  	v10 =	vpop (erf)  }
0x15d: {  	v8 =	vsub.f32 $0.0e+00, v8;
	v11 =	vpop (erf)  }
0x15e: {  	v11 =	vadd.f32 $1.000000000e+00, v11  }
0x15f: {  	v8 =	vmul.f32 $1.442695020e+00, v8  }
0x160: {  	(erf) = vrcp.f32 v11  }
0x161: {  	v11 =	vld [tilespmem:s6+$0x1DB40];
	(erf) = vpow2.f32 v8;
	_ =	sdelay $0x2  }
0x162: {  	v7 =	vadd.f32 v9, v7;
	_ =	sdelay $0x1  }
0x163: {  	v7 =	vadd.f32 v11, v7;
	_ =	sdelay $0x1  }
0x164: {  	v7 =	vadd.f32 v16, v7  }
0x165: {  	v8 =	vpop (erf)  }
0x166: {  	v7 =	vsub.f32 $0.0e+00, v7;
	v9 =	vpop (erf)  }
0x167: {  	v9 =	vadd.f32 $1.000000000e+00, v9  }
0x168: {  	v7 =	vmul.f32 $1.442695020e+00, v7  }
0x169: {  	(erf) = vrcp.f32 v9  }
0x16a: {  	v9 =	vld [tilespmem:s6+$0x1DB50];
	(erf) = vpow2.f32 v7;
	_ =	sdelay $0x2  }
0x16b: {  	v4 =	vadd.f32 v6, v4;
	_ =	sdelay $0x1  }
0x16c: {  	v4 =	vadd.f32 v9, v4;
	_ =	sdelay $0x1  }
0x16d: {  	v4 =	vadd.f32 v16, v4  }
0x16e: {  	v6 =	vpop (erf)  }
0x16f: {  	v4 =	vsub.f32 $0.0e+00, v4;
	v7 =	vpop (erf)  }
0x170: {  	v7 =	vadd.f32 $1.000000000e+00, v7  }
0x171: {  	v4 =	vmul.f32 $1.442695020e+00, v4  }
0x172: {  	(erf) = vrcp.f32 v7  }
0x173: {  	v7 =	vld [tilespmem:s6+$0x1DB60];
	(erf) = vpow2.f32 v4;
	_ =	sdelay $0x2  }
0x174: {  	v3 =	vadd.f32 v5, v3;
	_ =	sdelay $0x1  }
0x175: {  	v3 =	vadd.f32 v7, v3;
	_ =	sdelay $0x1  }
0x176: {  	v3 =	vadd.f32 v16, v3  }
0x177: {  	v4 =	vpop (erf)  }
0x178: {  	v3 =	vsub.f32 $0.0e+00, v3;
	v5 =	vpop (erf)  }
0x179: {  	v5 =	vadd.f32 $1.000000000e+00, v5  }
0x17a: {  	v3 =	vmul.f32 $1.442695020e+00, v3  }
0x17b: {  	(erf) = vrcp.f32 v5  }
0x17c: {  	v5 =	vld [tilespmem:s6+$0x1DB70];
	(erf) = vpow2.f32 v3;
	_ =	sdelay $0x4  }
0x17d: {  	v2 =	vadd.f32 v5, v2;
	_ =	sdelay $0x1  }
0x17e: {  	v2 =	vadd.f32 v16, v2  }
0x17f: {  	v3 =	vpop (erf)  }
0x180: {  	v2 =	vsub.f32 $0.0e+00, v2;
	v5 =	vpop (erf)  }
0x181: {  	v5 =	vadd.f32 $1.000000000e+00, v5  }
0x182: {  	v2 =	vmul.f32 $1.442695020e+00, v2  }
0x183: {  	(erf) = vrcp.f32 v5  }
0x184: {  	(erf) = vpow2.f32 v2;
	_ =	sdelay $0x7  }
0x185: {  	v2 =	vpop (erf)  }
0x186: {  	v5 =	vpop (erf)  }
0x187: {  	v5 =	vadd.f32 $1.000000000e+00, v5;
	_ =	sdelay $0x1  }
0x188: {  	(erf) = vrcp.f32 v5;
	_ =	sdelay $0x2  }
0x189: {  	[tilespmem:$0x1F500] =	vst v12  }
0x18a: {  	[tilespmem:$0x1F510] =	vst v10  }
0x18b: {  	[tilespmem:$0x1F520] =	vst v8  }
0x18c: {  	[tilespmem:$0x1F530] =	vst v6  }
0x18d: {  	[tilespmem:$0x1F540] =	vst v4  }
0x18e: {  	[tilespmem:$0x1F550] =	vst v3  }
0x18f: {  	[tilespmem:$0x1F560] =	vst v2;
	v2 =	vpop (erf)  }
0x190: {  	[tilespmem:$0x1F570] =	vst v2  }
0x191: {  	_ =	swait.ge [sflag:s17], $0x3200  }
0x192: {  	[sflag:s17] =	ssyncset.done $0x0  }
0x193: {  	s7 =	simm.s32 $0x1A780;
	[sflag:s17] =	ssyncadd.s32 $0xFFFFCE00  }
0x194: {  	v2 =	vld [tilespmem:s7+$0x0]  }
0x195: {  	v3 =	vld [tilespmem:s7+$0x10]  }
0x196: {  	v4 =	vld [tilespmem:s7+$0x20]  }
0x197: {  	v5 =	vld [tilespmem:s7+$0x30]  }
0x198: {  	v6 =	vld [tilespmem:s7+$0x40]  }
0x199: {  	v7 =	vld [tilespmem:s7+$0x50]  }
0x19a: {  	v12 =	vld [tilespmem:s7+$0x60]  }
0x19b: {  	v17 =	vld [tilespmem:s7+$0x70]  }
0x19c: {  	v13 =	vld [tilespmem:s7+$0xFFFFFF80]  }
0x19d: {  	v14 =	vld [tilespmem:s7+$0xFFFFFF90]  }
0x19e: {  	v15 =	vld [tilespmem:s7+$0xFFFFFFA0]  }
0x19f: {  	v16 =	vld [tilespmem:s7+$0xFFFFFFB0]  }
0x1a0: {  	v18 =	vld [tilespmem:s7+$0xFFFFFFC0]  }
0x1a1: {  	v19 =	vld [tilespmem:s7+$0xFFFFFFD0]  }
0x1a2: {  	v20 =	vld [tilespmem:s7+$0xFFFFFFE0]  }
0x1a3: {  	v21 =	vld [tilespmem:s7+$0xFFFFFFF0]  }
0x1a4: {  	v10 =	vld.idx.msk [tilespmem:v2+s5+$0x0], $0xffff  }
0x1a5: {  	v11 =	vld.idx.msk [tilespmem:v3+s5+$0x0], $0xffff  }
0x1a6: {  	v8 =	vld.idx.msk [tilespmem:v4+s5+$0x0], $0xffff  }
0x1a7: {  	v9 =	vld.idx.msk [tilespmem:v5+s5+$0x0], $0xffff  }
0x1a8: {  	v5 =	vld.idx.msk [tilespmem:v6+s5+$0x0], $0xffff  }
0x1a9: {  	v6 =	vld.idx.msk [tilespmem:v7+s5+$0x0], $0xffff  }
0x1aa: {  	v3 =	vld.idx.msk [tilespmem:v13+s5+$0x0], $0xffff  }
0x1ab: {  	v4 =	vld.idx.msk [tilespmem:v14+s5+$0x0], $0xffff  }
0x1ac: {  	v7 =	vld.idx.msk [tilespmem:v15+s5+$0x0], $0xffff  }
0x1ad: {  	v22 =	vld.idx.msk [tilespmem:v16+s5+$0x0], $0xffff  }
0x1ae: {  	v13 =	vld.idx.msk [tilespmem:v18+s5+$0x0], $0xffff  }
0x1af: {  	v15 =	vld.idx.msk [tilespmem:v19+s5+$0x0], $0xffff  }
0x1b0: {  	v2 =	vimm.f32 $0.0e+00;
	v14 =	vld.idx.msk [tilespmem:v20+s5+$0x0], $0xffff  }
0x1b1: {  	v16 =	vld.idx.msk [tilespmem:v21+s5+$0x0], $0xffff;
	v20 =	vadd.f32 v3, v2;
	v18 =	vadd.f32 v4, v2  }
0x1b2: {  	v12 =	vld.idx.msk [tilespmem:v12+s5+$0x0], $0xffff;
	v21 =	vadd.f32 v7, v2;
	v19 =	vadd.f32 v22, v2  }
0x1b3: {  	s6 =	simm.s32 $0x0;
	s7 =	simm.s32 $0x1A880;
	v17 =	vld.idx.msk [tilespmem:v17+s5+$0x0], $0xffff;
	v4 =	vimm.f32 $0.0e+00;
	v3 =	vimm.f32 $0.0e+00;
	v7 =	vimm.f32 $0.0e+00  }
.LBB2_6:
0x1b4: {  	v22 =	vld [tilespmem:s7+$0x0];
	v20 =	vadd.f32 v10, v20;
	v18 =	vadd.f32 v11, v18  }
0x1b5: {  	v11 =	vld [tilespmem:s7+$0x10];
	v21 =	vadd.f32 v8, v21;
	v19 =	vadd.f32 v9, v19  }
0x1b6: {  	v2 =	vadd.f32 v13, v2;
	v4 =	vadd.f32 v15, v4;
	v8 =	vld [tilespmem:s7+$0x20]  }
0x1b7: {  	v3 =	vadd.f32 v14, v3;
	v7 =	vadd.f32 v16, v7;
	v9 =	vld [tilespmem:s7+$0x30]  }
0x1b8: {  	v2 =	vadd.f32 v5, v2;
	v4 =	vadd.f32 v6, v4;
	v13 =	vld [tilespmem:s7+$0x40]  }
0x1b9: {  	v3 =	vadd.f32 v12, v3;
	v7 =	vadd.f32 v17, v7;
	v6 =	vld [tilespmem:s7+$0x50]  }
0x1ba: {  	v12 =	vld [tilespmem:s7+$0x60]  }
0x1bb: {  	v17 =	vld [tilespmem:s7+$0x70]  }
0x1bc: {  	v14 =	vld [tilespmem:s7+$0xFFFFFF80]  }
0x1bd: {  	v15 =	vld [tilespmem:s7+$0xFFFFFF90]  }
0x1be: {  	v16 =	vld [tilespmem:s7+$0xFFFFFFA0]  }
0x1bf: {  	v23 =	vld [tilespmem:s7+$0xFFFFFFB0]  }
0x1c0: {  	v24 =	vld [tilespmem:s7+$0xFFFFFFC0]  }
0x1c1: {  	v25 =	vld [tilespmem:s7+$0xFFFFFFD0]  }
0x1c2: {  	v26 =	vld [tilespmem:s7+$0xFFFFFFE0]  }
0x1c3: {  	v27 =	vld [tilespmem:s7+$0xFFFFFFF0]  }
0x1c4: {  	v10 =	vld.idx.msk [tilespmem:v22+s5+$0x0], $0xffff  }
0x1c5: {  	v11 =	vld.idx.msk [tilespmem:v11+s5+$0x0], $0xffff  }
0x1c6: {  	v8 =	vld.idx.msk [tilespmem:v8+s5+$0x0], $0xffff  }
0x1c7: {  	v9 =	vld.idx.msk [tilespmem:v9+s5+$0x0], $0xffff  }
0x1c8: {  	v5 =	vld.idx.msk [tilespmem:v13+s5+$0x0], $0xffff  }
0x1c9: {  	s6 =	sadd.s32 $0x2, s6;
	v6 =	vld.idx.msk [tilespmem:v6+s5+$0x0], $0xffff  }
0x1ca: {  	p0 =	slt.u32 s6, $0x62;
	v22 =	vld.idx.msk [tilespmem:v14+s5+$0x0], $0xffff  }
0x1cb: {  	v28 =	vld.idx.msk [tilespmem:v15+s5+$0x0], $0xffff  }
0x1cc: {  	v29 =	vld.idx.msk [tilespmem:v16+s5+$0x0], $0xffff  }
0x1cd: {  	v23 =	vld.idx.msk [tilespmem:v23+s5+$0x0], $0xffff  }
0x1ce: {  	v13 =	vld.idx.msk [tilespmem:v24+s5+$0x0], $0xffff  }
.Ltmp2:
0x1cf: {  	v15 =	vld.idx.msk [tilespmem:v25+s5+$0x0], $0xffff;
	(pc) =	sbr.rel @p0 .LBB2_6-.Ltmp2, $4  }
0x1d0: {  	v14 =	vld.idx.msk [tilespmem:v26+s5+$0x0], $0xffff  }
0x1d1: {  	v16 =	vld.idx.msk [tilespmem:v27+s5+$0x0], $0xffff  }
0x1d2: {  	v20 =	vadd.f32 v22, v20;
	v18 =	vadd.f32 v28, v18;
	v12 =	vld.idx.msk [tilespmem:v12+s5+$0x0], $0xffff  }
0x1d3: {  	s7 =	sadd.s32 $0x100, s7;
	v21 =	vadd.f32 v29, v21;
	v19 =	vadd.f32 v23, v19;
	v17 =	vld.idx.msk [tilespmem:v17+s5+$0x0], $0xffff  }
0x1d4: {  	[tilespmem:s25], [sflag:$0x4] =	stream.strided.gather [hbm4b:s12+s23], $0x3000, s24, s23, $0x38;
	[tilespmem:$0x1F800] =	vst v63  }
0x1d5: {  	s6 =	sadd.s32 $0x30000, s12;
	s7 =	simm.s32 $0x0  }
0x1d6: {  	[tilespmem:s26], [sflag:$0x4] =	stream.linear.gather [hbm4b:s6+s7], $0x200, $0x38;
	[tilespmem:$0x1F800] =	vst v63  }
0x1d7: {  	_ = 	snop  }
0x1d8: {  	[tilespmem:s28], [sflag:$0x5] =	stream.strided.gather [hbm4b:s13+s23], $0xC00, s24, s23, $0x38;
	[tilespmem:$0x1F800] =	vst v63  }
0x1d9: {  	s6 =	sadd.s32 $0xC000, s13  }
0x1da: {  	[tilespmem:s29], [sflag:$0x5] =	stream.linear.gather [hbm4b:s6+s7], $0x100, $0x38;
	[tilespmem:$0x1F800] =	vst v63  }
0x1db: {  	_ =	swait.ge [sflag:s30], $0xD00  }
0x1dc: {  	[sflag:s30] =	ssyncset.done $0x0  }
0x1dd: {  	[sflag:s30] =	ssyncadd.s32 $0xFFFFF300  }
0x1de: {  	[tilespmem:s20], [sflag:$0x1] =	stream.indirect.gather [hbm4b:s1+s31], $0x1, s28, s31, $0xb8;
	[tilespmem:$0x1F800] =	vst v63  }
0x1df: {  	s7 =	simm.s32 $0x1DB80  }
0x1e0: {  	[tilespmem:s7], [sflag:$0x1] =	stream.indirect.gather [hbm4b:s1+s31], $0x1, s21, s31, $0xb8;
	[tilespmem:$0x1F800] =	vst v63  }
0x1e1: {  	s20 =	simm.s32 $0x18800;
	s21 =	simm.s32 $0x1DC00  }
0x1e2: {  	[tilespmem:s21], [sflag:$0x1] =	stream.indirect.gather [hbm4b:s1+s31], $0x1, s20, s31, $0xb8;
	[tilespmem:$0x1F800] =	vst v63  }
0x1e3: {  	s20 =	simm.s32 $0x18880;
	s21 =	simm.s32 $0x1DC80  }
0x1e4: {  	[tilespmem:s21], [sflag:$0x1] =	stream.indirect.gather [hbm4b:s1+s31], $0x1, s20, s31, $0xb8;
	[tilespmem:$0x1F800] =	vst v63  }
0x1e5: {  	s20 =	simm.s32 $0x18900;
	s21 =	simm.s32 $0x1DD00  }
0x1e6: {  	[tilespmem:s21], [sflag:$0x1] =	stream.indirect.gather [hbm4b:s1+s31], $0x1, s20, s31, $0xb8;
	[tilespmem:$0x1F800] =	vst v63  }
0x1e7: {  	s20 =	simm.s32 $0x18980;
	s21 =	simm.s32 $0x1DD80  }
0x1e8: {  	[tilespmem:s21], [sflag:$0x1] =	stream.indirect.gather [hbm4b:s1+s31], $0x1, s20, s31, $0xb8;
	[tilespmem:$0x1F800] =	vst v63  }
0x1e9: {  	s20 =	simm.s32 $0x18A00;
	s21 =	simm.s32 $0x1DE00  }
0x1ea: {  	[tilespmem:s21], [sflag:$0x1] =	stream.indirect.gather [hbm4b:s1+s31], $0x1, s20, s31, $0xb8;
	[tilespmem:$0x1F800] =	vst v63  }
0x1eb: {  	s20 =	simm.s32 $0x18A80;
	s21 =	simm.s32 $0x1DE80  }
0x1ec: {  	[tilespmem:s21], [sflag:$0x1] =	stream.indirect.gather [hbm4b:s1+s31], $0x1, s20, s31, $0xb8;
	[tilespmem:$0x1F800] =	vst v63  }
0x1ed: {  	s20 =	simm.s32 $0x18B00;
	s21 =	simm.s32 $0x1DF00  }
0x1ee: {  	[tilespmem:s21], [sflag:$0x1] =	stream.indirect.gather [hbm4b:s1+s31], $0x1, s20, s31, $0xb8;
	[tilespmem:$0x1F800] =	vst v63  }
0x1ef: {  	s20 =	simm.s32 $0x18B80;
	s21 =	simm.s32 $0x1DF80  }
0x1f0: {  	[tilespmem:s21], [sflag:$0x1] =	stream.indirect.gather [hbm4b:s1+s31], $0x1, s20, s31, $0xb8;
	[tilespmem:$0x1F800] =	vst v63  }
0x1f1: {  	s20 =	simm.s32 $0x18C00;
	s21 =	simm.s32 $0x1E000  }
0x1f2: {  	[tilespmem:s21], [sflag:$0x1] =	stream.indirect.gather [hbm4b:s1+s31], $0x1, s20, s31, $0xb8;
	[tilespmem:$0x1F800] =	vst v63  }
0x1f3: {  	s20 =	simm.s32 $0x18C80;
	s21 =	simm.s32 $0x1E080  }
0x1f4: {  	[tilespmem:s21], [sflag:$0x1] =	stream.indirect.gather [hbm4b:s1+s31], $0x1, s20, s31, $0xb8;
	[tilespmem:$0x1F800] =	vst v63  }
0x1f5: {  	s20 =	simm.s32 $0x18D00;
	s21 =	simm.s32 $0x1E100  }
0x1f6: {  	[tilespmem:s21], [sflag:$0x1] =	stream.indirect.gather [hbm4b:s1+s31], $0x1, s20, s31, $0xb8;
	[tilespmem:$0x1F800] =	vst v63  }
0x1f7: {  	s20 =	simm.s32 $0x18D80;
	s21 =	simm.s32 $0x1E180  }
0x1f8: {  	[tilespmem:s21], [sflag:$0x1] =	stream.indirect.gather [hbm4b:s1+s31], $0x1, s20, s31, $0xb8;
	[tilespmem:$0x1F800] =	vst v63  }
0x1f9: {  	s20 =	simm.s32 $0x18E00;
	s21 =	simm.s32 $0x1E200  }
0x1fa: {  	[tilespmem:s21], [sflag:$0x1] =	stream.indirect.gather [hbm4b:s1+s31], $0x1, s20, s31, $0xb8;
	[tilespmem:$0x1F800] =	vst v63  }
0x1fb: {  	s20 =	simm.s32 $0x18E80;
	s21 =	simm.s32 $0x1E280  }
0x1fc: {  	[tilespmem:s21], [sflag:$0x1] =	stream.indirect.gather [hbm4b:s1+s31], $0x1, s20, s31, $0xb8;
	[tilespmem:$0x1F800] =	vst v63  }
0x1fd: {  	s20 =	simm.s32 $0x18F00;
	s21 =	simm.s32 $0x1E300  }
0x1fe: {  	[tilespmem:s21], [sflag:$0x1] =	stream.indirect.gather [hbm4b:s1+s31], $0x1, s20, s31, $0xb8;
	[tilespmem:$0x1F800] =	vst v63  }
0x1ff: {  	s20 =	simm.s32 $0x18F80;
	s21 =	simm.s32 $0x1E380  }
0x200: {  	[tilespmem:s21], [sflag:$0x1] =	stream.indirect.gather [hbm4b:s1+s31], $0x1, s20, s31, $0xb8;
	[tilespmem:$0x1F800] =	vst v63  }
0x201: {  	s20 =	simm.s32 $0x19000;
	s21 =	simm.s32 $0x1E400  }
0x202: {  	[tilespmem:s21], [sflag:$0x1] =	stream.indirect.gather [hbm4b:s1+s31], $0x1, s20, s31, $0xb8;
	[tilespmem:$0x1F800] =	vst v63  }
0x203: {  	s20 =	simm.s32 $0x19080;
	s21 =	simm.s32 $0x1E480  }
0x204: {  	[tilespmem:s21], [sflag:$0x1] =	stream.indirect.gather [hbm4b:s1+s31], $0x1, s20, s31, $0xb8;
	[tilespmem:$0x1F800] =	vst v63  }
0x205: {  	s20 =	simm.s32 $0x19100;
	s21 =	simm.s32 $0x1E500  }
0x206: {  	[tilespmem:s21], [sflag:$0x1] =	stream.indirect.gather [hbm4b:s1+s31], $0x1, s20, s31, $0xb8;
	[tilespmem:$0x1F800] =	vst v63  }
0x207: {  	s20 =	simm.s32 $0x19180;
	s21 =	simm.s32 $0x1E580  }
0x208: {  	[tilespmem:s21], [sflag:$0x1] =	stream.indirect.gather [hbm4b:s1+s31], $0x1, s20, s31, $0xb8;
	[tilespmem:$0x1F800] =	vst v63  }
0x209: {  	s20 =	simm.s32 $0x19200;
	s21 =	simm.s32 $0x1E600  }
0x20a: {  	[tilespmem:s21], [sflag:$0x1] =	stream.indirect.gather [hbm4b:s1+s31], $0x1, s20, s31, $0xb8;
	[tilespmem:$0x1F800] =	vst v63  }
0x20b: {  	s7 =	simm.s32 $0x19280;
	s20 =	simm.s32 $0x1E680  }
0x20c: {  	[tilespmem:s20], [sflag:$0x1] =	stream.indirect.gather [hbm4b:s1+s31], $0x1, s7, s31, $0xb8;
	[tilespmem:$0x1F800] =	vst v63  }
0x20d: {  	s21 =	simm.s32 $0x1E700  }
0x20e: {  	[tilespmem:s21], [sflag:$0x1] =	stream.indirect.gather [hbm4b:s1+s31], $0x1, s29, s31, $0xb8;
	[tilespmem:$0x1F800] =	vst v63  }
0x20f: {  	s7 =	simm.s32 $0x19380;
	s20 =	simm.s32 $0x1E780  }
0x210: {  	[tilespmem:s20], [sflag:$0x1] =	stream.indirect.gather [hbm4b:s1+s31], $0x1, s7, s31, $0xb8;
	[tilespmem:$0x1F800] =	vst v63  }
0x211: {  	_ =	swait.ge [sflag:s9], $0x80  }
0x212: {  	[sflag:s9] =	ssyncset.done $0x0  }
0x213: {  	[sflag:s9] =	ssyncadd.s32 $0xFFFFFF80  }
0x214: {  	_ =	swait.ge [sflag:s9], $0x80  }
0x215: {  	[sflag:s9] =	ssyncset.done $0x0  }
0x216: {  	[sflag:s9] =	ssyncadd.s32 $0xFFFFFF80  }
0x217: {  	_ =	swait.ge [sflag:s9], $0x80  }
0x218: {  	[sflag:s9] =	ssyncset.done $0x0  }
0x219: {  	[sflag:s9] =	ssyncadd.s32 $0xFFFFFF80  }
0x21a: {  	_ =	swait.ge [sflag:s9], $0x80  }
0x21b: {  	[sflag:s9] =	ssyncset.done $0x0  }
0x21c: {  	[sflag:s9] =	ssyncadd.s32 $0xFFFFFF80  }
0x21d: {  	_ =	swait.ge [sflag:s9], $0x80  }
0x21e: {  	[sflag:s9] =	ssyncset.done $0x0  }
0x21f: {  	[sflag:s9] =	ssyncadd.s32 $0xFFFFFF80  }
0x220: {  	_ =	swait.ge [sflag:s9], $0x80  }
0x221: {  	[sflag:s9] =	ssyncset.done $0x0  }
0x222: {  	[sflag:s9] =	ssyncadd.s32 $0xFFFFFF80  }
0x223: {  	_ =	swait.ge [sflag:s9], $0x80  }
0x224: {  	[sflag:s9] =	ssyncset.done $0x0  }
0x225: {  	[sflag:s9] =	ssyncadd.s32 $0xFFFFFF80  }
0x226: {  	_ =	swait.ge [sflag:s9], $0x80  }
0x227: {  	[sflag:s9] =	ssyncset.done $0x0  }
0x228: {  	[sflag:s9] =	ssyncadd.s32 $0xFFFFFF80  }
0x229: {  	_ =	swait.ge [sflag:s9], $0x80  }
0x22a: {  	[sflag:s9] =	ssyncset.done $0x0  }
0x22b: {  	[sflag:s9] =	ssyncadd.s32 $0xFFFFFF80  }
0x22c: {  	_ =	swait.ge [sflag:s9], $0x80  }
0x22d: {  	[sflag:s9] =	ssyncset.done $0x0  }
0x22e: {  	[sflag:s9] =	ssyncadd.s32 $0xFFFFFF80  }
0x22f: {  	_ =	swait.ge [sflag:s9], $0x80  }
0x230: {  	[sflag:s9] =	ssyncset.done $0x0  }
0x231: {  	[sflag:s9] =	ssyncadd.s32 $0xFFFFFF80  }
0x232: {  	_ =	swait.ge [sflag:s9], $0x80  }
0x233: {  	[sflag:s9] =	ssyncset.done $0x0  }
0x234: {  	[sflag:s9] =	ssyncadd.s32 $0xFFFFFF80  }
0x235: {  	_ =	swait.ge [sflag:s9], $0x80  }
0x236: {  	[sflag:s9] =	ssyncset.done $0x0  }
0x237: {  	[sflag:s9] =	ssyncadd.s32 $0xFFFFFF80  }
0x238: {  	_ =	swait.ge [sflag:s9], $0x80  }
0x239: {  	[sflag:s9] =	ssyncset.done $0x0  }
0x23a: {  	[sflag:s9] =	ssyncadd.s32 $0xFFFFFF80  }
0x23b: {  	_ =	swait.ge [sflag:s9], $0x80  }
0x23c: {  	[sflag:s9] =	ssyncset.done $0x0  }
0x23d: {  	[sflag:s9] =	ssyncadd.s32 $0xFFFFFF80  }
0x23e: {  	_ =	swait.ge [sflag:s9], $0x80  }
0x23f: {  	[sflag:s9] =	ssyncset.done $0x0  }
0x240: {  	[sflag:s9] =	ssyncadd.s32 $0xFFFFFF80  }
0x241: {  	_ =	swait.ge [sflag:s9], $0x80  }
0x242: {  	[sflag:s9] =	ssyncset.done $0x0  }
0x243: {  	[sflag:s9] =	ssyncadd.s32 $0xFFFFFF80  }
0x244: {  	_ =	swait.ge [sflag:s9], $0x80  }
0x245: {  	[sflag:s9] =	ssyncset.done $0x0  }
0x246: {  	[sflag:s9] =	ssyncadd.s32 $0xFFFFFF80  }
0x247: {  	_ =	swait.ge [sflag:s9], $0x80  }
0x248: {  	[sflag:s9] =	ssyncset.done $0x0  }
0x249: {  	[sflag:s9] =	ssyncadd.s32 $0xFFFFFF80  }
0x24a: {  	_ =	swait.ge [sflag:s9], $0x80  }
0x24b: {  	[sflag:s9] =	ssyncset.done $0x0  }
0x24c: {  	[sflag:s9] =	ssyncadd.s32 $0xFFFFFF80  }
0x24d: {  	_ =	swait.ge [sflag:s9], $0x80  }
0x24e: {  	[sflag:s9] =	ssyncset.done $0x0  }
0x24f: {  	[sflag:s9] =	ssyncadd.s32 $0xFFFFFF80  }
0x250: {  	_ =	swait.ge [sflag:s9], $0x80  }
0x251: {  	[sflag:s9] =	ssyncset.done $0x0  }
0x252: {  	[sflag:s9] =	ssyncadd.s32 $0xFFFFFF80  }
0x253: {  	_ =	swait.ge [sflag:s9], $0x80  }
0x254: {  	[sflag:s9] =	ssyncset.done $0x0  }
0x255: {  	[sflag:s9] =	ssyncadd.s32 $0xFFFFFF80  }
0x256: {  	_ =	swait.ge [sflag:s9], $0x80  }
0x257: {  	[sflag:s9] =	ssyncset.done $0x0  }
0x258: {  	[sflag:s9] =	ssyncadd.s32 $0xFFFFFF80  }
0x259: {  	_ =	swait.ge [sflag:s9], $0x80  }
0x25a: {  	[sflag:s9] =	ssyncset.done $0x0  }
0x25b: {  	[sflag:s9] =	ssyncadd.s32 $0xFFFFFF80  }
0x25c: {  	_ =	swait.ge [sflag:s9], $0x80  }
0x25d: {  	[sflag:s9] =	ssyncset.done $0x0  }
0x25e: {  	s21 =	simm.s32 $0x0;
	[sflag:s9] =	ssyncadd.s32 $0xFFFFFF80  }
0x25f: {  	v20 =	vadd.f32 v10, v20;
	v22 =	vld [tilespmem:s21+$0x1E870]  }
0x260: {  	v18 =	vadd.f32 v11, v18;
	v2 =	vadd.f32 v13, v2;
	v62 =	vld [tilespmem:s21+$0x1E800]  }
0x261: {  	v4 =	vadd.f32 v15, v4;
	v7 =	vadd.f32 v16, v7;
	v63 =	vld [tilespmem:s21+$0x1E810]  }
0x262: {  	v10 =	vadd.f32 v8, v21;
	v3 =	vadd.f32 v14, v3;
	v13 =	vld [tilespmem:s21+$0x1E820]  }
0x263: {  	v8 =	vadd.f32 v9, v19;
	v14 =	vadd.f32 v17, v7;
	v11 =	vld [tilespmem:s21+$0x1E830]  }
0x264: {  	v4 =	vadd.f32 v6, v4;
	v3 =	vadd.f32 v12, v3;
	v9 =	vld [tilespmem:s21+$0x1E840]  }
0x265: {  	v7 =	vadd.f32 v5, v2;
	v6 =	vld [tilespmem:s21+$0x1E850];
	v2 =	vadd.f32 v22, v14  }
0x266: {  	s6 =	simm.s32 $0x80;
	s7 =	simm.s32 $0x400;
	v5 =	vld [tilespmem:s21+$0x1E860];
	v14 =	vadd.f32 v62, v20;
	v12 =	vadd.f32 v63, v18  }
.LBB2_8:
0x267: {  	p0 =	sne.s32 s7, $0x3200;
	v15 =	vld [tilespmem:s6+$0x1E870];
	v10 =	vadd.f32 v13, v10  }
0x268: {  	v16 =	vld [tilespmem:s6+$0x1E800];
	v8 =	vadd.f32 v11, v8  }
0x269: {  	v17 =	vld [tilespmem:s6+$0x1E810];
	v7 =	vadd.f32 v9, v7  }
.Ltmp3:
0x26a: {  	v13 =	vld [tilespmem:s6+$0x1E820];
	v4 =	vadd.f32 v6, v4;
	(pc) =	sbr.rel @p0 .LBB2_8-.Ltmp3, $4  }
0x26b: {  	v11 =	vld [tilespmem:s6+$0x1E830];
	v3 =	vadd.f32 v5, v3  }
0x26c: {  	v9 =	vld [tilespmem:s6+$0x1E840];
	v2 =	vadd.f32 v15, v2  }
0x26d: {  	v14 =	vadd.f32 v16, v14;
	v6 =	vld [tilespmem:s6+$0x1E850]  }
0x26e: {  	v12 =	vadd.f32 v17, v12;
	v5 =	vld [tilespmem:s6+$0x1E860];
	s6 =	sshra.s32 s7, $0x2;
	s7 =	sadd.s32 $0x200, s7  }
0x26f: {  	v15 =	vld [tilespmem:s6+$0x1E800];
	_ =	sdelay $0x1  }
0x270: {  	v16 =	vld [tilespmem:$0x1F700];
	_ =	sdelay $0x2  }
0x271: {  	v14 =	vadd.f32 v15, v14;
	_ =	sdelay $0x1  }
0x272: {  	v14 =	vadd.f32 v16, v14;
	_ =	sdelay $0x1  }
0x273: {  	v14 =	vsub.f32 $0.0e+00, v14;
	_ =	sdelay $0x1  }
0x274: {  	v14 =	vmul.f32 $1.442695020e+00, v14;
	_ =	sdelay $0x1  }
0x275: {  	v15 =	vld [tilespmem:s6+$0x1E810];
	(erf) = vpow2.f32 v14;
	_ =	sdelay $0x4  }
0x276: {  	v12 =	vadd.f32 v15, v12;
	_ =	sdelay $0x1  }
0x277: {  	v12 =	vadd.f32 v16, v12;
	_ =	sdelay $0x1  }
0x278: {  	v12 =	vsub.f32 $0.0e+00, v12;
	v14 =	vpop (erf)  }
0x279: {  	v14 =	vadd.f32 $1.000000000e+00, v14  }
0x27a: {  	v12 =	vmul.f32 $1.442695020e+00, v12  }
0x27b: {  	(erf) = vrcp.f32 v14  }
0x27c: {  	v14 =	vld [tilespmem:s6+$0x1E820];
	(erf) = vpow2.f32 v12;
	_ =	sdelay $0x2  }
0x27d: {  	v10 =	vadd.f32 v13, v10;
	_ =	sdelay $0x1  }
0x27e: {  	v10 =	vadd.f32 v14, v10;
	_ =	sdelay $0x1  }
0x27f: {  	v10 =	vadd.f32 v16, v10  }
0x280: {  	v12 =	vpop (erf)  }
0x281: {  	v10 =	vsub.f32 $0.0e+00, v10;
	v13 =	vpop (erf)  }
0x282: {  	v13 =	vadd.f32 $1.000000000e+00, v13  }
0x283: {  	v10 =	vmul.f32 $1.442695020e+00, v10  }
0x284: {  	(erf) = vrcp.f32 v13  }
0x285: {  	v13 =	vld [tilespmem:s6+$0x1E830];
	(erf) = vpow2.f32 v10;
	_ =	sdelay $0x2  }
0x286: {  	v8 =	vadd.f32 v11, v8;
	_ =	sdelay $0x1  }
0x287: {  	v8 =	vadd.f32 v13, v8;
	_ =	sdelay $0x1  }
0x288: {  	v8 =	vadd.f32 v16, v8  }
0x289: {  	v10 =	vpop (erf)  }
0x28a: {  	v8 =	vsub.f32 $0.0e+00, v8;
	v11 =	vpop (erf)  }
0x28b: {  	v11 =	vadd.f32 $1.000000000e+00, v11  }
0x28c: {  	v8 =	vmul.f32 $1.442695020e+00, v8  }
0x28d: {  	(erf) = vrcp.f32 v11  }
0x28e: {  	v11 =	vld [tilespmem:s6+$0x1E840];
	(erf) = vpow2.f32 v8;
	_ =	sdelay $0x2  }
0x28f: {  	v7 =	vadd.f32 v9, v7;
	_ =	sdelay $0x1  }
0x290: {  	v7 =	vadd.f32 v11, v7;
	_ =	sdelay $0x1  }
0x291: {  	v7 =	vadd.f32 v16, v7  }
0x292: {  	v8 =	vpop (erf)  }
0x293: {  	v7 =	vsub.f32 $0.0e+00, v7;
	v9 =	vpop (erf)  }
0x294: {  	v9 =	vadd.f32 $1.000000000e+00, v9  }
0x295: {  	v7 =	vmul.f32 $1.442695020e+00, v7  }
0x296: {  	(erf) = vrcp.f32 v9  }
0x297: {  	v9 =	vld [tilespmem:s6+$0x1E850];
	(erf) = vpow2.f32 v7;
	_ =	sdelay $0x2  }
0x298: {  	v4 =	vadd.f32 v6, v4;
	_ =	sdelay $0x1  }
0x299: {  	v4 =	vadd.f32 v9, v4;
	_ =	sdelay $0x1  }
0x29a: {  	v4 =	vadd.f32 v16, v4  }
0x29b: {  	v6 =	vpop (erf)  }
0x29c: {  	v4 =	vsub.f32 $0.0e+00, v4;
	v7 =	vpop (erf)  }
0x29d: {  	v7 =	vadd.f32 $1.000000000e+00, v7  }
0x29e: {  	v4 =	vmul.f32 $1.442695020e+00, v4  }
0x29f: {  	(erf) = vrcp.f32 v7  }
0x2a0: {  	v7 =	vld [tilespmem:s6+$0x1E860];
	(erf) = vpow2.f32 v4;
	_ =	sdelay $0x2  }
0x2a1: {  	v3 =	vadd.f32 v5, v3;
	_ =	sdelay $0x1  }
0x2a2: {  	v3 =	vadd.f32 v7, v3;
	_ =	sdelay $0x1  }
0x2a3: {  	v3 =	vadd.f32 v16, v3  }
0x2a4: {  	v4 =	vpop (erf)  }
0x2a5: {  	v3 =	vsub.f32 $0.0e+00, v3;
	v5 =	vpop (erf)  }
0x2a6: {  	v5 =	vadd.f32 $1.000000000e+00, v5  }
0x2a7: {  	v3 =	vmul.f32 $1.442695020e+00, v3  }
0x2a8: {  	(erf) = vrcp.f32 v5  }
0x2a9: {  	v5 =	vld [tilespmem:s6+$0x1E870];
	(erf) = vpow2.f32 v3;
	_ =	sdelay $0x4  }
0x2aa: {  	v2 =	vadd.f32 v5, v2;
	_ =	sdelay $0x1  }
0x2ab: {  	v2 =	vadd.f32 v16, v2  }
0x2ac: {  	v3 =	vpop (erf)  }
0x2ad: {  	v2 =	vsub.f32 $0.0e+00, v2;
	v5 =	vpop (erf)  }
0x2ae: {  	v5 =	vadd.f32 $1.000000000e+00, v5  }
0x2af: {  	v2 =	vmul.f32 $1.442695020e+00, v2  }
0x2b0: {  	(erf) = vrcp.f32 v5  }
0x2b1: {  	(erf) = vpow2.f32 v2;
	_ =	sdelay $0x7  }
0x2b2: {  	v2 =	vpop (erf)  }
0x2b3: {  	v5 =	vpop (erf)  }
0x2b4: {  	v5 =	vadd.f32 $1.000000000e+00, v5;
	_ =	sdelay $0x1  }
0x2b5: {  	(erf) = vrcp.f32 v5;
	_ =	sdelay $0x2  }
0x2b6: {  	[tilespmem:$0x1F580] =	vst v12  }
0x2b7: {  	[tilespmem:$0x1F590] =	vst v10  }
0x2b8: {  	[tilespmem:$0x1F5A0] =	vst v8  }
0x2b9: {  	[tilespmem:$0x1F5B0] =	vst v6  }
0x2ba: {  	[tilespmem:$0x1F5C0] =	vst v4  }
0x2bb: {  	[tilespmem:$0x1F5D0] =	vst v3  }
0x2bc: {  	[tilespmem:$0x1F5E0] =	vst v2;
	v2 =	vpop (erf)  }
0x2bd: {  	[tilespmem:$0x1F5F0] =	vst v2  }
0x2be: {  	_ =	swait.ge [sflag:s17], $0x3200  }
0x2bf: {  	[sflag:s17] =	ssyncset.done $0x0  }
0x2c0: {  	s21 =	simm.s32 $0x1A780;
	[sflag:s17] =	ssyncadd.s32 $0xFFFFCE00  }
0x2c1: {  	v2 =	vld [tilespmem:s21+$0x0]  }
0x2c2: {  	v3 =	vld [tilespmem:s21+$0x10]  }
0x2c3: {  	v4 =	vld [tilespmem:s21+$0x20]  }
0x2c4: {  	v5 =	vld [tilespmem:s21+$0x30]  }
0x2c5: {  	v6 =	vld [tilespmem:s21+$0x40]  }
0x2c6: {  	v7 =	vld [tilespmem:s21+$0x50]  }
0x2c7: {  	v12 =	vld [tilespmem:s21+$0x60]  }
0x2c8: {  	v17 =	vld [tilespmem:s21+$0x70]  }
0x2c9: {  	v13 =	vld [tilespmem:s21+$0xFFFFFF80]  }
0x2ca: {  	v14 =	vld [tilespmem:s21+$0xFFFFFF90]  }
0x2cb: {  	v15 =	vld [tilespmem:s21+$0xFFFFFFA0]  }
0x2cc: {  	v16 =	vld [tilespmem:s21+$0xFFFFFFB0]  }
0x2cd: {  	v18 =	vld [tilespmem:s21+$0xFFFFFFC0]  }
0x2ce: {  	v19 =	vld [tilespmem:s21+$0xFFFFFFD0]  }
0x2cf: {  	v20 =	vld [tilespmem:s21+$0xFFFFFFE0]  }
0x2d0: {  	v21 =	vld [tilespmem:s21+$0xFFFFFFF0]  }
0x2d1: {  	v10 =	vld.idx.msk [tilespmem:v2+s5+$0x0], $0xffff  }
0x2d2: {  	v11 =	vld.idx.msk [tilespmem:v3+s5+$0x0], $0xffff  }
0x2d3: {  	v8 =	vld.idx.msk [tilespmem:v4+s5+$0x0], $0xffff  }
0x2d4: {  	v9 =	vld.idx.msk [tilespmem:v5+s5+$0x0], $0xffff  }
0x2d5: {  	v5 =	vld.idx.msk [tilespmem:v6+s5+$0x0], $0xffff  }
0x2d6: {  	v6 =	vld.idx.msk [tilespmem:v7+s5+$0x0], $0xffff  }
0x2d7: {  	v3 =	vld.idx.msk [tilespmem:v13+s5+$0x0], $0xffff  }
0x2d8: {  	v4 =	vld.idx.msk [tilespmem:v14+s5+$0x0], $0xffff  }
0x2d9: {  	v7 =	vld.idx.msk [tilespmem:v15+s5+$0x0], $0xffff  }
0x2da: {  	v22 =	vld.idx.msk [tilespmem:v16+s5+$0x0], $0xffff  }
0x2db: {  	v13 =	vld.idx.msk [tilespmem:v18+s5+$0x0], $0xffff  }
0x2dc: {  	v15 =	vld.idx.msk [tilespmem:v19+s5+$0x0], $0xffff  }
0x2dd: {  	v2 =	vimm.f32 $0.0e+00;
	v14 =	vld.idx.msk [tilespmem:v20+s5+$0x0], $0xffff  }
0x2de: {  	v16 =	vld.idx.msk [tilespmem:v21+s5+$0x0], $0xffff;
	v20 =	vadd.f32 v3, v2;
	v18 =	vadd.f32 v4, v2  }
0x2df: {  	v12 =	vld.idx.msk [tilespmem:v12+s5+$0x0], $0xffff;
	v21 =	vadd.f32 v7, v2;
	v19 =	vadd.f32 v22, v2  }
0x2e0: {  	s7 =	simm.s32 $0x1A880;
	s6 =	simm.s32 $0x0;
	v17 =	vld.idx.msk [tilespmem:v17+s5+$0x0], $0xffff;
	v4 =	vimm.f32 $0.0e+00;
	v3 =	vimm.f32 $0.0e+00;
	v7 =	vimm.f32 $0.0e+00  }
.LBB2_10:
0x2e1: {  	v22 =	vld [tilespmem:s7+$0x0];
	v20 =	vadd.f32 v10, v20;
	v18 =	vadd.f32 v11, v18  }
0x2e2: {  	v11 =	vld [tilespmem:s7+$0x10];
	v21 =	vadd.f32 v8, v21;
	v19 =	vadd.f32 v9, v19  }
0x2e3: {  	v2 =	vadd.f32 v13, v2;
	v4 =	vadd.f32 v15, v4;
	v8 =	vld [tilespmem:s7+$0x20]  }
0x2e4: {  	v3 =	vadd.f32 v14, v3;
	v7 =	vadd.f32 v16, v7;
	v9 =	vld [tilespmem:s7+$0x30]  }
0x2e5: {  	v2 =	vadd.f32 v5, v2;
	v4 =	vadd.f32 v6, v4;
	v13 =	vld [tilespmem:s7+$0x40]  }
0x2e6: {  	v3 =	vadd.f32 v12, v3;
	v7 =	vadd.f32 v17, v7;
	v6 =	vld [tilespmem:s7+$0x50]  }
0x2e7: {  	v12 =	vld [tilespmem:s7+$0x60]  }
0x2e8: {  	v17 =	vld [tilespmem:s7+$0x70]  }
0x2e9: {  	v14 =	vld [tilespmem:s7+$0xFFFFFF80]  }
0x2ea: {  	v15 =	vld [tilespmem:s7+$0xFFFFFF90]  }
0x2eb: {  	v16 =	vld [tilespmem:s7+$0xFFFFFFA0]  }
0x2ec: {  	v23 =	vld [tilespmem:s7+$0xFFFFFFB0]  }
0x2ed: {  	v24 =	vld [tilespmem:s7+$0xFFFFFFC0]  }
0x2ee: {  	v25 =	vld [tilespmem:s7+$0xFFFFFFD0]  }
0x2ef: {  	v26 =	vld [tilespmem:s7+$0xFFFFFFE0]  }
0x2f0: {  	v27 =	vld [tilespmem:s7+$0xFFFFFFF0]  }
0x2f1: {  	v10 =	vld.idx.msk [tilespmem:v22+s5+$0x0], $0xffff  }
0x2f2: {  	v11 =	vld.idx.msk [tilespmem:v11+s5+$0x0], $0xffff  }
0x2f3: {  	v8 =	vld.idx.msk [tilespmem:v8+s5+$0x0], $0xffff  }
0x2f4: {  	v9 =	vld.idx.msk [tilespmem:v9+s5+$0x0], $0xffff  }
0x2f5: {  	v5 =	vld.idx.msk [tilespmem:v13+s5+$0x0], $0xffff  }
0x2f6: {  	s6 =	sadd.s32 $0x2, s6;
	v6 =	vld.idx.msk [tilespmem:v6+s5+$0x0], $0xffff  }
0x2f7: {  	p0 =	slt.u32 s6, $0x62;
	v22 =	vld.idx.msk [tilespmem:v14+s5+$0x0], $0xffff  }
0x2f8: {  	v28 =	vld.idx.msk [tilespmem:v15+s5+$0x0], $0xffff  }
0x2f9: {  	v29 =	vld.idx.msk [tilespmem:v16+s5+$0x0], $0xffff  }
0x2fa: {  	v23 =	vld.idx.msk [tilespmem:v23+s5+$0x0], $0xffff  }
0x2fb: {  	v13 =	vld.idx.msk [tilespmem:v24+s5+$0x0], $0xffff  }
.Ltmp4:
0x2fc: {  	v15 =	vld.idx.msk [tilespmem:v25+s5+$0x0], $0xffff;
	(pc) =	sbr.rel @p0 .LBB2_10-.Ltmp4, $4  }
0x2fd: {  	v14 =	vld.idx.msk [tilespmem:v26+s5+$0x0], $0xffff  }
0x2fe: {  	v16 =	vld.idx.msk [tilespmem:v27+s5+$0x0], $0xffff  }
0x2ff: {  	v20 =	vadd.f32 v22, v20;
	v18 =	vadd.f32 v28, v18;
	v12 =	vld.idx.msk [tilespmem:v12+s5+$0x0], $0xffff  }
0x300: {  	s7 =	sadd.s32 $0x100, s7;
	v21 =	vadd.f32 v29, v21;
	v19 =	vadd.f32 v23, v19;
	v17 =	vld.idx.msk [tilespmem:v17+s5+$0x0], $0xffff  }
0x301: {  	[tilespmem:s25], [sflag:$0x4] =	stream.strided.gather [hbm4b:s14+s23], $0x3000, s24, s23, $0x38;
	[tilespmem:$0x1F800] =	vst v63  }
0x302: {  	s6 =	sadd.s32 $0x30000, s14;
	s7 =	simm.s32 $0x0  }
0x303: {  	[tilespmem:s26], [sflag:$0x4] =	stream.linear.gather [hbm4b:s6+s7], $0x200, $0x38;
	[tilespmem:$0x1F800] =	vst v63  }
0x304: {  	_ = 	snop  }
0x305: {  	[tilespmem:s3], [sflag:$0x5] =	stream.strided.gather [hbm4b:s15+s23], $0xC00, s24, s23, $0x38;
	[tilespmem:$0x1F800] =	vst v63  }
0x306: {  	s21 =	sadd.s32 $0xC000, s15  }
0x307: {  	[tilespmem:s19], [sflag:$0x5] =	stream.linear.gather [hbm4b:s21+s7], $0x100, $0x38;
	[tilespmem:$0x1F800] =	vst v63  }
0x308: {  	_ =	swait.ge [sflag:s30], $0xD00  }
0x309: {  	[sflag:s30] =	ssyncset.done $0x0  }
0x30a: {  	s7 =	simm.s32 $0x1E800;
	[sflag:s30] =	ssyncadd.s32 $0xFFFFF300  }
0x30b: {  	[tilespmem:s7], [sflag:$0x2] =	stream.indirect.gather [hbm4b:s1+s31], $0x1, s3, s31, $0xb8;
	[tilespmem:$0x1F800] =	vst v63  }
0x30c: {  	s20 =	simm.s32 $0x19780;
	s21 =	simm.s32 $0x1E880  }
0x30d: {  	[tilespmem:s21], [sflag:$0x2] =	stream.indirect.gather [hbm4b:s1+s31], $0x1, s20, s31, $0xb8;
	[tilespmem:$0x1F800] =	vst v63  }
0x30e: {  	s20 =	simm.s32 $0x19800;
	s21 =	simm.s32 $0x1E900  }
0x30f: {  	[tilespmem:s21], [sflag:$0x2] =	stream.indirect.gather [hbm4b:s1+s31], $0x1, s20, s31, $0xb8;
	[tilespmem:$0x1F800] =	vst v63  }
0x310: {  	s20 =	simm.s32 $0x19880;
	s21 =	simm.s32 $0x1E980  }
0x311: {  	[tilespmem:s21], [sflag:$0x2] =	stream.indirect.gather [hbm4b:s1+s31], $0x1, s20, s31, $0xb8;
	[tilespmem:$0x1F800] =	vst v63  }
0x312: {  	s20 =	simm.s32 $0x19900;
	s21 =	simm.s32 $0x1EA00  }
0x313: {  	[tilespmem:s21], [sflag:$0x2] =	stream.indirect.gather [hbm4b:s1+s31], $0x1, s20, s31, $0xb8;
	[tilespmem:$0x1F800] =	vst v63  }
0x314: {  	s20 =	simm.s32 $0x19980;
	s21 =	simm.s32 $0x1EA80  }
0x315: {  	[tilespmem:s21], [sflag:$0x2] =	stream.indirect.gather [hbm4b:s1+s31], $0x1, s20, s31, $0xb8;
	[tilespmem:$0x1F800] =	vst v63  }
0x316: {  	s20 =	simm.s32 $0x19A00;
	s21 =	simm.s32 $0x1EB00  }
0x317: {  	[tilespmem:s21], [sflag:$0x2] =	stream.indirect.gather [hbm4b:s1+s31], $0x1, s20, s31, $0xb8;
	[tilespmem:$0x1F800] =	vst v63  }
0x318: {  	s20 =	simm.s32 $0x19A80;
	s21 =	simm.s32 $0x1EB80  }
0x319: {  	[tilespmem:s21], [sflag:$0x2] =	stream.indirect.gather [hbm4b:s1+s31], $0x1, s20, s31, $0xb8;
	[tilespmem:$0x1F800] =	vst v63  }
0x31a: {  	s20 =	simm.s32 $0x19B00;
	s21 =	simm.s32 $0x1EC00  }
0x31b: {  	[tilespmem:s21], [sflag:$0x2] =	stream.indirect.gather [hbm4b:s1+s31], $0x1, s20, s31, $0xb8;
	[tilespmem:$0x1F800] =	vst v63  }
0x31c: {  	s20 =	simm.s32 $0x19B80;
	s21 =	simm.s32 $0x1EC80  }
0x31d: {  	[tilespmem:s21], [sflag:$0x2] =	stream.indirect.gather [hbm4b:s1+s31], $0x1, s20, s31, $0xb8;
	[tilespmem:$0x1F800] =	vst v63  }
0x31e: {  	s20 =	simm.s32 $0x19C00;
	s21 =	simm.s32 $0x1ED00  }
0x31f: {  	[tilespmem:s21], [sflag:$0x2] =	stream.indirect.gather [hbm4b:s1+s31], $0x1, s20, s31, $0xb8;
	[tilespmem:$0x1F800] =	vst v63  }
0x320: {  	s20 =	simm.s32 $0x19C80;
	s21 =	simm.s32 $0x1ED80  }
0x321: {  	[tilespmem:s21], [sflag:$0x2] =	stream.indirect.gather [hbm4b:s1+s31], $0x1, s20, s31, $0xb8;
	[tilespmem:$0x1F800] =	vst v63  }
0x322: {  	s20 =	simm.s32 $0x19D00;
	s21 =	simm.s32 $0x1EE00  }
0x323: {  	[tilespmem:s21], [sflag:$0x2] =	stream.indirect.gather [hbm4b:s1+s31], $0x1, s20, s31, $0xb8;
	[tilespmem:$0x1F800] =	vst v63  }
0x324: {  	s20 =	simm.s32 $0x19D80;
	s21 =	simm.s32 $0x1EE80  }
0x325: {  	[tilespmem:s21], [sflag:$0x2] =	stream.indirect.gather [hbm4b:s1+s31], $0x1, s20, s31, $0xb8;
	[tilespmem:$0x1F800] =	vst v63  }
0x326: {  	s20 =	simm.s32 $0x19E00;
	s21 =	simm.s32 $0x1EF00  }
0x327: {  	[tilespmem:s21], [sflag:$0x2] =	stream.indirect.gather [hbm4b:s1+s31], $0x1, s20, s31, $0xb8;
	[tilespmem:$0x1F800] =	vst v63  }
0x328: {  	s20 =	simm.s32 $0x19E80;
	s21 =	simm.s32 $0x1EF80  }
0x329: {  	[tilespmem:s21], [sflag:$0x2] =	stream.indirect.gather [hbm4b:s1+s31], $0x1, s20, s31, $0xb8;
	[tilespmem:$0x1F800] =	vst v63  }
0x32a: {  	s20 =	simm.s32 $0x19F00;
	s21 =	simm.s32 $0x1F000  }
0x32b: {  	[tilespmem:s21], [sflag:$0x2] =	stream.indirect.gather [hbm4b:s1+s31], $0x1, s20, s31, $0xb8;
	[tilespmem:$0x1F800] =	vst v63  }
0x32c: {  	s20 =	simm.s32 $0x19F80;
	s21 =	simm.s32 $0x1F080  }
0x32d: {  	[tilespmem:s21], [sflag:$0x2] =	stream.indirect.gather [hbm4b:s1+s31], $0x1, s20, s31, $0xb8;
	[tilespmem:$0x1F800] =	vst v63  }
0x32e: {  	s20 =	simm.s32 $0x1A000;
	s21 =	simm.s32 $0x1F100  }
0x32f: {  	[tilespmem:s21], [sflag:$0x2] =	stream.indirect.gather [hbm4b:s1+s31], $0x1, s20, s31, $0xb8;
	[tilespmem:$0x1F800] =	vst v63  }
0x330: {  	s20 =	simm.s32 $0x1A080;
	s21 =	simm.s32 $0x1F180  }
0x331: {  	[tilespmem:s21], [sflag:$0x2] =	stream.indirect.gather [hbm4b:s1+s31], $0x1, s20, s31, $0xb8;
	[tilespmem:$0x1F800] =	vst v63  }
0x332: {  	s20 =	simm.s32 $0x1A100;
	s21 =	simm.s32 $0x1F200  }
0x333: {  	[tilespmem:s21], [sflag:$0x2] =	stream.indirect.gather [hbm4b:s1+s31], $0x1, s20, s31, $0xb8;
	[tilespmem:$0x1F800] =	vst v63  }
0x334: {  	s20 =	simm.s32 $0x1A180;
	s21 =	simm.s32 $0x1F280  }
0x335: {  	[tilespmem:s21], [sflag:$0x2] =	stream.indirect.gather [hbm4b:s1+s31], $0x1, s20, s31, $0xb8;
	[tilespmem:$0x1F800] =	vst v63  }
0x336: {  	s20 =	simm.s32 $0x1A200;
	s21 =	simm.s32 $0x1F300  }
0x337: {  	[tilespmem:s21], [sflag:$0x2] =	stream.indirect.gather [hbm4b:s1+s31], $0x1, s20, s31, $0xb8;
	[tilespmem:$0x1F800] =	vst v63  }
0x338: {  	s20 =	simm.s32 $0x1A280  }
0x339: {  	[tilespmem:s22], [sflag:$0x2] =	stream.indirect.gather [hbm4b:s1+s31], $0x1, s20, s31, $0xb8;
	[tilespmem:$0x1F800] =	vst v63  }
0x33a: {  	_ = 	snop  }
0x33b: {  	[tilespmem:s2], [sflag:$0x2] =	stream.indirect.gather [hbm4b:s1+s31], $0x1, s19, s31, $0xb8;
	[tilespmem:$0x1F800] =	vst v63  }
0x33c: {  	_ = 	snop  }
0x33d: {  	[tilespmem:s8], [sflag:$0x2] =	stream.indirect.gather [hbm4b:s1+s31], $0x1, s18, s31, $0xb8;
	[tilespmem:$0x1F800] =	vst v63  }
0x33e: {  	_ =	swait.ge [sflag:s0], $0x80  }
0x33f: {  	[sflag:s0] =	ssyncset.done $0x0  }
0x340: {  	[sflag:s0] =	ssyncadd.s32 $0xFFFFFF80  }
0x341: {  	_ =	swait.ge [sflag:s0], $0x80  }
0x342: {  	[sflag:s0] =	ssyncset.done $0x0  }
0x343: {  	[sflag:s0] =	ssyncadd.s32 $0xFFFFFF80  }
0x344: {  	_ =	swait.ge [sflag:s0], $0x80  }
0x345: {  	[sflag:s0] =	ssyncset.done $0x0  }
0x346: {  	[sflag:s0] =	ssyncadd.s32 $0xFFFFFF80  }
0x347: {  	_ =	swait.ge [sflag:s0], $0x80  }
0x348: {  	[sflag:s0] =	ssyncset.done $0x0  }
0x349: {  	[sflag:s0] =	ssyncadd.s32 $0xFFFFFF80  }
0x34a: {  	_ =	swait.ge [sflag:s0], $0x80  }
0x34b: {  	[sflag:s0] =	ssyncset.done $0x0  }
0x34c: {  	[sflag:s0] =	ssyncadd.s32 $0xFFFFFF80  }
0x34d: {  	_ =	swait.ge [sflag:s0], $0x80  }
0x34e: {  	[sflag:s0] =	ssyncset.done $0x0  }
0x34f: {  	[sflag:s0] =	ssyncadd.s32 $0xFFFFFF80  }
0x350: {  	_ =	swait.ge [sflag:s0], $0x80  }
0x351: {  	[sflag:s0] =	ssyncset.done $0x0  }
0x352: {  	[sflag:s0] =	ssyncadd.s32 $0xFFFFFF80  }
0x353: {  	_ =	swait.ge [sflag:s0], $0x80  }
0x354: {  	[sflag:s0] =	ssyncset.done $0x0  }
0x355: {  	[sflag:s0] =	ssyncadd.s32 $0xFFFFFF80  }
0x356: {  	_ =	swait.ge [sflag:s0], $0x80  }
0x357: {  	[sflag:s0] =	ssyncset.done $0x0  }
0x358: {  	[sflag:s0] =	ssyncadd.s32 $0xFFFFFF80  }
0x359: {  	_ =	swait.ge [sflag:s0], $0x80  }
0x35a: {  	[sflag:s0] =	ssyncset.done $0x0  }
0x35b: {  	[sflag:s0] =	ssyncadd.s32 $0xFFFFFF80  }
0x35c: {  	_ =	swait.ge [sflag:s0], $0x80  }
0x35d: {  	[sflag:s0] =	ssyncset.done $0x0  }
0x35e: {  	[sflag:s0] =	ssyncadd.s32 $0xFFFFFF80  }
0x35f: {  	_ =	swait.ge [sflag:s0], $0x80  }
0x360: {  	[sflag:s0] =	ssyncset.done $0x0  }
0x361: {  	[sflag:s0] =	ssyncadd.s32 $0xFFFFFF80  }
0x362: {  	_ =	swait.ge [sflag:s0], $0x80  }
0x363: {  	[sflag:s0] =	ssyncset.done $0x0  }
0x364: {  	[sflag:s0] =	ssyncadd.s32 $0xFFFFFF80  }
0x365: {  	_ =	swait.ge [sflag:s0], $0x80  }
0x366: {  	[sflag:s0] =	ssyncset.done $0x0  }
0x367: {  	[sflag:s0] =	ssyncadd.s32 $0xFFFFFF80  }
0x368: {  	_ =	swait.ge [sflag:s0], $0x80  }
0x369: {  	[sflag:s0] =	ssyncset.done $0x0  }
0x36a: {  	[sflag:s0] =	ssyncadd.s32 $0xFFFFFF80  }
0x36b: {  	_ =	swait.ge [sflag:s0], $0x80  }
0x36c: {  	[sflag:s0] =	ssyncset.done $0x0  }
0x36d: {  	[sflag:s0] =	ssyncadd.s32 $0xFFFFFF80  }
0x36e: {  	_ =	swait.ge [sflag:s0], $0x80  }
0x36f: {  	[sflag:s0] =	ssyncset.done $0x0  }
0x370: {  	[sflag:s0] =	ssyncadd.s32 $0xFFFFFF80  }
0x371: {  	_ =	swait.ge [sflag:s0], $0x80  }
0x372: {  	[sflag:s0] =	ssyncset.done $0x0  }
0x373: {  	[sflag:s0] =	ssyncadd.s32 $0xFFFFFF80  }
0x374: {  	_ =	swait.ge [sflag:s0], $0x80  }
0x375: {  	[sflag:s0] =	ssyncset.done $0x0  }
0x376: {  	[sflag:s0] =	ssyncadd.s32 $0xFFFFFF80  }
0x377: {  	_ =	swait.ge [sflag:s0], $0x80  }
0x378: {  	[sflag:s0] =	ssyncset.done $0x0  }
0x379: {  	[sflag:s0] =	ssyncadd.s32 $0xFFFFFF80  }
0x37a: {  	_ =	swait.ge [sflag:s0], $0x80  }
0x37b: {  	[sflag:s0] =	ssyncset.done $0x0  }
0x37c: {  	[sflag:s0] =	ssyncadd.s32 $0xFFFFFF80  }
0x37d: {  	_ =	swait.ge [sflag:s0], $0x80  }
0x37e: {  	[sflag:s0] =	ssyncset.done $0x0  }
0x37f: {  	[sflag:s0] =	ssyncadd.s32 $0xFFFFFF80  }
0x380: {  	_ =	swait.ge [sflag:s0], $0x80  }
0x381: {  	[sflag:s0] =	ssyncset.done $0x0  }
0x382: {  	[sflag:s0] =	ssyncadd.s32 $0xFFFFFF80  }
0x383: {  	_ =	swait.ge [sflag:s0], $0x80  }
0x384: {  	[sflag:s0] =	ssyncset.done $0x0  }
0x385: {  	[sflag:s0] =	ssyncadd.s32 $0xFFFFFF80  }
0x386: {  	_ =	swait.ge [sflag:s0], $0x80  }
0x387: {  	[sflag:s0] =	ssyncset.done $0x0  }
0x388: {  	[sflag:s0] =	ssyncadd.s32 $0xFFFFFF80  }
0x389: {  	_ =	swait.ge [sflag:s0], $0x80  }
0x38a: {  	[sflag:s0] =	ssyncset.done $0x0  }
0x38b: {  	s21 =	simm.s32 $0x0;
	[sflag:s0] =	ssyncadd.s32 $0xFFFFFF80  }
0x38c: {  	v20 =	vadd.f32 v10, v20;
	v22 =	vld [tilespmem:s21+$0x1DB70]  }
0x38d: {  	v18 =	vadd.f32 v11, v18;
	v2 =	vadd.f32 v13, v2;
	v62 =	vld [tilespmem:s21+$0x1DB00]  }
0x38e: {  	v4 =	vadd.f32 v15, v4;
	v7 =	vadd.f32 v16, v7;
	v63 =	vld [tilespmem:s21+$0x1DB10]  }
0x38f: {  	v10 =	vadd.f32 v8, v21;
	v3 =	vadd.f32 v14, v3;
	v13 =	vld [tilespmem:s21+$0x1DB20]  }
0x390: {  	v8 =	vadd.f32 v9, v19;
	v14 =	vadd.f32 v17, v7;
	v11 =	vld [tilespmem:s21+$0x1DB30]  }
0x391: {  	v4 =	vadd.f32 v6, v4;
	v3 =	vadd.f32 v12, v3;
	v9 =	vld [tilespmem:s21+$0x1DB40]  }
0x392: {  	v7 =	vadd.f32 v5, v2;
	v6 =	vld [tilespmem:s21+$0x1DB50];
	v2 =	vadd.f32 v22, v14  }
0x393: {  	s6 =	simm.s32 $0x80;
	s7 =	simm.s32 $0x400;
	v5 =	vld [tilespmem:s21+$0x1DB60];
	v14 =	vadd.f32 v62, v20;
	v12 =	vadd.f32 v63, v18  }
.LBB2_12:
0x394: {  	p0 =	sne.s32 s7, $0x3200;
	v15 =	vld [tilespmem:s6+$0x1DB70];
	v10 =	vadd.f32 v13, v10  }
0x395: {  	v16 =	vld [tilespmem:s6+$0x1DB00];
	v8 =	vadd.f32 v11, v8  }
0x396: {  	v17 =	vld [tilespmem:s6+$0x1DB10];
	v7 =	vadd.f32 v9, v7  }
.Ltmp5:
0x397: {  	v13 =	vld [tilespmem:s6+$0x1DB20];
	v4 =	vadd.f32 v6, v4;
	(pc) =	sbr.rel @p0 .LBB2_12-.Ltmp5, $4  }
0x398: {  	v11 =	vld [tilespmem:s6+$0x1DB30];
	v3 =	vadd.f32 v5, v3  }
0x399: {  	v9 =	vld [tilespmem:s6+$0x1DB40];
	v2 =	vadd.f32 v15, v2  }
0x39a: {  	v14 =	vadd.f32 v16, v14;
	v6 =	vld [tilespmem:s6+$0x1DB50]  }
0x39b: {  	v12 =	vadd.f32 v17, v12;
	v5 =	vld [tilespmem:s6+$0x1DB60];
	s6 =	sshra.s32 s7, $0x2;
	s7 =	sadd.s32 $0x200, s7  }
0x39c: {  	v15 =	vld [tilespmem:s6+$0x1DB00];
	_ =	sdelay $0x1  }
0x39d: {  	v16 =	vld [tilespmem:$0x1F700];
	_ =	sdelay $0x2  }
0x39e: {  	v14 =	vadd.f32 v15, v14;
	_ =	sdelay $0x1  }
0x39f: {  	v14 =	vadd.f32 v16, v14;
	_ =	sdelay $0x1  }
0x3a0: {  	v14 =	vsub.f32 $0.0e+00, v14;
	_ =	sdelay $0x1  }
0x3a1: {  	v14 =	vmul.f32 $1.442695020e+00, v14;
	_ =	sdelay $0x1  }
0x3a2: {  	(erf) = vpow2.f32 v14;
	v14 =	vld [tilespmem:s6+$0x1DB10];
	_ =	sdelay $0x4  }
0x3a3: {  	v12 =	vadd.f32 v14, v12;
	_ =	sdelay $0x1  }
0x3a4: {  	v12 =	vadd.f32 v16, v12;
	_ =	sdelay $0x1  }
0x3a5: {  	v14 =	vpop (erf);
	v12 =	vsub.f32 $0.0e+00, v12  }
0x3a6: {  	v14 =	vadd.f32 $1.000000000e+00, v14  }
0x3a7: {  	v12 =	vmul.f32 $1.442695020e+00, v12  }
0x3a8: {  	(erf) = vrcp.f32 v14  }
0x3a9: {  	v14 =	vld [tilespmem:s6+$0x1DB20];
	(erf) = vpow2.f32 v12;
	_ =	sdelay $0x2  }
0x3aa: {  	v10 =	vadd.f32 v13, v10;
	_ =	sdelay $0x1  }
0x3ab: {  	v10 =	vadd.f32 v14, v10;
	_ =	sdelay $0x1  }
0x3ac: {  	v10 =	vadd.f32 v16, v10  }
0x3ad: {  	v12 =	vpop (erf)  }
0x3ae: {  	v10 =	vsub.f32 $0.0e+00, v10;
	v13 =	vpop (erf)  }
0x3af: {  	v13 =	vadd.f32 $1.000000000e+00, v13  }
0x3b0: {  	v10 =	vmul.f32 $1.442695020e+00, v10  }
0x3b1: {  	(erf) = vrcp.f32 v13  }
0x3b2: {  	v13 =	vld [tilespmem:s6+$0x1DB30];
	(erf) = vpow2.f32 v10;
	_ =	sdelay $0x2  }
0x3b3: {  	v8 =	vadd.f32 v11, v8;
	_ =	sdelay $0x1  }
0x3b4: {  	v8 =	vadd.f32 v13, v8;
	_ =	sdelay $0x1  }
0x3b5: {  	v8 =	vadd.f32 v16, v8  }
0x3b6: {  	v10 =	vpop (erf)  }
0x3b7: {  	v8 =	vsub.f32 $0.0e+00, v8;
	v11 =	vpop (erf)  }
0x3b8: {  	v11 =	vadd.f32 $1.000000000e+00, v11  }
0x3b9: {  	v8 =	vmul.f32 $1.442695020e+00, v8  }
0x3ba: {  	(erf) = vrcp.f32 v11  }
0x3bb: {  	v11 =	vld [tilespmem:s6+$0x1DB40];
	(erf) = vpow2.f32 v8;
	_ =	sdelay $0x2  }
0x3bc: {  	v7 =	vadd.f32 v9, v7;
	_ =	sdelay $0x1  }
0x3bd: {  	v7 =	vadd.f32 v11, v7;
	_ =	sdelay $0x1  }
0x3be: {  	v7 =	vadd.f32 v16, v7  }
0x3bf: {  	v8 =	vpop (erf)  }
0x3c0: {  	v7 =	vsub.f32 $0.0e+00, v7;
	v9 =	vpop (erf)  }
0x3c1: {  	v9 =	vadd.f32 $1.000000000e+00, v9  }
0x3c2: {  	v7 =	vmul.f32 $1.442695020e+00, v7  }
0x3c3: {  	(erf) = vrcp.f32 v9  }
0x3c4: {  	v9 =	vld [tilespmem:s6+$0x1DB50];
	(erf) = vpow2.f32 v7;
	_ =	sdelay $0x2  }
0x3c5: {  	v4 =	vadd.f32 v6, v4;
	_ =	sdelay $0x1  }
0x3c6: {  	v4 =	vadd.f32 v9, v4;
	_ =	sdelay $0x1  }
0x3c7: {  	v4 =	vadd.f32 v16, v4  }
0x3c8: {  	v6 =	vpop (erf)  }
0x3c9: {  	v4 =	vsub.f32 $0.0e+00, v4;
	v7 =	vpop (erf)  }
0x3ca: {  	v7 =	vadd.f32 $1.000000000e+00, v7  }
0x3cb: {  	v4 =	vmul.f32 $1.442695020e+00, v4  }
0x3cc: {  	(erf) = vrcp.f32 v7  }
0x3cd: {  	v7 =	vld [tilespmem:s6+$0x1DB60];
	(erf) = vpow2.f32 v4;
	_ =	sdelay $0x2  }
0x3ce: {  	v3 =	vadd.f32 v5, v3;
	_ =	sdelay $0x1  }
0x3cf: {  	v3 =	vadd.f32 v7, v3;
	_ =	sdelay $0x1  }
0x3d0: {  	v3 =	vadd.f32 v16, v3  }
0x3d1: {  	v4 =	vpop (erf)  }
0x3d2: {  	v3 =	vsub.f32 $0.0e+00, v3;
	v5 =	vpop (erf)  }
0x3d3: {  	v5 =	vadd.f32 $1.000000000e+00, v5  }
0x3d4: {  	v3 =	vmul.f32 $1.442695020e+00, v3  }
0x3d5: {  	(erf) = vrcp.f32 v5  }
0x3d6: {  	v5 =	vld [tilespmem:s6+$0x1DB70];
	(erf) = vpow2.f32 v3;
	_ =	sdelay $0x4  }
0x3d7: {  	v2 =	vadd.f32 v5, v2;
	_ =	sdelay $0x1  }
0x3d8: {  	v2 =	vadd.f32 v16, v2  }
0x3d9: {  	v3 =	vpop (erf)  }
0x3da: {  	v2 =	vsub.f32 $0.0e+00, v2;
	v5 =	vpop (erf)  }
0x3db: {  	v5 =	vadd.f32 $1.000000000e+00, v5  }
0x3dc: {  	v2 =	vmul.f32 $1.442695020e+00, v2  }
0x3dd: {  	(erf) = vrcp.f32 v5  }
0x3de: {  	(erf) = vpow2.f32 v2;
	_ =	sdelay $0x7  }
0x3df: {  	v2 =	vpop (erf)  }
0x3e0: {  	v5 =	vpop (erf)  }
0x3e1: {  	v5 =	vadd.f32 $1.000000000e+00, v5;
	_ =	sdelay $0x1  }
0x3e2: {  	(erf) = vrcp.f32 v5;
	_ =	sdelay $0x2  }
0x3e3: {  	[tilespmem:$0x1F600] =	vst v12  }
0x3e4: {  	[tilespmem:$0x1F610] =	vst v10  }
0x3e5: {  	[tilespmem:$0x1F620] =	vst v8  }
0x3e6: {  	[tilespmem:$0x1F630] =	vst v6  }
0x3e7: {  	[tilespmem:$0x1F640] =	vst v4  }
0x3e8: {  	[tilespmem:$0x1F650] =	vst v3  }
0x3e9: {  	[tilespmem:$0x1F660] =	vst v2;
	v2 =	vpop (erf)  }
0x3ea: {  	[tilespmem:$0x1F670] =	vst v2  }
0x3eb: {  	_ =	swait.ge [sflag:s17], $0x3200  }
0x3ec: {  	[sflag:s17] =	ssyncset.done $0x0  }
0x3ed: {  	s21 =	simm.s32 $0x1A780;
	[sflag:s17] =	ssyncadd.s32 $0xFFFFCE00  }
0x3ee: {  	v3 =	vld [tilespmem:s21+$0x0]  }
0x3ef: {  	v4 =	vld [tilespmem:s21+$0x10]  }
0x3f0: {  	v6 =	vld [tilespmem:s21+$0x20]  }
0x3f1: {  	v7 =	vld [tilespmem:s21+$0x30]  }
0x3f2: {  	v9 =	vld [tilespmem:s21+$0x40]  }
0x3f3: {  	v11 =	vld [tilespmem:s21+$0x50]  }
0x3f4: {  	v13 =	vld [tilespmem:s21+$0x60]  }
0x3f5: {  	v18 =	vld [tilespmem:s21+$0x70]  }
0x3f6: {  	v14 =	vld [tilespmem:s21+$0xFFFFFF80]  }
0x3f7: {  	v15 =	vld [tilespmem:s21+$0xFFFFFF90]  }
0x3f8: {  	v16 =	vld [tilespmem:s21+$0xFFFFFFA0]  }
0x3f9: {  	v17 =	vld [tilespmem:s21+$0xFFFFFFB0]  }
0x3fa: {  	v19 =	vld [tilespmem:s21+$0xFFFFFFC0]  }
0x3fb: {  	v20 =	vld [tilespmem:s21+$0xFFFFFFD0]  }
0x3fc: {  	v21 =	vld [tilespmem:s21+$0xFFFFFFE0]  }
0x3fd: {  	v22 =	vld [tilespmem:s21+$0xFFFFFFF0]  }
0x3fe: {  	v5 =	vld.idx.msk [tilespmem:v3+s5+$0x0], $0xffff  }
0x3ff: {  	v8 =	vld.idx.msk [tilespmem:v4+s5+$0x0], $0xffff  }
0x400: {  	v6 =	vld.idx.msk [tilespmem:v6+s5+$0x0], $0xffff  }
0x401: {  	v12 =	vld.idx.msk [tilespmem:v7+s5+$0x0], $0xffff  }
0x402: {  	v10 =	vld.idx.msk [tilespmem:v9+s5+$0x0], $0xffff  }
0x403: {  	v11 =	vld.idx.msk [tilespmem:v11+s5+$0x0], $0xffff  }
0x404: {  	v3 =	vld.idx.msk [tilespmem:v14+s5+$0x0], $0xffff  }
0x405: {  	v4 =	vld.idx.msk [tilespmem:v15+s5+$0x0], $0xffff  }
0x406: {  	v7 =	vld.idx.msk [tilespmem:v16+s5+$0x0], $0xffff  }
0x407: {  	v23 =	vld.idx.msk [tilespmem:v17+s5+$0x0], $0xffff  }
0x408: {  	v14 =	vld.idx.msk [tilespmem:v19+s5+$0x0], $0xffff  }
0x409: {  	v16 =	vld.idx.msk [tilespmem:v20+s5+$0x0], $0xffff  }
0x40a: {  	v2 =	vimm.f32 $0.0e+00;
	v15 =	vld.idx.msk [tilespmem:v21+s5+$0x0], $0xffff  }
0x40b: {  	v17 =	vld.idx.msk [tilespmem:v22+s5+$0x0], $0xffff;
	v9 =	vadd.f32 v3, v2;
	v19 =	vadd.f32 v4, v2  }
0x40c: {  	v13 =	vld.idx.msk [tilespmem:v13+s5+$0x0], $0xffff;
	v20 =	vadd.f32 v7, v2;
	v21 =	vadd.f32 v23, v2  }
0x40d: {  	s7 =	simm.s32 $0x1A880;
	s6 =	simm.s32 $0x0;
	v18 =	vld.idx.msk [tilespmem:v18+s5+$0x0], $0xffff;
	v3 =	vimm.f32 $0.0e+00;
	v4 =	vimm.f32 $0.0e+00;
	v7 =	vimm.f32 $0.0e+00  }
.LBB2_14:
0x40e: {  	v22 =	vld [tilespmem:s7+$0x0];
	v9 =	vadd.f32 v5, v9;
	v19 =	vadd.f32 v8, v19  }
0x40f: {  	v8 =	vld [tilespmem:s7+$0x10];
	v20 =	vadd.f32 v6, v20;
	v21 =	vadd.f32 v12, v21  }
0x410: {  	v2 =	vadd.f32 v14, v2;
	v3 =	vadd.f32 v16, v3;
	v6 =	vld [tilespmem:s7+$0x20]  }
0x411: {  	v4 =	vadd.f32 v15, v4;
	v5 =	vadd.f32 v17, v7;
	v12 =	vld [tilespmem:s7+$0x30]  }
0x412: {  	v2 =	vadd.f32 v10, v2;
	v3 =	vadd.f32 v11, v3;
	v14 =	vld [tilespmem:s7+$0x40]  }
0x413: {  	v4 =	vadd.f32 v13, v4;
	v7 =	vadd.f32 v18, v5;
	v11 =	vld [tilespmem:s7+$0x50]  }
0x414: {  	v13 =	vld [tilespmem:s7+$0x60]  }
0x415: {  	v18 =	vld [tilespmem:s7+$0x70]  }
0x416: {  	v15 =	vld [tilespmem:s7+$0xFFFFFF80]  }
0x417: {  	v16 =	vld [tilespmem:s7+$0xFFFFFF90]  }
0x418: {  	v17 =	vld [tilespmem:s7+$0xFFFFFFA0]  }
0x419: {  	v23 =	vld [tilespmem:s7+$0xFFFFFFB0]  }
0x41a: {  	v24 =	vld [tilespmem:s7+$0xFFFFFFC0]  }
0x41b: {  	v25 =	vld [tilespmem:s7+$0xFFFFFFD0]  }
0x41c: {  	v26 =	vld [tilespmem:s7+$0xFFFFFFE0]  }
0x41d: {  	v27 =	vld [tilespmem:s7+$0xFFFFFFF0]  }
0x41e: {  	v5 =	vld.idx.msk [tilespmem:v22+s5+$0x0], $0xffff  }
0x41f: {  	v8 =	vld.idx.msk [tilespmem:v8+s5+$0x0], $0xffff  }
0x420: {  	v6 =	vld.idx.msk [tilespmem:v6+s5+$0x0], $0xffff  }
0x421: {  	v12 =	vld.idx.msk [tilespmem:v12+s5+$0x0], $0xffff  }
0x422: {  	v10 =	vld.idx.msk [tilespmem:v14+s5+$0x0], $0xffff  }
0x423: {  	s6 =	sadd.s32 $0x2, s6;
	v11 =	vld.idx.msk [tilespmem:v11+s5+$0x0], $0xffff  }
0x424: {  	p0 =	slt.u32 s6, $0x62;
	v22 =	vld.idx.msk [tilespmem:v15+s5+$0x0], $0xffff  }
0x425: {  	v28 =	vld.idx.msk [tilespmem:v16+s5+$0x0], $0xffff  }
0x426: {  	v29 =	vld.idx.msk [tilespmem:v17+s5+$0x0], $0xffff  }
0x427: {  	v23 =	vld.idx.msk [tilespmem:v23+s5+$0x0], $0xffff  }
0x428: {  	v14 =	vld.idx.msk [tilespmem:v24+s5+$0x0], $0xffff  }
.Ltmp6:
0x429: {  	v16 =	vld.idx.msk [tilespmem:v25+s5+$0x0], $0xffff;
	(pc) =	sbr.rel @p0 .LBB2_14-.Ltmp6, $4  }
0x42a: {  	v15 =	vld.idx.msk [tilespmem:v26+s5+$0x0], $0xffff  }
0x42b: {  	v17 =	vld.idx.msk [tilespmem:v27+s5+$0x0], $0xffff  }
0x42c: {  	v9 =	vadd.f32 v22, v9;
	v19 =	vadd.f32 v28, v19;
	v13 =	vld.idx.msk [tilespmem:v13+s5+$0x0], $0xffff  }
0x42d: {  	s7 =	sadd.s32 $0x100, s7;
	v20 =	vadd.f32 v29, v20;
	v21 =	vadd.f32 v23, v21;
	v18 =	vld.idx.msk [tilespmem:v18+s5+$0x0], $0xffff  }
0x42e: {  	_ =	swait.ge [sflag:s9], $0x80  }
0x42f: {  	[sflag:s9] =	ssyncset.done $0x0  }
0x430: {  	[sflag:s9] =	ssyncadd.s32 $0xFFFFFF80  }
0x431: {  	_ =	swait.ge [sflag:s9], $0x80  }
0x432: {  	[sflag:s9] =	ssyncset.done $0x0  }
0x433: {  	[sflag:s9] =	ssyncadd.s32 $0xFFFFFF80  }
0x434: {  	_ =	swait.ge [sflag:s9], $0x80  }
0x435: {  	[sflag:s9] =	ssyncset.done $0x0  }
0x436: {  	[sflag:s9] =	ssyncadd.s32 $0xFFFFFF80  }
0x437: {  	_ =	swait.ge [sflag:s9], $0x80  }
0x438: {  	[sflag:s9] =	ssyncset.done $0x0  }
0x439: {  	[sflag:s9] =	ssyncadd.s32 $0xFFFFFF80  }
0x43a: {  	_ =	swait.ge [sflag:s9], $0x80  }
0x43b: {  	[sflag:s9] =	ssyncset.done $0x0  }
0x43c: {  	[sflag:s9] =	ssyncadd.s32 $0xFFFFFF80  }
0x43d: {  	_ =	swait.ge [sflag:s9], $0x80  }
0x43e: {  	[sflag:s9] =	ssyncset.done $0x0  }
0x43f: {  	[sflag:s9] =	ssyncadd.s32 $0xFFFFFF80  }
0x440: {  	_ =	swait.ge [sflag:s9], $0x80  }
0x441: {  	[sflag:s9] =	ssyncset.done $0x0  }
0x442: {  	[sflag:s9] =	ssyncadd.s32 $0xFFFFFF80  }
0x443: {  	_ =	swait.ge [sflag:s9], $0x80  }
0x444: {  	[sflag:s9] =	ssyncset.done $0x0  }
0x445: {  	[sflag:s9] =	ssyncadd.s32 $0xFFFFFF80  }
0x446: {  	_ =	swait.ge [sflag:s9], $0x80  }
0x447: {  	[sflag:s9] =	ssyncset.done $0x0  }
0x448: {  	[sflag:s9] =	ssyncadd.s32 $0xFFFFFF80  }
0x449: {  	_ =	swait.ge [sflag:s9], $0x80  }
0x44a: {  	[sflag:s9] =	ssyncset.done $0x0  }
0x44b: {  	[sflag:s9] =	ssyncadd.s32 $0xFFFFFF80  }
0x44c: {  	_ =	swait.ge [sflag:s9], $0x80  }
0x44d: {  	[sflag:s9] =	ssyncset.done $0x0  }
0x44e: {  	[sflag:s9] =	ssyncadd.s32 $0xFFFFFF80  }
0x44f: {  	_ =	swait.ge [sflag:s9], $0x80  }
0x450: {  	[sflag:s9] =	ssyncset.done $0x0  }
0x451: {  	[sflag:s9] =	ssyncadd.s32 $0xFFFFFF80  }
0x452: {  	_ =	swait.ge [sflag:s9], $0x80  }
0x453: {  	[sflag:s9] =	ssyncset.done $0x0  }
0x454: {  	[sflag:s9] =	ssyncadd.s32 $0xFFFFFF80  }
0x455: {  	_ =	swait.ge [sflag:s9], $0x80  }
0x456: {  	[sflag:s9] =	ssyncset.done $0x0  }
0x457: {  	[sflag:s9] =	ssyncadd.s32 $0xFFFFFF80  }
0x458: {  	_ =	swait.ge [sflag:s9], $0x80  }
0x459: {  	[sflag:s9] =	ssyncset.done $0x0  }
0x45a: {  	[sflag:s9] =	ssyncadd.s32 $0xFFFFFF80  }
0x45b: {  	_ =	swait.ge [sflag:s9], $0x80  }
0x45c: {  	[sflag:s9] =	ssyncset.done $0x0  }
0x45d: {  	[sflag:s9] =	ssyncadd.s32 $0xFFFFFF80  }
0x45e: {  	_ =	swait.ge [sflag:s9], $0x80  }
0x45f: {  	[sflag:s9] =	ssyncset.done $0x0  }
0x460: {  	[sflag:s9] =	ssyncadd.s32 $0xFFFFFF80  }
0x461: {  	_ =	swait.ge [sflag:s9], $0x80  }
0x462: {  	[sflag:s9] =	ssyncset.done $0x0  }
0x463: {  	[sflag:s9] =	ssyncadd.s32 $0xFFFFFF80  }
0x464: {  	_ =	swait.ge [sflag:s9], $0x80  }
0x465: {  	[sflag:s9] =	ssyncset.done $0x0  }
0x466: {  	[sflag:s9] =	ssyncadd.s32 $0xFFFFFF80  }
0x467: {  	_ =	swait.ge [sflag:s9], $0x80  }
0x468: {  	[sflag:s9] =	ssyncset.done $0x0  }
0x469: {  	[sflag:s9] =	ssyncadd.s32 $0xFFFFFF80  }
0x46a: {  	_ =	swait.ge [sflag:s9], $0x80  }
0x46b: {  	[sflag:s9] =	ssyncset.done $0x0  }
0x46c: {  	[sflag:s9] =	ssyncadd.s32 $0xFFFFFF80  }
0x46d: {  	_ =	swait.ge [sflag:s9], $0x80  }
0x46e: {  	[sflag:s9] =	ssyncset.done $0x0  }
0x46f: {  	[sflag:s9] =	ssyncadd.s32 $0xFFFFFF80  }
0x470: {  	_ =	swait.ge [sflag:s9], $0x80  }
0x471: {  	[sflag:s9] =	ssyncset.done $0x0  }
0x472: {  	[sflag:s9] =	ssyncadd.s32 $0xFFFFFF80  }
0x473: {  	_ =	swait.ge [sflag:s9], $0x80  }
0x474: {  	[sflag:s9] =	ssyncset.done $0x0  }
0x475: {  	[sflag:s9] =	ssyncadd.s32 $0xFFFFFF80  }
0x476: {  	_ =	swait.ge [sflag:s9], $0x80  }
0x477: {  	[sflag:s9] =	ssyncset.done $0x0  }
0x478: {  	[sflag:s9] =	ssyncadd.s32 $0xFFFFFF80  }
0x479: {  	_ =	swait.ge [sflag:s9], $0x80  }
0x47a: {  	v2 =	vadd.f32 v14, v2;
	[sflag:s9] =	ssyncset.done $0x0  }
0x47b: {  	v9 =	vadd.f32 v5, v9;
	s20 =	simm.s32 $0x0;
	v5 =	vadd.f32 v12, v21;
	[sflag:s9] =	ssyncadd.s32 $0xFFFFFF80  }
0x47c: {  	v12 =	vadd.f32 v15, v4;
	v4 =	vadd.f32 v10, v2;
	v10 =	vld [tilespmem:s20+$0x1E870]  }
0x47d: {  	v14 =	vld [tilespmem:s20+$0x1E800]  }
0x47e: {  	v7 =	vadd.f32 v17, v7;
	v15 =	vld [tilespmem:s20+$0x1E810]  }
0x47f: {  	v3 =	vadd.f32 v16, v3;
	v2 =	vadd.f32 v13, v12;
	v13 =	vld [tilespmem:s20+$0x1E820]  }
0x480: {  	v7 =	vadd.f32 v18, v7;
	v12 =	vld [tilespmem:s20+$0x1E830]  }
0x481: {  	v8 =	vadd.f32 v8, v19;
	v3 =	vadd.f32 v11, v3;
	v11 =	vld [tilespmem:s20+$0x1E840]  }
0x482: {  	v6 =	vadd.f32 v6, v20;
	v7 =	vadd.f32 v10, v7;
	v10 =	vld [tilespmem:s20+$0x1E850]  }
0x483: {  	s6 =	simm.s32 $0x80;
	s7 =	simm.s32 $0x400;
	v14 =	vadd.f32 v14, v9;
	v9 =	vadd.f32 v15, v8;
	v8 =	vld [tilespmem:s20+$0x1E860]  }
.LBB2_16:
0x484: {  	p0 =	sne.s32 s7, $0x3200;
	v15 =	vld [tilespmem:s6+$0x1E870];
	v6 =	vadd.f32 v13, v6  }
0x485: {  	v16 =	vld [tilespmem:s6+$0x1E800];
	v5 =	vadd.f32 v12, v5  }
0x486: {  	v17 =	vld [tilespmem:s6+$0x1E810];
	v4 =	vadd.f32 v11, v4  }
.Ltmp7:
0x487: {  	v13 =	vld [tilespmem:s6+$0x1E820];
	v3 =	vadd.f32 v10, v3;
	(pc) =	sbr.rel @p0 .LBB2_16-.Ltmp7, $4  }
0x488: {  	v12 =	vld [tilespmem:s6+$0x1E830];
	v2 =	vadd.f32 v8, v2  }
0x489: {  	v11 =	vld [tilespmem:s6+$0x1E840];
	v7 =	vadd.f32 v15, v7  }
0x48a: {  	v14 =	vadd.f32 v16, v14;
	v10 =	vld [tilespmem:s6+$0x1E850]  }
0x48b: {  	v9 =	vadd.f32 v17, v9;
	v8 =	vld [tilespmem:s6+$0x1E860];
	s6 =	sshra.s32 s7, $0x2;
	s7 =	sadd.s32 $0x200, s7  }
0x48c: {  	v15 =	vld [tilespmem:s6+$0x1E800];
	_ =	sdelay $0x1  }
0x48d: {  	v16 =	vld [tilespmem:$0x1F700];
	_ =	sdelay $0x2  }
0x48e: {  	v14 =	vadd.f32 v15, v14;
	_ =	sdelay $0x1  }
0x48f: {  	v14 =	vadd.f32 v16, v14;
	_ =	sdelay $0x1  }
0x490: {  	v14 =	vsub.f32 $0.0e+00, v14;
	_ =	sdelay $0x1  }
0x491: {  	v14 =	vmul.f32 $1.442695020e+00, v14;
	_ =	sdelay $0x1  }
0x492: {  	v44 =	vld [tilespmem:s6+$0x1E810];
	(erf) = vpow2.f32 v14;
	_ =	sdelay $0x4  }
0x493: {  	v9 =	vadd.f32 v44, v9;
	_ =	sdelay $0x1  }
0x494: {  	v9 =	vadd.f32 v16, v9;
	_ =	sdelay $0x1  }
0x495: {  	v9 =	vsub.f32 $0.0e+00, v9;
	v45 =	vpop (erf)  }
0x496: {  	v14 =	vadd.f32 $1.000000000e+00, v45  }
0x497: {  	v9 =	vmul.f32 $1.442695020e+00, v9  }
0x498: {  	(erf) = vrcp.f32 v14  }
0x499: {  	v46 =	vld [tilespmem:s6+$0x1E820];
	(erf) = vpow2.f32 v9;
	_ =	sdelay $0x2  }
0x49a: {  	v6 =	vadd.f32 v13, v6;
	_ =	sdelay $0x1  }
0x49b: {  	v6 =	vadd.f32 v46, v6;
	_ =	sdelay $0x1  }
0x49c: {  	v6 =	vadd.f32 v16, v6  }
0x49d: {  	v47 =	vpop (erf)  }
0x49e: {  	v6 =	vsub.f32 $0.0e+00, v6;
	v48 =	vpop (erf)  }
0x49f: {  	v13 =	vadd.f32 $1.000000000e+00, v48  }
0x4a0: {  	v6 =	vmul.f32 $1.442695020e+00, v6  }
0x4a1: {  	(erf) = vrcp.f32 v13  }
0x4a2: {  	v49 =	vld [tilespmem:s6+$0x1E830];
	(erf) = vpow2.f32 v6;
	_ =	sdelay $0x2  }
0x4a3: {  	v5 =	vadd.f32 v12, v5;
	_ =	sdelay $0x1  }
0x4a4: {  	v5 =	vadd.f32 v49, v5;
	_ =	sdelay $0x1  }
0x4a5: {  	v5 =	vadd.f32 v16, v5  }
0x4a6: {  	v50 =	vpop (erf)  }
0x4a7: {  	v5 =	vsub.f32 $0.0e+00, v5;
	v51 =	vpop (erf)  }
0x4a8: {  	v12 =	vadd.f32 $1.000000000e+00, v51  }
0x4a9: {  	v5 =	vmul.f32 $1.442695020e+00, v5  }
0x4aa: {  	(erf) = vrcp.f32 v12  }
0x4ab: {  	v52 =	vld [tilespmem:s6+$0x1E840];
	(erf) = vpow2.f32 v5;
	_ =	sdelay $0x2  }
0x4ac: {  	v4 =	vadd.f32 v11, v4;
	_ =	sdelay $0x1  }
0x4ad: {  	v4 =	vadd.f32 v52, v4;
	_ =	sdelay $0x1  }
0x4ae: {  	v4 =	vadd.f32 v16, v4  }
0x4af: {  	v53 =	vpop (erf)  }
0x4b0: {  	v4 =	vsub.f32 $0.0e+00, v4;
	v54 =	vpop (erf)  }
0x4b1: {  	v11 =	vadd.f32 $1.000000000e+00, v54  }
0x4b2: {  	v4 =	vmul.f32 $1.442695020e+00, v4  }
0x4b3: {  	(erf) = vrcp.f32 v11  }
0x4b4: {  	v55 =	vld [tilespmem:s6+$0x1E850];
	(erf) = vpow2.f32 v4;
	_ =	sdelay $0x2  }
0x4b5: {  	v3 =	vadd.f32 v10, v3;
	_ =	sdelay $0x1  }
0x4b6: {  	v3 =	vadd.f32 v55, v3;
	_ =	sdelay $0x1  }
0x4b7: {  	v3 =	vadd.f32 v16, v3  }
0x4b8: {  	v56 =	vpop (erf)  }
0x4b9: {  	v3 =	vsub.f32 $0.0e+00, v3;
	v57 =	vpop (erf)  }
0x4ba: {  	v10 =	vadd.f32 $1.000000000e+00, v57  }
0x4bb: {  	v3 =	vmul.f32 $1.442695020e+00, v3  }
0x4bc: {  	(erf) = vrcp.f32 v10  }
0x4bd: {  	v58 =	vld [tilespmem:s6+$0x1E860];
	(erf) = vpow2.f32 v3;
	_ =	sdelay $0x2  }
0x4be: {  	v2 =	vadd.f32 v8, v2;
	_ =	sdelay $0x1  }
0x4bf: {  	v2 =	vadd.f32 v58, v2;
	_ =	sdelay $0x1  }
0x4c0: {  	v2 =	vadd.f32 v16, v2  }
0x4c1: {  	v3 =	vpop (erf)  }
0x4c2: {  	v2 =	vsub.f32 $0.0e+00, v2;
	v59 =	vpop (erf)  }
0x4c3: {  	v8 =	vadd.f32 $1.000000000e+00, v59  }
0x4c4: {  	v2 =	vmul.f32 $1.442695020e+00, v2  }
0x4c5: {  	(erf) = vrcp.f32 v8  }
0x4c6: {  	v60 =	vld [tilespmem:s6+$0x1E870];
	(erf) = vpow2.f32 v2;
	_ =	sdelay $0x4  }
0x4c7: {  	v2 =	vadd.f32 v60, v7;
	_ =	sdelay $0x1  }
0x4c8: {  	v2 =	vadd.f32 v16, v2  }
0x4c9: {  	v61 =	vpop (erf)  }
0x4ca: {  	v2 =	vsub.f32 $0.0e+00, v2;
	v62 =	vpop (erf)  }
0x4cb: {  	v8 =	vadd.f32 $1.000000000e+00, v62  }
0x4cc: {  	v2 =	vmul.f32 $1.442695020e+00, v2  }
0x4cd: {  	(erf) = vrcp.f32 v8  }
0x4ce: {  	(erf) = vpow2.f32 v2;
	_ =	sdelay $0x7  }
0x4cf: {  	v2 =	vpop (erf)  }
0x4d0: {  	v63 =	vpop (erf)  }
0x4d1: {  	v8 =	vadd.f32 $1.000000000e+00, v63;
	_ =	sdelay $0x1  }
0x4d2: {  	(erf) = vrcp.f32 v8;
	_ =	sdelay $0x2  }
0x4d3: {  	[tilespmem:$0x1F680] =	vst v47  }
0x4d4: {  	[tilespmem:$0x1F690] =	vst v50  }
0x4d5: {  	[tilespmem:$0x1F6A0] =	vst v53  }
0x4d6: {  	[tilespmem:$0x1F6B0] =	vst v56  }
0x4d7: {  	[tilespmem:$0x1F6C0] =	vst v3  }
0x4d8: {  	[tilespmem:$0x1F6D0] =	vst v61  }
0x4d9: {  	[tilespmem:$0x1F6E0] =	vst v2;
	v2 =	vpop (erf)  }
0x4da: {  	s20 =	rddreg [dreg:$0xb];
	s7 =	simm.s32 $0x1F500;
	[tilespmem:$0x1F6F0] =	vst v2  }
0x4db: {  	[hbm4b:s20+s5] =	stream.linear.scatter [tilespmem:s7], [sflag:$0x5], $0x200, $0x38;
	[tilespmem:$0x1F800] =	vst v63  }
0x4dc: {  	_ =	swait.ge [sflag:s30], $0x200  }
0x4dd: {  	s16 =	sadd.s32 $0x1, s16;
	s21 =	rddreg [dreg:$0xc]  }
0x4de: {  	p0 =	sne.s32 s16, s21  }
.Ltmp8:
0x4df: {  	_ = 	snop;
	(pc) =	sbr.rel @p0 .LBB2_1-.Ltmp8, $3  }
0x4e0: {  	_ =	sdelay $0x1  }
0x4e1: {  	[sflag:s30] =	ssyncset.done $0x0  }
0x4e2: {  	[sflag:s30] =	ssyncadd.s32 $0xFFFFFE00  }
0x4e3: {  	_ =	sfence.sel $0x180000  }
0x4e4: {  	[bflag:$0x0] =	sbarrier.arrive $0xFFFF  }
0x4e5: {  	_ =	strace $0x90000047  }
0x4e6: {  	s0 =	stileid.u32;
	[bflag:$0x2] =	sbarrier.arrive $0xFFFF  }
0x4e7: {  	p0 =	sne.s32 s0, $0x0;
	s0 =	rddreg [dreg:$0x6]  }
0x4e8: {  	s0 =	sadd.s32 @!p0 $0x100000, s0  }
0x4e9: {  	[sflag:s0] =	ssyncadd.tile.s32 @!p0 $0x1;
	_ =	shalt  }
.Lfunc_end2:
_tile_overlayer_lowered:
.L_overlay_start_2:
0x4ea: {  	(tag) =	ssettag $0x2  }
0x4eb: {  	s0 =	rddreg [dreg:$0x0];
	s2 =	stileid.u32  }
0x4ec: {  	s1 =	rddreg [dreg:$0x1];
	p0 =	sne.s32 s2, $0x0  }
0x4ed: {  	s3 =	rddreg [dreg:$0x2];
	[bflag:$0x3] =	sbarrier.arrive $0xFFFF;
	s2 =	simm.s32 @!p0 $0x1C05  }
0x4ee: {  	[timem:s3], [sflag:s2] =	dma.local @!p0 [hbm:s0], s1  }
0x4ef: {  	s0 =	simm.s32 @!p0 $0x5  }
0x4f0: {  	_ =	swait.ge @!p0 [sflag:s0], s1  }
0x4f1: {  	s1 =	ssub.s32 @!p0 $0x0, s1;
	[sflag:s0] =	ssyncset.done @!p0 $0x0  }
0x4f2: {  	[sflag:s0] =	ssyncadd.s32 @!p0 s1  }
0x4f3: {  	[bflag:$0x3] =	sbarrier.arrive $0xFFFF  }
0x4f4: {  	_ =	shalt  }

</sc_bundles>
